<compile_context>
chip_gen: v7x
topology: tpu7x:2x2x1
jax: 0.10.2.dev20260603
libtpu: 0.0.44.dev20260713+nightly
codegen_flags: <defaults>
</compile_context>

<pallas_src>
import functools

import jax
import jax.numpy as jnp
from jax import lax
from jax.experimental import pallas as pl
from jax.experimental.pallas import tpu as pltpu
from jax.experimental.pallas import tpu_sc as plsc

NC = 2
NS = 16
L = 16
EPS = 1e-5


def _sc_degree(col, n):
    e = col.shape[0]
    nw = NC * NS
    ec = e // nw
    mesh = plsc.VectorSubcoreMesh(
        core_axis_name="c", subcore_axis_name="s", num_cores=NC, num_subcores=NS
    )

    @functools.partial(
        pl.kernel,
        mesh=mesh,
        out_type=jax.ShapeDtypeStruct((nw * n,), jnp.float32),
        scratch_types=[
            pltpu.VMEM((ec,), jnp.int32),
            pltpu.VMEM((n,), jnp.float32),
        ],
        compiler_params=pltpu.CompilerParams(needs_layout_passes=False),
    )
    def k(col_hbm, deg_hbm, colv, degv):
        wid = lax.axis_index("s") * NC + lax.axis_index("c")
        pltpu.sync_copy(col_hbm.at[pl.ds(wid * ec, ec)], colv)

        def zbody(i, carry):
            degv[pl.ds(i * L, L)] = jnp.zeros((L,), jnp.float32)
            return carry

        lax.fori_loop(0, n // L, zbody, 0, unroll=4)

        ones = jnp.ones((L,), jnp.float32)

        def cbody(i, carry):
            idx = colv[pl.ds(i * L, L)]
            plsc.addupdate_scatter(degv, [idx], ones)
            return carry

        lax.fori_loop(0, ec // L, cbody, 0, unroll=4)
        pltpu.sync_copy(degv, deg_hbm.at[pl.ds(wid * n, n)])

    return k(col).reshape(nw, n)


def _sc_aggregate(u, row, col, n):
    e = row.shape[0]
    c_dim = u.shape[1]
    ec = e // (NC * NS)
    K = 80
    nchunk = ec // K
    NBUF = 4
    ngrp = nchunk // NBUF
    assert nchunk % NBUF == 1 and (ngrp - 1) % 2 == 0
    npair = (ngrp - 1) // 2
    rpt = 632
    last = n - rpt * (NS - 1)
    mesh = plsc.VectorSubcoreMesh(
        core_axis_name="c", subcore_axis_name="s", num_cores=NC, num_subcores=NS
    )

    nci = nchunk + 3
    idx3 = jnp.zeros((NC * NS, nci, 2, K), jnp.int32)
    idx3 = idx3.at[:, :nchunk].set(
        jnp.stack(
            [row.reshape(NC * NS, nchunk, K), col.reshape(NC * NS, nchunk, K)],
            axis=2,
        )
    )

    @functools.partial(
        pl.kernel,
        mesh=mesh,
        out_type=jax.ShapeDtypeStruct((NC, n, c_dim), jnp.float32),
        scratch_types=[
            pltpu.VMEM((2, NBUF, 2, K), jnp.int32),
            pltpu.VMEM((NBUF, K, c_dim), jnp.float32),
            pltpu.VMEM_SHARED((n, c_dim), jnp.float32),
            pltpu.SemaphoreType.DMA,
            pltpu.SemaphoreType.DMA,
            pltpu.SemaphoreType.DMA,
        ],
        compiler_params=pltpu.CompilerParams(needs_layout_passes=False),
    )
    def k(u_hbm, idx_hbm, out_hbm, idxv, gbuf, acc, gsem, ssem, isem):
        cid = lax.axis_index("c")
        sid = lax.axis_index("s")
        wid = cid * NS + sid

        pltpu.async_copy(idx_hbm.at[wid, pl.ds(0, NBUF)], idxv.at[0], isem)
        pltpu.async_copy(idx_hbm.at[wid, pl.ds(NBUF, NBUF)], idxv.at[1], isem)

        def wait_idx(p):
            pltpu.make_async_copy(
                idx_hbm.at[wid, pl.ds(0, NBUF)], idxv.at[p], isem
            ).wait()

        nvec = c_dim // L

        def zbody(i, carry):
            r = i // nvec
            col0 = (i % nvec) * L
            gbuf[0, r, pl.ds(col0, L)] = jnp.zeros((L,), jnp.float32)
            return carry

        lax.fori_loop(0, K * nvec, zbody, 0, unroll=4)
        base_r = sid * rpt

        @pl.when(sid < NS - 1)
        def _():
            zcps = [
                pltpu.async_copy(
                    gbuf.at[0], acc.at[pl.ds(base_r + m * K, K)], ssem
                )
                for m in range(rpt // K)
            ]
            rem = rpt % K
            zcps.append(
                pltpu.async_copy(
                    gbuf.at[0, pl.ds(0, rem)],
                    acc.at[pl.ds(base_r + (rpt // K) * K, rem)],
                    ssem,
                )
            )
            for z in zcps:
                z.wait()

        @pl.when(sid == NS - 1)
        def _():
            zcps = [
                pltpu.async_copy(
                    gbuf.at[0], acc.at[pl.ds(base_r + m * K, K)], ssem
                )
                for m in range(last // K)
            ]
            rem = last % K
            zcps.append(
                pltpu.async_copy(
                    gbuf.at[0, pl.ds(0, rem)],
                    acc.at[pl.ds(base_r + (last // K) * K, rem)],
                    ssem,
                )
            )
            for z in zcps:
                z.wait()

        plsc.subcore_barrier()

        def run_group(p, nb):
            cps = [
                pltpu.async_copy(u_hbm.at[idxv.at[p, b, 0]], gbuf.at[b], gsem)
                for b in range(nb)
            ]
            scps = []
            for b in range(nb):
                cps[b].wait()
                scps.append(
                    pltpu.async_copy(gbuf.at[b], acc.at[idxv.at[p, b, 1]], ssem, add=True)
                )
            for s in scps:
                s.wait()

        def pair(h, carry):
            for p in range(2):
                g = 2 * h + p
                wait_idx(p)
                run_group(p, NBUF)
                pltpu.async_copy(
                    idx_hbm.at[wid, pl.ds((g + 2) * NBUF, NBUF)], idxv.at[p], isem
                )
            return carry

        lax.fori_loop(0, npair, pair, 0)
        wait_idx(0)
        run_group(0, NBUF)
        wait_idx(1)
        run_group(1, 1)
        plsc.subcore_barrier()

        @pl.when(sid < NS - 1)
        def _():
            pltpu.sync_copy(
                acc.at[pl.ds(sid * rpt, rpt)], out_hbm.at[cid, pl.ds(sid * rpt, rpt)]
            )

        @pl.when(sid == NS - 1)
        def _():
            pltpu.sync_copy(
                acc.at[pl.ds((NS - 1) * rpt, last)],
                out_hbm.at[cid, pl.ds((NS - 1) * rpt, last)],
            )

    return k(u, idx3)


def _tc_prep(deg_part, h):
    n, c_dim = h.shape

    nw = deg_part.shape[0]

    def k(dp_ref, h_ref, u_ref, dinv_ref):
        ones = jnp.ones((nw, 1), jnp.float32)
        deg = 1.0 + lax.dot_general(
            dp_ref[...], ones, (((0,), (0,)), ((), ())),
            preferred_element_type=jnp.float32,
        )
        dinv = lax.rsqrt(deg)
        u_ref[...] = h_ref[...] * dinv
        dinv_ref[...] = dinv

    return pl.pallas_call(
        k,
        out_shape=[
            jax.ShapeDtypeStruct((n, c_dim), jnp.float32),
            jax.ShapeDtypeStruct((n, 1), jnp.float32),
        ],
    )(deg_part, h)


def _tc_finale(agg, x, dinv, W, b, gamma, beta):
    n, c_dim = x.shape
    c_out = W.shape[1]
    blk = 5000
    nblk = n // blk
    inv_n = 1.0 / n

    def k(agg_ref, x_ref, dinv_ref, w_ref, b_ref, g_ref, bt_ref, o_ref, ybuf, st_ref):
        p = pl.program_id(0)
        i = pl.program_id(1)

        @pl.when(p == 0)
        def _():
            dv = dinv_ref[...]
            pre = (agg_ref[0] + agg_ref[1]) * dv + x_ref[...] * (dv * dv)
            y = (
                jnp.dot(pre, w_ref[...], preferred_element_type=jnp.float32)
                + b_ref[...]
            )
            ybuf[pl.ds(i * blk, blk), :] = y

            @pl.when(i == 0)
            def _():
                st_ref[...] = jnp.zeros_like(st_ref)

            st_ref[0:1, :] += jnp.sum(y, axis=0, keepdims=True)
            st_ref[1:2, :] += jnp.sum(y * y, axis=0, keepdims=True)

        @pl.when(p == 1)
        def _():
            mean = st_ref[0:1, :] * inv_n
            var = st_ref[1:2, :] * inv_n - mean * mean
            scale = lax.rsqrt(var + EPS) * g_ref[...]
            y = ybuf[pl.ds(i * blk, blk), :]
            o_ref[...] = jnp.maximum((y - mean) * scale + bt_ref[...], 0.0)

    return pl.pallas_call(
        k,
        grid=(2, nblk),
        in_specs=[
            pl.BlockSpec((2, blk, c_dim), lambda p, i: (0, i * (1 - p), 0)),
            pl.BlockSpec((blk, c_dim), lambda p, i: (i * (1 - p), 0)),
            pl.BlockSpec((blk, 1), lambda p, i: (i * (1 - p), 0)),
            pl.BlockSpec((c_dim, c_out), lambda p, i: (0, 0)),
            pl.BlockSpec((1, c_out), lambda p, i: (0, 0)),
            pl.BlockSpec((1, c_out), lambda p, i: (0, 0)),
            pl.BlockSpec((1, c_out), lambda p, i: (0, 0)),
        ],
        out_specs=pl.BlockSpec((blk, c_out), lambda p, i: (i * p, 0)),
        out_shape=jax.ShapeDtypeStruct((n, c_out), jnp.float32),
        scratch_shapes=[
            pltpu.VMEM((n, c_out), jnp.float32),
            pltpu.VMEM((2, c_out), jnp.float32),
        ],
    )(agg, x, dinv, W, b, gamma, beta)


def kernel(x, edge_index, W, b, gamma, beta):
    n = x.shape[0]
    row = edge_index[0]
    col = edge_index[1]
    deg_part = _sc_degree(col, n)
    u, dinv = _tc_prep(deg_part, x)
    agg = _sc_aggregate(u, row, col, n)
    return _tc_finale(
        agg, x, dinv, W, b.reshape(1, -1), gamma.reshape(1, -1), beta.reshape(1, -1)
    )

# --- scband reference (transcript-rebuilt; emitter-appended) ---
"""Pipeline reference for scband-gnnlayer-87368224735831 (READ-ONLY COPY).

The authoritative reference and input builder live on the scoring server;
editing this copy changes nothing except your own understanding.
"""

import jax, jax.numpy as jnp
import numpy as np

N = 10000
E = 320000
IN_C = 128
OUT_C = 128
EPS = 1e-5

def setup_inputs(seed: int = 0) -> dict:
    key = jax.random.key(seed)
    k1, k2, k3 = jax.random.split(key, 3)
    x = jax.random.normal(k1, (N, IN_C), dtype=jnp.float32)
    edge_index = jax.random.randint(k2, (2, E), 0, N, dtype=jnp.int32)
    # GCNConv linear weight (stored as [in, out] for x @ W) + bias
    W = jax.random.normal(k3, (IN_C, OUT_C), dtype=jnp.float32) * (1.0 / np.sqrt(IN_C))
    b = jnp.zeros((OUT_C,), dtype=jnp.float32)
    # BatchNorm1d affine params
    gamma = jnp.ones((OUT_C,), dtype=jnp.float32)
    beta = jnp.zeros((OUT_C,), dtype=jnp.float32)
    return {"x": x, "edge_index": edge_index, "W": W, "b": b, "gamma": gamma, "beta": beta}

def reference(x, edge_index, W, b, gamma, beta):
    n = x.shape[0]
    # GCNConv with add_self_loops=True, normalize=True
    loops = jnp.arange(n, dtype=edge_index.dtype)
    row = jnp.concatenate([edge_index[0], loops])  # source
    col = jnp.concatenate([edge_index[1], loops])  # target
    ones = jnp.ones(row.shape[0], dtype=x.dtype)
    deg = jax.ops.segment_sum(ones, col, num_segments=n)
    deg_inv_sqrt = jnp.where(deg > 0, jax.lax.rsqrt(jnp.maximum(deg, 1e-12)), 0.0)
    norm = deg_inv_sqrt[row] * deg_inv_sqrt[col]
    h = x @ W  # linear transform
    msg = h[row] * norm[:, None]  # gather + scale
    out = jax.ops.segment_sum(msg, col, num_segments=n)  # scatter-add aggregate
    out = out + b
    # BatchNorm1d (training mode: batch statistics, biased variance)
    mean = jnp.mean(out, axis=0)
    var = jnp.var(out, axis=0)
    out = (out - mean) * jax.lax.rsqrt(var + EPS) * gamma + beta
    # ReLU; Dropout is identity in deterministic reference (eval semantics)
    out = jax.nn.relu(out)
    return out

if __name__ == "__main__":
    import jax
    _d = setup_inputs()
    print(jax.jit(kernel)(*tuple(_d.values())))

</pallas_src>

<mosaic_0001>
#map = affine_map<(d0, d1) -> (0)>
module attributes {stable_mosaic.version = 14 : i64} {
  func.func @k(%arg0: i32, %arg1: i32, %arg2: memref<320000xi32, #tpu.memory_space<hbm>>, %arg3: memref<320000xf32, #tpu.memory_space<hbm>>, %arg4: memref<10000xi32, #tpu.memory_space<vmem>>, %arg5: memref<10000xf32, #tpu.memory_space<vmem>>) attributes {dimension_semantics = [#tpu.dimension_semantics<core_parallel>, #tpu.dimension_semantics<subcore_parallel>], iteration_bounds = array<i64: 2, 16>, scalar_prefetch = 0 : i64, scratch_operands = 2 : i64, tpu.core_type = #tpu.core_type<sc_vector_subcore>, window_params = [{transform_indices = #map}, {transform_indices = #map}]} {
    %mul3A = arith.constant 2 : i32
    %mul3A_0 = arith.muli %arg1, %mul3A : i32
    %add3A = arith.addi %mul3A_0, %arg0 : i32
    %mul3A_1 = arith.constant 10000 : i32
    %mul3A_2 = arith.muli %add3A, %mul3A_1 : i32
    "tpu.region"() ({
      %run_scoped3A = tpu.sem_alloc : memref<!tpu.dma_semaphore, #tpu.memory_space<semaphore_mem>>
      %dma_start3A = tpu.memref_slice %arg2[%mul3A_2] : memref<320000xi32, #tpu.memory_space<hbm>> -> memref<10000xi32, #tpu.memory_space<hbm>>
      %dma_start3A_29 = tpu.memref_slice %arg2[%mul3A_2] : memref<320000xi32, #tpu.memory_space<hbm>> -> memref<10000xi32, #tpu.memory_space<hbm>>
      tpu.enqueue_dma source(%dma_start3A_29 : memref<10000xi32, #tpu.memory_space<hbm>>) target(%arg4 : memref<10000xi32, #tpu.memory_space<vmem>>) target_semaphore(%run_scoped3A : memref<!tpu.dma_semaphore, #tpu.memory_space<semaphore_mem>>)
      %dma_wait3A = tpu.memref_slice %arg2[%mul3A_2] : memref<320000xi32, #tpu.memory_space<hbm>> -> memref<10000xi32, #tpu.memory_space<hbm>>
      %dma_wait3A_30 = tpu.memref_slice %arg2[%mul3A_2] : memref<320000xi32, #tpu.memory_space<hbm>> -> memref<10000xi32, #tpu.memory_space<hbm>>
      tpu.wait_dma2 semaphore(%run_scoped3A : memref<!tpu.dma_semaphore, #tpu.memory_space<semaphore_mem>>) src(%dma_wait3A_30 : memref<10000xi32, #tpu.memory_space<hbm>>) dst(%arg4 : memref<10000xi32, #tpu.memory_space<vmem>>)
      tpu.yield
    }) : () -> ()
    %scan3A = arith.constant 0 : i32
    %scan3A_3 = arith.constant 0 : i32
    %scan3A_4 = arith.constant 624 : i32
    %scan3A_5 = arith.addi %scan3A_3, %scan3A_4 : i32
    %scan3A_6 = arith.constant 4 : i32
    scf.for %scan3A_29 = %scan3A_3 to %scan3A_5 step %scan3A_6  : i32 {
      %broadcast_in_dim3A_30 = arith.constant 0.000000e+00 : f32
      %broadcast_in_dim3A_31 = vector.broadcast %broadcast_in_dim3A_30 : f32 to vector<16xf32>
      %mul3A_32 = arith.constant 16 : i32
      %mul3A_33 = arith.muli %scan3A_29, %mul3A_32 : i32
      %swap3A_34 = arith.index_cast %mul3A_33 : i32 to index
      %swap3A_35 = tpu.vector_load %arg5[%swap3A_34] {strides = array<i32>} : memref<10000xf32, #tpu.memory_space<vmem>>, vector<16xf32>,
      tpu.vector_store %arg5[%swap3A_34], %broadcast_in_dim3A_31 {strides = array<i32>} : memref<10000xf32, #tpu.memory_space<vmem>>, vector<16xf32>,
      %scan3A_36 = arith.constant 1 : i32
      %scan3A_37 = arith.addi %scan3A_29, %scan3A_36 : i32
      %broadcast_in_dim3A_38 = arith.constant 0.000000e+00 : f32
      %broadcast_in_dim3A_39 = vector.broadcast %broadcast_in_dim3A_38 : f32 to vector<16xf32>
      %mul3A_40 = arith.constant 16 : i32
      %mul3A_41 = arith.muli %scan3A_37, %mul3A_40 : i32
      %swap3A_42 = arith.index_cast %mul3A_41 : i32 to index
      %swap3A_43 = tpu.vector_load %arg5[%swap3A_42] {strides = array<i32>} : memref<10000xf32, #tpu.memory_space<vmem>>, vector<16xf32>,
      tpu.vector_store %arg5[%swap3A_42], %broadcast_in_dim3A_39 {strides = array<i32>} : memref<10000xf32, #tpu.memory_space<vmem>>, vector<16xf32>,
      %scan3A_44 = arith.constant 2 : i32
      %scan3A_45 = arith.addi %scan3A_29, %scan3A_44 : i32
      %broadcast_in_dim3A_46 = arith.constant 0.000000e+00 : f32
      %broadcast_in_dim3A_47 = vector.broadcast %broadcast_in_dim3A_46 : f32 to vector<16xf32>
      %mul3A_48 = arith.constant 16 : i32
      %mul3A_49 = arith.muli %scan3A_45, %mul3A_48 : i32
      %swap3A_50 = arith.index_cast %mul3A_49 : i32 to index
      %swap3A_51 = tpu.vector_load %arg5[%swap3A_50] {strides = array<i32>} : memref<10000xf32, #tpu.memory_space<vmem>>, vector<16xf32>,
      tpu.vector_store %arg5[%swap3A_50], %broadcast_in_dim3A_47 {strides = array<i32>} : memref<10000xf32, #tpu.memory_space<vmem>>, vector<16xf32>,
      %scan3A_52 = arith.constant 3 : i32
      %scan3A_53 = arith.addi %scan3A_29, %scan3A_52 : i32
      %broadcast_in_dim3A_54 = arith.constant 0.000000e+00 : f32
      %broadcast_in_dim3A_55 = vector.broadcast %broadcast_in_dim3A_54 : f32 to vector<16xf32>
      %mul3A_56 = arith.constant 16 : i32
      %mul3A_57 = arith.muli %scan3A_53, %mul3A_56 : i32
      %swap3A_58 = arith.index_cast %mul3A_57 : i32 to index
      %swap3A_59 = tpu.vector_load %arg5[%swap3A_58] {strides = array<i32>} : memref<10000xf32, #tpu.memory_space<vmem>>, vector<16xf32>,
      tpu.vector_store %arg5[%swap3A_58], %broadcast_in_dim3A_55 {strides = array<i32>} : memref<10000xf32, #tpu.memory_space<vmem>>, vector<16xf32>,
    }
    %scan3A_7 = arith.constant 624 : i32
    %scan3A_8 = arith.addi %scan3A_3, %scan3A_7 : i32
    %broadcast_in_dim3A = arith.constant 0.000000e+00 : f32
    %broadcast_in_dim3A_9 = vector.broadcast %broadcast_in_dim3A : f32 to vector<16xf32>
    %mul3A_10 = arith.constant 16 : i32
    %mul3A_11 = arith.muli %scan3A_8, %mul3A_10 : i32
    %swap3A = arith.index_cast %mul3A_11 : i32 to index
    %swap3A_12 = tpu.vector_load %arg5[%swap3A] {strides = array<i32>} : memref<10000xf32, #tpu.memory_space<vmem>>, vector<16xf32>,
    tpu.vector_store %arg5[%swap3A], %broadcast_in_dim3A_9 {strides = array<i32>} : memref<10000xf32, #tpu.memory_space<vmem>>, vector<16xf32>,
    %scan3A_13 = arith.constant 625 : i32
    %broadcast_in_dim3A_14 = arith.constant 1.000000e+00 : f32
    %broadcast_in_dim3A_15 = vector.broadcast %broadcast_in_dim3A_14 : f32 to vector<16xf32>
    %scan3A_16 = arith.constant 0 : i32
    %scan3A_17 = arith.constant 0 : i32
    %scan3A_18 = arith.constant 624 : i32
    %scan3A_19 = arith.addi %scan3A_17, %scan3A_18 : i32
    %scan3A_20 = arith.constant 4 : i32
    scf.for %scan3A_29 = %scan3A_17 to %scan3A_19 step %scan3A_20  : i32 {
      %mul3A_30 = arith.constant 16 : i32
      %mul3A_31 = arith.muli %scan3A_29, %mul3A_30 : i32
      %get3A_32 = arith.index_cast %mul3A_31 : i32 to index
      %get3A_33 = tpu.vector_load %arg4[%get3A_32] {strides = array<i32>} : memref<10000xi32, #tpu.memory_space<vmem>>, vector<16xi32>,
      tpu.vector_store_idx %arg5[%get3A_33], %broadcast_in_dim3A_15 {add = true} : memref<10000xf32, #tpu.memory_space<vmem>>[vector<16xi32>], vector<16xf32>,
      %scan3A_34 = arith.constant 1 : i32
      %scan3A_35 = arith.addi %scan3A_29, %scan3A_34 : i32
      %mul3A_36 = arith.constant 16 : i32
      %mul3A_37 = arith.muli %scan3A_35, %mul3A_36 : i32
      %get3A_38 = arith.index_cast %mul3A_37 : i32 to index
      %get3A_39 = tpu.vector_load %arg4[%get3A_38] {strides = array<i32>} : memref<10000xi32, #tpu.memory_space<vmem>>, vector<16xi32>,
      tpu.vector_store_idx %arg5[%get3A_39], %broadcast_in_dim3A_15 {add = true} : memref<10000xf32, #tpu.memory_space<vmem>>[vector<16xi32>], vector<16xf32>,
      %scan3A_40 = arith.constant 2 : i32
      %scan3A_41 = arith.addi %scan3A_29, %scan3A_40 : i32
      %mul3A_42 = arith.constant 16 : i32
      %mul3A_43 = arith.muli %scan3A_41, %mul3A_42 : i32
      %get3A_44 = arith.index_cast %mul3A_43 : i32 to index
      %get3A_45 = tpu.vector_load %arg4[%get3A_44] {strides = array<i32>} : memref<10000xi32, #tpu.memory_space<vmem>>, vector<16xi32>,
      tpu.vector_store_idx %arg5[%get3A_45], %broadcast_in_dim3A_15 {add = true} : memref<10000xf32, #tpu.memory_space<vmem>>[vector<16xi32>], vector<16xf32>,
      %scan3A_46 = arith.constant 3 : i32
      %scan3A_47 = arith.addi %scan3A_29, %scan3A_46 : i32
      %mul3A_48 = arith.constant 16 : i32
      %mul3A_49 = arith.muli %scan3A_47, %mul3A_48 : i32
      %get3A_50 = arith.index_cast %mul3A_49 : i32 to index
      %get3A_51 = tpu.vector_load %arg4[%get3A_50] {strides = array<i32>} : memref<10000xi32, #tpu.memory_space<vmem>>, vector<16xi32>,
      tpu.vector_store_idx %arg5[%get3A_51], %broadcast_in_dim3A_15 {add = true} : memref<10000xf32, #tpu.memory_space<vmem>>[vector<16xi32>], vector<16xf32>,
    }
    %scan3A_21 = arith.constant 624 : i32
    %scan3A_22 = arith.addi %scan3A_17, %scan3A_21 : i32
    %mul3A_23 = arith.constant 16 : i32
    %mul3A_24 = arith.muli %scan3A_22, %mul3A_23 : i32
    %get3A = arith.index_cast %mul3A_24 : i32 to index
    %get3A_25 = tpu.vector_load %arg4[%get3A] {strides = array<i32>} : memref<10000xi32, #tpu.memory_space<vmem>>, vector<16xi32>,
    tpu.vector_store_idx %arg5[%get3A_25], %broadcast_in_dim3A_15 {add = true} : memref<10000xf32, #tpu.memory_space<vmem>>[vector<16xi32>], vector<16xf32>,
    %scan3A_26 = arith.constant 625 : i32
    %mul3A_27 = arith.constant 10000 : i32
    %mul3A_28 = arith.muli %add3A, %mul3A_27 : i32
    "tpu.region"() ({
      %run_scoped3A = tpu.sem_alloc : memref<!tpu.dma_semaphore, #tpu.memory_space<semaphore_mem>>
      %dma_start3A = tpu.memref_slice %arg3[%mul3A_28] : memref<320000xf32, #tpu.memory_space<hbm>> -> memref<10000xf32, #tpu.memory_space<hbm>>
      %dma_start3A_29 = tpu.memref_slice %arg3[%mul3A_28] : memref<320000xf32, #tpu.memory_space<hbm>> -> memref<10000xf32, #tpu.memory_space<hbm>>
      tpu.enqueue_dma source(%arg5 : memref<10000xf32, #tpu.memory_space<vmem>>) target(%dma_start3A_29 : memref<10000xf32, #tpu.memory_space<hbm>>) target_semaphore(%run_scoped3A : memref<!tpu.dma_semaphore, #tpu.memory_space<semaphore_mem>>)
      %dma_wait3A = tpu.memref_slice %arg3[%mul3A_28] : memref<320000xf32, #tpu.memory_space<hbm>> -> memref<10000xf32, #tpu.memory_space<hbm>>
      %dma_wait3A_30 = tpu.memref_slice %arg3[%mul3A_28] : memref<320000xf32, #tpu.memory_space<hbm>> -> memref<10000xf32, #tpu.memory_space<hbm>>
      tpu.wait_dma2 semaphore(%run_scoped3A : memref<!tpu.dma_semaphore, #tpu.memory_space<semaphore_mem>>) src(%arg5 : memref<10000xf32, #tpu.memory_space<vmem>>) dst(%dma_wait3A_30 : memref<10000xf32, #tpu.memory_space<hbm>>)
      tpu.yield
    }) : () -> ()
    return
  }
}

#map = affine_map<(d0, d1) -> (0, 0)>
#map1 = affine_map<(d0, d1) -> (0, 0, 0, 0)>
#map2 = affine_map<(d0, d1) -> (0, 0, 0)>
module attributes {stable_mosaic.version = 14 : i64} {
  func.func @k(%arg0: i32, %arg1: i32, %arg2: memref<10000x128xf32, #tpu.memory_space<hbm>>, %arg3: memref<32x128x2x80xi32, #tpu.memory_space<hbm>>, %arg4: memref<2x10000x128xf32, #tpu.memory_space<hbm>>, %arg5: memref<2x4x2x80xi32, #tpu.memory_space<vmem>>, %arg6: memref<4x80x128xf32, #tpu.memory_space<vmem>>, %arg7: memref<10000x128xf32, #tpu.memory_space<vmem_shared>>, %arg8: memref<!tpu.dma_semaphore, #tpu.memory_space<semaphore_mem>>, %arg9: memref<!tpu.dma_semaphore, #tpu.memory_space<semaphore_mem>>, %arg10: memref<!tpu.dma_semaphore, #tpu.memory_space<semaphore_mem>>) attributes {dimension_semantics = [#tpu.dimension_semantics<core_parallel>, #tpu.dimension_semantics<subcore_parallel>], iteration_bounds = array<i64: 2, 16>, scalar_prefetch = 0 : i64, scratch_operands = 6 : i64, tpu.core_type = #tpu.core_type<sc_vector_subcore>, window_params = [{transform_indices = #map}, {transform_indices = #map1}, {transform_indices = #map2}]} {
    %mul3A = arith.constant 16 : i32
    %mul3A_0 = arith.muli %arg0, %mul3A : i32
    %add3A = arith.addi %mul3A_0, %arg1 : i32
    %dma_start3A = arith.constant 0 : i32
    %dma_start3A_1 = arith.constant 0 : i32
    %dma_start3A_2 = arith.constant 0 : i32
    %dma_start3A_3 = arith.constant 0 : i32
    %dma_start3A_4 = tpu.memref_slice %arg5[%dma_start3A, %dma_start3A_1, %dma_start3A_2, %dma_start3A_3] : memref<2x4x2x80xi32, #tpu.memory_space<vmem>> -> memref<1x4x2x80xi32, #tpu.memory_space<vmem>>
    %dma_start3A_5 = tpu.memref_squeeze %dma_start3A_4 : memref<1x4x2x80xi32, #tpu.memory_space<vmem>> -> memref<4x2x80xi32, #tpu.memory_space<vmem>>
    %dma_start3A_6 = arith.constant 0 : i32
    %dma_start3A_7 = arith.constant 0 : i32
    %dma_start3A_8 = arith.constant 0 : i32
    %dma_start3A_9 = tpu.memref_slice %arg3[%add3A, %dma_start3A_6, %dma_start3A_7, %dma_start3A_8] : memref<32x128x2x80xi32, #tpu.memory_space<hbm>> -> memref<1x4x2x80xi32, #tpu.memory_space<hbm>>
    %dma_start3A_10 = tpu.memref_squeeze %dma_start3A_9 : memref<1x4x2x80xi32, #tpu.memory_space<hbm>> -> memref<4x2x80xi32, #tpu.memory_space<hbm>>
    %dma_start3A_11 = arith.constant 0 : i32
    %dma_start3A_12 = arith.constant 0 : i32
    %dma_start3A_13 = arith.constant 0 : i32
    %dma_start3A_14 = tpu.memref_slice %arg5[%dma_start3A, %dma_start3A_11, %dma_start3A_12, %dma_start3A_13] : memref<2x4x2x80xi32, #tpu.memory_space<vmem>> -> memref<1x4x2x80xi32, #tpu.memory_space<vmem>>
    %dma_start3A_15 = tpu.memref_squeeze %dma_start3A_14 : memref<1x4x2x80xi32, #tpu.memory_space<vmem>> -> memref<4x2x80xi32, #tpu.memory_space<vmem>>
    %dma_start3A_16 = arith.constant 0 : i32
    %dma_start3A_17 = arith.constant 0 : i32
    %dma_start3A_18 = arith.constant 0 : i32
    %dma_start3A_19 = tpu.memref_slice %arg3[%add3A, %dma_start3A_16, %dma_start3A_17, %dma_start3A_18] : memref<32x128x2x80xi32, #tpu.memory_space<hbm>> -> memref<1x4x2x80xi32, #tpu.memory_space<hbm>>
    %dma_start3A_20 = tpu.memref_squeeze %dma_start3A_19 : memref<1x4x2x80xi32, #tpu.memory_space<hbm>> -> memref<4x2x80xi32, #tpu.memory_space<hbm>>
    tpu.enqueue_dma source(%dma_start3A_20 : memref<4x2x80xi32, #tpu.memory_space<hbm>>) target(%dma_start3A_15 : memref<4x2x80xi32, #tpu.memory_space<vmem>>) target_semaphore(%arg10 : memref<!tpu.dma_semaphore, #tpu.memory_space<semaphore_mem>>)
    %dma_start3A_21 = arith.constant 1 : i32
    %dma_start3A_22 = arith.constant 0 : i32
    %dma_start3A_23 = arith.constant 0 : i32
    %dma_start3A_24 = arith.constant 0 : i32
    %dma_start3A_25 = tpu.memref_slice %arg5[%dma_start3A_21, %dma_start3A_22, %dma_start3A_23, %dma_start3A_24] : memref<2x4x2x80xi32, #tpu.memory_space<vmem>> -> memref<1x4x2x80xi32, #tpu.memory_space<vmem>>
    %dma_start3A_26 = tpu.memref_squeeze %dma_start3A_25 : memref<1x4x2x80xi32, #tpu.memory_space<vmem>> -> memref<4x2x80xi32, #tpu.memory_space<vmem>>
    %dma_start3A_27 = arith.constant 4 : i32
    %dma_start3A_28 = arith.constant 0 : i32
    %dma_start3A_29 = arith.constant 0 : i32
    %dma_start3A_30 = tpu.memref_slice %arg3[%add3A, %dma_start3A_27, %dma_start3A_28, %dma_start3A_29] : memref<32x128x2x80xi32, #tpu.memory_space<hbm>> -> memref<1x4x2x80xi32, #tpu.memory_space<hbm>>
    %dma_start3A_31 = tpu.memref_squeeze %dma_start3A_30 : memref<1x4x2x80xi32, #tpu.memory_space<hbm>> -> memref<4x2x80xi32, #tpu.memory_space<hbm>>
    %dma_start3A_32 = arith.constant 0 : i32
    %dma_start3A_33 = arith.constant 0 : i32
    %dma_start3A_34 = arith.constant 0 : i32
    %dma_start3A_35 = tpu.memref_slice %arg5[%dma_start3A_21, %dma_start3A_32, %dma_start3A_33, %dma_start3A_34] : memref<2x4x2x80xi32, #tpu.memory_space<vmem>> -> memref<1x4x2x80xi32, #tpu.memory_space<vmem>>
    %dma_start3A_36 = tpu.memref_squeeze %dma_start3A_35 : memref<1x4x2x80xi32, #tpu.memory_space<vmem>> -> memref<4x2x80xi32, #tpu.memory_space<vmem>>
    %dma_start3A_37 = arith.constant 4 : i32
    %dma_start3A_38 = arith.constant 0 : i32
    %dma_start3A_39 = arith.constant 0 : i32
    %dma_start3A_40 = tpu.memref_slice %arg3[%add3A, %dma_start3A_37, %dma_start3A_38, %dma_start3A_39] : memref<32x128x2x80xi32, #tpu.memory_space<hbm>> -> memref<1x4x2x80xi32, #tpu.memory_space<hbm>>
    %dma_start3A_41 = tpu.memref_squeeze %dma_start3A_40 : memref<1x4x2x80xi32, #tpu.memory_space<hbm>> -> memref<4x2x80xi32, #tpu.memory_space<hbm>>
    tpu.enqueue_dma source(%dma_start3A_41 : memref<4x2x80xi32, #tpu.memory_space<hbm>>) target(%dma_start3A_36 : memref<4x2x80xi32, #tpu.memory_space<vmem>>) target_semaphore(%arg10 : memref<!tpu.dma_semaphore, #tpu.memory_space<semaphore_mem>>)
    %scan3A = arith.constant 0 : i32
    %scan3A_42 = arith.constant 0 : i32
    %scan3A_43 = arith.constant 640 : i32
    %scan3A_44 = arith.addi %scan3A_42, %scan3A_43 : i32
    %scan3A_45 = arith.constant 4 : i32
    scf.for %scan3A_393 = %scan3A_42 to %scan3A_44 step %scan3A_45  : i32 {
      %jit3A = arith.constant 8 : i32
      %div3A = arith.divsi %scan3A_393, %jit3A : i32
      %sign3A = arith.constant 0 : i32
      %sign3A_394 = arith.cmpi sgt, %scan3A_393, %sign3A : i32
      %sign3A_395 = arith.extui %sign3A_394 : i1 to i32
      %sign3A_396 = arith.constant 0 : i32
      %sign3A_397 = arith.cmpi slt, %scan3A_393, %sign3A_396 : i32
      %sign3A_398 = arith.extui %sign3A_397 : i1 to i32
      %sign3A_399 = arith.subi %sign3A_395, %sign3A_398 : i32
      %sign3A_400 = arith.constant 0 : i32
      %sign3A_401 = arith.cmpi sgt, %jit3A, %sign3A_400 : i32
      %sign3A_402 = arith.extui %sign3A_401 : i1 to i32
      %sign3A_403 = arith.constant 0 : i32
      %sign3A_404 = arith.cmpi slt, %jit3A, %sign3A_403 : i32
      %sign3A_405 = arith.extui %sign3A_404 : i1 to i32
      %sign3A_406 = arith.subi %sign3A_402, %sign3A_405 : i32
      %ne3A = arith.cmpi ne, %sign3A_399, %sign3A_406 : i32
      %rem3A = arith.remsi %scan3A_393, %jit3A : i32
      %ne3A_407 = arith.constant 0 : i32
      %ne3A_408 = arith.cmpi ne, %rem3A, %ne3A_407 : i32
      %and3A = arith.andi %ne3A, %ne3A_408 : i1
      %sub3A = arith.constant 1 : i32
      %sub3A_409 = arith.subi %div3A, %sub3A : i32
      %select_n3A = arith.select %and3A, %sub3A_409, %div3A : i32
      %jit3A_410 = arith.constant 8 : i32
      %eq3A_411 = arith.constant 0 : i32
      %eq3A_412 = arith.cmpi eq, %jit3A_410, %eq3A_411 : i32
      %jit3A_413 = arith.constant 1 : i32
      %select_n3A_414 = arith.select %eq3A_412, %jit3A_413, %jit3A_410 : i32
      %rem3A_415 = arith.remsi %scan3A_393, %select_n3A_414 : i32
      %ne3A_416 = arith.constant 0 : i32
      %ne3A_417 = arith.cmpi ne, %rem3A_415, %ne3A_416 : i32
      %lt3A_418 = arith.constant 0 : i32
      %lt3A_419 = arith.cmpi slt, %rem3A_415, %lt3A_418 : i32
      %lt3A_420 = arith.constant 0 : i32
      %lt3A_421 = arith.cmpi slt, %select_n3A_414, %lt3A_420 : i32
      %ne3A_422 = arith.xori %lt3A_419, %lt3A_421 : i1
      %and3A_423 = arith.andi %ne3A_422, %ne3A_417 : i1
      %add3A_424 = arith.addi %rem3A_415, %select_n3A_414 : i32
      %select_n3A_425 = arith.select %and3A_423, %add3A_424, %rem3A_415 : i32
      %mul3A_426 = arith.constant 16 : i32
      %mul3A_427 = arith.muli %select_n3A_425, %mul3A_426 : i32
      %broadcast_in_dim3A = arith.constant 0.000000e+00 : f32
      %broadcast_in_dim3A_428 = vector.broadcast %broadcast_in_dim3A : f32 to vector<16xf32>
      %swap3A = arith.constant 0 : i32
      %swap3A_429 = arith.index_cast %swap3A : i32 to index
      %swap3A_430 = arith.index_cast %select_n3A : i32 to index
      %swap3A_431 = arith.index_cast %mul3A_427 : i32 to index
      %swap3A_432 = tpu.vector_load %arg6[%swap3A_429, %swap3A_430, %swap3A_431] {strides = array<i32>} : memref<4x80x128xf32, #tpu.memory_space<vmem>>, vector<16xf32>,
      tpu.vector_store %arg6[%swap3A_429, %swap3A_430, %swap3A_431], %broadcast_in_dim3A_428 {strides = array<i32>} : memref<4x80x128xf32, #tpu.memory_space<vmem>>, vector<16xf32>,
      %scan3A_433 = arith.constant 1 : i32
      %scan3A_434 = arith.addi %scan3A_393, %scan3A_433 : i32
      %jit3A_435 = arith.constant 8 : i32
      %div3A_436 = arith.divsi %scan3A_434, %jit3A_435 : i32
      %sign3A_437 = arith.constant 0 : i32
      %sign3A_438 = arith.cmpi sgt, %scan3A_434, %sign3A_437 : i32
      %sign3A_439 = arith.extui %sign3A_438 : i1 to i32
      %sign3A_440 = arith.constant 0 : i32
      %sign3A_441 = arith.cmpi slt, %scan3A_434, %sign3A_440 : i32
      %sign3A_442 = arith.extui %sign3A_441 : i1 to i32
      %sign3A_443 = arith.subi %sign3A_439, %sign3A_442 : i32
      %sign3A_444 = arith.constant 0 : i32
      %sign3A_445 = arith.cmpi sgt, %jit3A_435, %sign3A_444 : i32
      %sign3A_446 = arith.extui %sign3A_445 : i1 to i32
      %sign3A_447 = arith.constant 0 : i32
      %sign3A_448 = arith.cmpi slt, %jit3A_435, %sign3A_447 : i32
      %sign3A_449 = arith.extui %sign3A_448 : i1 to i32
      %sign3A_450 = arith.subi %sign3A_446, %sign3A_449 : i32
      %ne3A_451 = arith.cmpi ne, %sign3A_443, %sign3A_450 : i32
      %rem3A_452 = arith.remsi %scan3A_434, %jit3A_435 : i32
      %ne3A_453 = arith.constant 0 : i32
      %ne3A_454 = arith.cmpi ne, %rem3A_452, %ne3A_453 : i32
      %and3A_455 = arith.andi %ne3A_451, %ne3A_454 : i1
      %sub3A_456 = arith.constant 1 : i32
      %sub3A_457 = arith.subi %div3A_436, %sub3A_456 : i32
      %select_n3A_458 = arith.select %and3A_455, %sub3A_457, %div3A_436 : i32
      %jit3A_459 = arith.constant 8 : i32
      %eq3A_460 = arith.constant 0 : i32
      %eq3A_461 = arith.cmpi eq, %jit3A_459, %eq3A_460 : i32
      %jit3A_462 = arith.constant 1 : i32
      %select_n3A_463 = arith.select %eq3A_461, %jit3A_462, %jit3A_459 : i32
      %rem3A_464 = arith.remsi %scan3A_434, %select_n3A_463 : i32
      %ne3A_465 = arith.constant 0 : i32
      %ne3A_466 = arith.cmpi ne, %rem3A_464, %ne3A_465 : i32
      %lt3A_467 = arith.constant 0 : i32
      %lt3A_468 = arith.cmpi slt, %rem3A_464, %lt3A_467 : i32
      %lt3A_469 = arith.constant 0 : i32
      %lt3A_470 = arith.cmpi slt, %select_n3A_463, %lt3A_469 : i32
      %ne3A_471 = arith.xori %lt3A_468, %lt3A_470 : i1
      %and3A_472 = arith.andi %ne3A_471, %ne3A_466 : i1
      %add3A_473 = arith.addi %rem3A_464, %select_n3A_463 : i32
      %select_n3A_474 = arith.select %and3A_472, %add3A_473, %rem3A_464 : i32
      %mul3A_475 = arith.constant 16 : i32
      %mul3A_476 = arith.muli %select_n3A_474, %mul3A_475 : i32
      %broadcast_in_dim3A_477 = arith.constant 0.000000e+00 : f32
      %broadcast_in_dim3A_478 = vector.broadcast %broadcast_in_dim3A_477 : f32 to vector<16xf32>
      %swap3A_479 = arith.constant 0 : i32
      %swap3A_480 = arith.index_cast %swap3A_479 : i32 to index
      %swap3A_481 = arith.index_cast %select_n3A_458 : i32 to index
      %swap3A_482 = arith.index_cast %mul3A_476 : i32 to index
      %swap3A_483 = tpu.vector_load %arg6[%swap3A_480, %swap3A_481, %swap3A_482] {strides = array<i32>} : memref<4x80x128xf32, #tpu.memory_space<vmem>>, vector<16xf32>,
      tpu.vector_store %arg6[%swap3A_480, %swap3A_481, %swap3A_482], %broadcast_in_dim3A_478 {strides = array<i32>} : memref<4x80x128xf32, #tpu.memory_space<vmem>>, vector<16xf32>,
      %scan3A_484 = arith.constant 2 : i32
      %scan3A_485 = arith.addi %scan3A_393, %scan3A_484 : i32
      %jit3A_486 = arith.constant 8 : i32
      %div3A_487 = arith.divsi %scan3A_485, %jit3A_486 : i32
      %sign3A_488 = arith.constant 0 : i32
      %sign3A_489 = arith.cmpi sgt, %scan3A_485, %sign3A_488 : i32
      %sign3A_490 = arith.extui %sign3A_489 : i1 to i32
      %sign3A_491 = arith.constant 0 : i32
      %sign3A_492 = arith.cmpi slt, %scan3A_485, %sign3A_491 : i32
      %sign3A_493 = arith.extui %sign3A_492 : i1 to i32
      %sign3A_494 = arith.subi %sign3A_490, %sign3A_493 : i32
      %sign3A_495 = arith.constant 0 : i32
      %sign3A_496 = arith.cmpi sgt, %jit3A_486, %sign3A_495 : i32
      %sign3A_497 = arith.extui %sign3A_496 : i1 to i32
      %sign3A_498 = arith.constant 0 : i32
      %sign3A_499 = arith.cmpi slt, %jit3A_486, %sign3A_498 : i32
      %sign3A_500 = arith.extui %sign3A_499 : i1 to i32
      %sign3A_501 = arith.subi %sign3A_497, %sign3A_500 : i32
      %ne3A_502 = arith.cmpi ne, %sign3A_494, %sign3A_501 : i32
      %rem3A_503 = arith.remsi %scan3A_485, %jit3A_486 : i32
      %ne3A_504 = arith.constant 0 : i32
      %ne3A_505 = arith.cmpi ne, %rem3A_503, %ne3A_504 : i32
      %and3A_506 = arith.andi %ne3A_502, %ne3A_505 : i1
      %sub3A_507 = arith.constant 1 : i32
      %sub3A_508 = arith.subi %div3A_487, %sub3A_507 : i32
      %select_n3A_509 = arith.select %and3A_506, %sub3A_508, %div3A_487 : i32
      %jit3A_510 = arith.constant 8 : i32
      %eq3A_511 = arith.constant 0 : i32
      %eq3A_512 = arith.cmpi eq, %jit3A_510, %eq3A_511 : i32
      %jit3A_513 = arith.constant 1 : i32
      %select_n3A_514 = arith.select %eq3A_512, %jit3A_513, %jit3A_510 : i32
      %rem3A_515 = arith.remsi %scan3A_485, %select_n3A_514 : i32
      %ne3A_516 = arith.constant 0 : i32
      %ne3A_517 = arith.cmpi ne, %rem3A_515, %ne3A_516 : i32
      %lt3A_518 = arith.constant 0 : i32
      %lt3A_519 = arith.cmpi slt, %rem3A_515, %lt3A_518 : i32
      %lt3A_520 = arith.constant 0 : i32
      %lt3A_521 = arith.cmpi slt, %select_n3A_514, %lt3A_520 : i32
      %ne3A_522 = arith.xori %lt3A_519, %lt3A_521 : i1
      %and3A_523 = arith.andi %ne3A_522, %ne3A_517 : i1
      %add3A_524 = arith.addi %rem3A_515, %select_n3A_514 : i32
      %select_n3A_525 = arith.select %and3A_523, %add3A_524, %rem3A_515 : i32
      %mul3A_526 = arith.constant 16 : i32
      %mul3A_527 = arith.muli %select_n3A_525, %mul3A_526 : i32
      %broadcast_in_dim3A_528 = arith.constant 0.000000e+00 : f32
      %broadcast_in_dim3A_529 = vector.broadcast %broadcast_in_dim3A_528 : f32 to vector<16xf32>
      %swap3A_530 = arith.constant 0 : i32
      %swap3A_531 = arith.index_cast %swap3A_530 : i32 to index
      %swap3A_532 = arith.index_cast %select_n3A_509 : i32 to index
      %swap3A_533 = arith.index_cast %mul3A_527 : i32 to index
      %swap3A_534 = tpu.vector_load %arg6[%swap3A_531, %swap3A_532, %swap3A_533] {strides = array<i32>} : memref<4x80x128xf32, #tpu.memory_space<vmem>>, vector<16xf32>,
      tpu.vector_store %arg6[%swap3A_531, %swap3A_532, %swap3A_533], %broadcast_in_dim3A_529 {strides = array<i32>} : memref<4x80x128xf32, #tpu.memory_space<vmem>>, vector<16xf32>,
      %scan3A_535 = arith.constant 3 : i32
      %scan3A_536 = arith.addi %scan3A_393, %scan3A_535 : i32
      %jit3A_537 = arith.constant 8 : i32
      %div3A_538 = arith.divsi %scan3A_536, %jit3A_537 : i32
      %sign3A_539 = arith.constant 0 : i32
      %sign3A_540 = arith.cmpi sgt, %scan3A_536, %sign3A_539 : i32
      %sign3A_541 = arith.extui %sign3A_540 : i1 to i32
      %sign3A_542 = arith.constant 0 : i32
      %sign3A_543 = arith.cmpi slt, %scan3A_536, %sign3A_542 : i32
      %sign3A_544 = arith.extui %sign3A_543 : i1 to i32
      %sign3A_545 = arith.subi %sign3A_541, %sign3A_544 : i32
      %sign3A_546 = arith.constant 0 : i32
      %sign3A_547 = arith.cmpi sgt, %jit3A_537, %sign3A_546 : i32
      %sign3A_548 = arith.extui %sign3A_547 : i1 to i32
      %sign3A_549 = arith.constant 0 : i32
      %sign3A_550 = arith.cmpi slt, %jit3A_537, %sign3A_549 : i32
      %sign3A_551 = arith.extui %sign3A_550 : i1 to i32
      %sign3A_552 = arith.subi %sign3A_548, %sign3A_551 : i32
      %ne3A_553 = arith.cmpi ne, %sign3A_545, %sign3A_552 : i32
      %rem3A_554 = arith.remsi %scan3A_536, %jit3A_537 : i32
      %ne3A_555 = arith.constant 0 : i32
      %ne3A_556 = arith.cmpi ne, %rem3A_554, %ne3A_555 : i32
      %and3A_557 = arith.andi %ne3A_553, %ne3A_556 : i1
      %sub3A_558 = arith.constant 1 : i32
      %sub3A_559 = arith.subi %div3A_538, %sub3A_558 : i32
      %select_n3A_560 = arith.select %and3A_557, %sub3A_559, %div3A_538 : i32
      %jit3A_561 = arith.constant 8 : i32
      %eq3A_562 = arith.constant 0 : i32
      %eq3A_563 = arith.cmpi eq, %jit3A_561, %eq3A_562 : i32
      %jit3A_564 = arith.constant 1 : i32
      %select_n3A_565 = arith.select %eq3A_563, %jit3A_564, %jit3A_561 : i32
      %rem3A_566 = arith.remsi %scan3A_536, %select_n3A_565 : i32
      %ne3A_567 = arith.constant 0 : i32
      %ne3A_568 = arith.cmpi ne, %rem3A_566, %ne3A_567 : i32
      %lt3A_569 = arith.constant 0 : i32
      %lt3A_570 = arith.cmpi slt, %rem3A_566, %lt3A_569 : i32
      %lt3A_571 = arith.constant 0 : i32
      %lt3A_572 = arith.cmpi slt, %select_n3A_565, %lt3A_571 : i32
      %ne3A_573 = arith.xori %lt3A_570, %lt3A_572 : i1
      %and3A_574 = arith.andi %ne3A_573, %ne3A_568 : i1
      %add3A_575 = arith.addi %rem3A_566, %select_n3A_565 : i32
      %select_n3A_576 = arith.select %and3A_574, %add3A_575, %rem3A_566 : i32
      %mul3A_577 = arith.constant 16 : i32
      %mul3A_578 = arith.muli %select_n3A_576, %mul3A_577 : i32
      %broadcast_in_dim3A_579 = arith.constant 0.000000e+00 : f32
      %broadcast_in_dim3A_580 = vector.broadcast %broadcast_in_dim3A_579 : f32 to vector<16xf32>
      %swap3A_581 = arith.constant 0 : i32
      %swap3A_582 = arith.index_cast %swap3A_581 : i32 to index
      %swap3A_583 = arith.index_cast %select_n3A_560 : i32 to index
      %swap3A_584 = arith.index_cast %mul3A_578 : i32 to index
      %swap3A_585 = tpu.vector_load %arg6[%swap3A_582, %swap3A_583, %swap3A_584] {strides = array<i32>} : memref<4x80x128xf32, #tpu.memory_space<vmem>>, vector<16xf32>,
      tpu.vector_store %arg6[%swap3A_582, %swap3A_583, %swap3A_584], %broadcast_in_dim3A_580 {strides = array<i32>} : memref<4x80x128xf32, #tpu.memory_space<vmem>>, vector<16xf32>,
    }
    %scan3A_46 = arith.constant 640 : i32
    %mul3A_47 = arith.constant 632 : i32
    %mul3A_48 = arith.muli %arg1, %mul3A_47 : i32
    %lt3A = arith.constant 15 : i32
    %lt3A_49 = arith.cmpi slt, %arg1, %lt3A : i32
    %convert_element_type3A = arith.extui %lt3A_49 : i1 to i32
    %cond3A = arith.constant 0 : i32
    %cond3A_50 = arith.cmpi ne, %convert_element_type3A, %cond3A : i32
    scf.if %cond3A_50 {
      %add3A_393 = arith.constant 0 : i32
      %add3A_394 = arith.addi %mul3A_48, %add3A_393 : i32
      %dma_start3A_395 = arith.constant 0 : i32
      %dma_start3A_396 = arith.constant 0 : i32
      %dma_start3A_397 = arith.constant 0 : i32
      %dma_start3A_398 = tpu.memref_slice %arg6[%dma_start3A_395, %dma_start3A_396, %dma_start3A_397] : memref<4x80x128xf32, #tpu.memory_space<vmem>> -> memref<1x80x128xf32, #tpu.memory_space<vmem>>
      %dma_start3A_399 = tpu.memref_squeeze %dma_start3A_398 : memref<1x80x128xf32, #tpu.memory_space<vmem>> -> memref<80x128xf32, #tpu.memory_space<vmem>>
      %dma_start3A_400 = arith.constant 0 : i32
      %dma_start3A_401 = tpu.memref_slice %arg7[%add3A_394, %dma_start3A_400] : memref<10000x128xf32, #tpu.memory_space<vmem_shared>> -> memref<80x128xf32, #tpu.memory_space<vmem_shared>>
      %dma_start3A_402 = arith.constant 0 : i32
      %dma_start3A_403 = tpu.memref_slice %arg7[%add3A_394, %dma_start3A_402] : memref<10000x128xf32, #tpu.memory_space<vmem_shared>> -> memref<80x128xf32, #tpu.memory_space<vmem_shared>>
      %dma_start3A_404 = arith.constant 0 : i32
      %dma_start3A_405 = arith.constant 0 : i32
      %dma_start3A_406 = tpu.memref_slice %arg6[%dma_start3A_395, %dma_start3A_404, %dma_start3A_405] : memref<4x80x128xf32, #tpu.memory_space<vmem>> -> memref<1x80x128xf32, #tpu.memory_space<vmem>>
      %dma_start3A_407 = tpu.memref_squeeze %dma_start3A_406 : memref<1x80x128xf32, #tpu.memory_space<vmem>> -> memref<80x128xf32, #tpu.memory_space<vmem>>
      tpu.enqueue_dma source(%dma_start3A_407 : memref<80x128xf32, #tpu.memory_space<vmem>>) target(%dma_start3A_403 : memref<80x128xf32, #tpu.memory_space<vmem_shared>>) target_semaphore(%arg9 : memref<!tpu.dma_semaphore, #tpu.memory_space<semaphore_mem>>)
      %add3A_408 = arith.constant 80 : i32
      %add3A_409 = arith.addi %mul3A_48, %add3A_408 : i32
      %dma_start3A_410 = arith.constant 0 : i32
      %dma_start3A_411 = arith.constant 0 : i32
      %dma_start3A_412 = arith.constant 0 : i32
      %dma_start3A_413 = tpu.memref_slice %arg6[%dma_start3A_410, %dma_start3A_411, %dma_start3A_412] : memref<4x80x128xf32, #tpu.memory_space<vmem>> -> memref<1x80x128xf32, #tpu.memory_space<vmem>>
      %dma_start3A_414 = tpu.memref_squeeze %dma_start3A_413 : memref<1x80x128xf32, #tpu.memory_space<vmem>> -> memref<80x128xf32, #tpu.memory_space<vmem>>
      %dma_start3A_415 = arith.constant 0 : i32
      %dma_start3A_416 = tpu.memref_slice %arg7[%add3A_409, %dma_start3A_415] : memref<10000x128xf32, #tpu.memory_space<vmem_shared>> -> memref<80x128xf32, #tpu.memory_space<vmem_shared>>
      %dma_start3A_417 = arith.constant 0 : i32
      %dma_start3A_418 = tpu.memref_slice %arg7[%add3A_409, %dma_start3A_417] : memref<10000x128xf32, #tpu.memory_space<vmem_shared>> -> memref<80x128xf32, #tpu.memory_space<vmem_shared>>
      %dma_start3A_419 = arith.constant 0 : i32
      %dma_start3A_420 = arith.constant 0 : i32
      %dma_start3A_421 = tpu.memref_slice %arg6[%dma_start3A_410, %dma_start3A_419, %dma_start3A_420] : memref<4x80x128xf32, #tpu.memory_space<vmem>> -> memref<1x80x128xf32, #tpu.memory_space<vmem>>
      %dma_start3A_422 = tpu.memref_squeeze %dma_start3A_421 : memref<1x80x128xf32, #tpu.memory_space<vmem>> -> memref<80x128xf32, #tpu.memory_space<vmem>>
      tpu.enqueue_dma source(%dma_start3A_422 : memref<80x128xf32, #tpu.memory_space<vmem>>) target(%dma_start3A_418 : memref<80x128xf32, #tpu.memory_space<vmem_shared>>) target_semaphore(%arg9 : memref<!tpu.dma_semaphore, #tpu.memory_space<semaphore_mem>>)
      %add3A_423 = arith.constant 160 : i32
      %add3A_424 = arith.addi %mul3A_48, %add3A_423 : i32
      %dma_start3A_425 = arith.constant 0 : i32
      %dma_start3A_426 = arith.constant 0 : i32
      %dma_start3A_427 = arith.constant 0 : i32
      %dma_start3A_428 = tpu.memref_slice %arg6[%dma_start3A_425, %dma_start3A_426, %dma_start3A_427] : memref<4x80x128xf32, #tpu.memory_space<vmem>> -> memref<1x80x128xf32, #tpu.memory_space<vmem>>
      %dma_start3A_429 = tpu.memref_squeeze %dma_start3A_428 : memref<1x80x128xf32, #tpu.memory_space<vmem>> -> memref<80x128xf32, #tpu.memory_space<vmem>>
      %dma_start3A_430 = arith.constant 0 : i32
      %dma_start3A_431 = tpu.memref_slice %arg7[%add3A_424, %dma_start3A_430] : memref<10000x128xf32, #tpu.memory_space<vmem_shared>> -> memref<80x128xf32, #tpu.memory_space<vmem_shared>>
      %dma_start3A_432 = arith.constant 0 : i32
      %dma_start3A_433 = tpu.memref_slice %arg7[%add3A_424, %dma_start3A_432] : memref<10000x128xf32, #tpu.memory_space<vmem_shared>> -> memref<80x128xf32, #tpu.memory_space<vmem_shared>>
      %dma_start3A_434 = arith.constant 0 : i32
      %dma_start3A_435 = arith.constant 0 : i32
      %dma_start3A_436 = tpu.memref_slice %arg6[%dma_start3A_425, %dma_start3A_434, %dma_start3A_435] : memref<4x80x128xf32, #tpu.memory_space<vmem>> -> memref<1x80x128xf32, #tpu.memory_space<vmem>>
      %dma_start3A_437 = tpu.memref_squeeze %dma_start3A_436 : memref<1x80x128xf32, #tpu.memory_space<vmem>> -> memref<80x128xf32, #tpu.memory_space<vmem>>
      tpu.enqueue_dma source(%dma_start3A_437 : memref<80x128xf32, #tpu.memory_space<vmem>>) target(%dma_start3A_433 : memref<80x128xf32, #tpu.memory_space<vmem_shared>>) target_semaphore(%arg9 : memref<!tpu.dma_semaphore, #tpu.memory_space<semaphore_mem>>)
      %add3A_438 = arith.constant 240 : i32
      %add3A_439 = arith.addi %mul3A_48, %add3A_438 : i32
      %dma_start3A_440 = arith.constant 0 : i32
      %dma_start3A_441 = arith.constant 0 : i32
      %dma_start3A_442 = arith.constant 0 : i32
      %dma_start3A_443 = tpu.memref_slice %arg6[%dma_start3A_440, %dma_start3A_441, %dma_start3A_442] : memref<4x80x128xf32, #tpu.memory_space<vmem>> -> memref<1x80x128xf32, #tpu.memory_space<vmem>>
      %dma_start3A_444 = tpu.memref_squeeze %dma_start3A_443 : memref<1x80x128xf32, #tpu.memory_space<vmem>> -> memref<80x128xf32, #tpu.memory_space<vmem>>
      %dma_start3A_445 = arith.constant 0 : i32
      %dma_start3A_446 = tpu.memref_slice %arg7[%add3A_439, %dma_start3A_445] : memref<10000x128xf32, #tpu.memory_space<vmem_shared>> -> memref<80x128xf32, #tpu.memory_space<vmem_shared>>
      %dma_start3A_447 = arith.constant 0 : i32
      %dma_start3A_448 = tpu.memref_slice %arg7[%add3A_439, %dma_start3A_447] : memref<10000x128xf32, #tpu.memory_space<vmem_shared>> -> memref<80x128xf32, #tpu.memory_space<vmem_shared>>
      %dma_start3A_449 = arith.constant 0 : i32
      %dma_start3A_450 = arith.constant 0 : i32
      %dma_start3A_451 = tpu.memref_slice %arg6[%dma_start3A_440, %dma_start3A_449, %dma_start3A_450] : memref<4x80x128xf32, #tpu.memory_space<vmem>> -> memref<1x80x128xf32, #tpu.memory_space<vmem>>
      %dma_start3A_452 = tpu.memref_squeeze %dma_start3A_451 : memref<1x80x128xf32, #tpu.memory_space<vmem>> -> memref<80x128xf32, #tpu.memory_space<vmem>>
      tpu.enqueue_dma source(%dma_start3A_452 : memref<80x128xf32, #tpu.memory_space<vmem>>) target(%dma_start3A_448 : memref<80x128xf32, #tpu.memory_space<vmem_shared>>) target_semaphore(%arg9 : memref<!tpu.dma_semaphore, #tpu.memory_space<semaphore_mem>>)
      %add3A_453 = arith.constant 320 : i32
      %add3A_454 = arith.addi %mul3A_48, %add3A_453 : i32
      %dma_start3A_455 = arith.constant 0 : i32
      %dma_start3A_456 = arith.constant 0 : i32
      %dma_start3A_457 = arith.constant 0 : i32
      %dma_start3A_458 = tpu.memref_slice %arg6[%dma_start3A_455, %dma_start3A_456, %dma_start3A_457] : memref<4x80x128xf32, #tpu.memory_space<vmem>> -> memref<1x80x128xf32, #tpu.memory_space<vmem>>
      %dma_start3A_459 = tpu.memref_squeeze %dma_start3A_458 : memref<1x80x128xf32, #tpu.memory_space<vmem>> -> memref<80x128xf32, #tpu.memory_space<vmem>>
      %dma_start3A_460 = arith.constant 0 : i32
      %dma_start3A_461 = tpu.memref_slice %arg7[%add3A_454, %dma_start3A_460] : memref<10000x128xf32, #tpu.memory_space<vmem_shared>> -> memref<80x128xf32, #tpu.memory_space<vmem_shared>>
      %dma_start3A_462 = arith.constant 0 : i32
      %dma_start3A_463 = tpu.memref_slice %arg7[%add3A_454, %dma_start3A_462] : memref<10000x128xf32, #tpu.memory_space<vmem_shared>> -> memref<80x128xf32, #tpu.memory_space<vmem_shared>>
      %dma_start3A_464 = arith.constant 0 : i32
      %dma_start3A_465 = arith.constant 0 : i32
      %dma_start3A_466 = tpu.memref_slice %arg6[%dma_start3A_455, %dma_start3A_464, %dma_start3A_465] : memref<4x80x128xf32, #tpu.memory_space<vmem>> -> memref<1x80x128xf32, #tpu.memory_space<vmem>>
      %dma_start3A_467 = tpu.memref_squeeze %dma_start3A_466 : memref<1x80x128xf32, #tpu.memory_space<vmem>> -> memref<80x128xf32, #tpu.memory_space<vmem>>
      tpu.enqueue_dma source(%dma_start3A_467 : memref<80x128xf32, #tpu.memory_space<vmem>>) target(%dma_start3A_463 : memref<80x128xf32, #tpu.memory_space<vmem_shared>>) target_semaphore(%arg9 : memref<!tpu.dma_semaphore, #tpu.memory_space<semaphore_mem>>)
      %add3A_468 = arith.constant 400 : i32
      %add3A_469 = arith.addi %mul3A_48, %add3A_468 : i32
      %dma_start3A_470 = arith.constant 0 : i32
      %dma_start3A_471 = arith.constant 0 : i32
      %dma_start3A_472 = arith.constant 0 : i32
      %dma_start3A_473 = tpu.memref_slice %arg6[%dma_start3A_470, %dma_start3A_471, %dma_start3A_472] : memref<4x80x128xf32, #tpu.memory_space<vmem>> -> memref<1x80x128xf32, #tpu.memory_space<vmem>>
      %dma_start3A_474 = tpu.memref_squeeze %dma_start3A_473 : memref<1x80x128xf32, #tpu.memory_space<vmem>> -> memref<80x128xf32, #tpu.memory_space<vmem>>
      %dma_start3A_475 = arith.constant 0 : i32
      %dma_start3A_476 = tpu.memref_slice %arg7[%add3A_469, %dma_start3A_475] : memref<10000x128xf32, #tpu.memory_space<vmem_shared>> -> memref<80x128xf32, #tpu.memory_space<vmem_shared>>
      %dma_start3A_477 = arith.constant 0 : i32
      %dma_start3A_478 = tpu.memref_slice %arg7[%add3A_469, %dma_start3A_477] : memref<10000x128xf32, #tpu.memory_space<vmem_shared>> -> memref<80x128xf32, #tpu.memory_space<vmem_shared>>
      %dma_start3A_479 = arith.constant 0 : i32
      %dma_start3A_480 = arith.constant 0 : i32
      %dma_start3A_481 = tpu.memref_slice %arg6[%dma_start3A_470, %dma_start3A_479, %dma_start3A_480] : memref<4x80x128xf32, #tpu.memory_space<vmem>> -> memref<1x80x128xf32, #tpu.memory_space<vmem>>
      %dma_start3A_482 = tpu.memref_squeeze %dma_start3A_481 : memref<1x80x128xf32, #tpu.memory_space<vmem>> -> memref<80x128xf32, #tpu.memory_space<vmem>>
      tpu.enqueue_dma source(%dma_start3A_482 : memref<80x128xf32, #tpu.memory_space<vmem>>) target(%dma_start3A_478 : memref<80x128xf32, #tpu.memory_space<vmem_shared>>) target_semaphore(%arg9 : memref<!tpu.dma_semaphore, #tpu.memory_space<semaphore_mem>>)
      %add3A_483 = arith.constant 480 : i32
      %add3A_484 = arith.addi %mul3A_48, %add3A_483 : i32
      %dma_start3A_485 = arith.constant 0 : i32
      %dma_start3A_486 = arith.constant 0 : i32
      %dma_start3A_487 = arith.constant 0 : i32
      %dma_start3A_488 = tpu.memref_slice %arg6[%dma_start3A_485, %dma_start3A_486, %dma_start3A_487] : memref<4x80x128xf32, #tpu.memory_space<vmem>> -> memref<1x80x128xf32, #tpu.memory_space<vmem>>
      %dma_start3A_489 = tpu.memref_squeeze %dma_start3A_488 : memref<1x80x128xf32, #tpu.memory_space<vmem>> -> memref<80x128xf32, #tpu.memory_space<vmem>>
      %dma_start3A_490 = arith.constant 0 : i32
      %dma_start3A_491 = tpu.memref_slice %arg7[%add3A_484, %dma_start3A_490] : memref<10000x128xf32, #tpu.memory_space<vmem_shared>> -> memref<80x128xf32, #tpu.memory_space<vmem_shared>>
      %dma_start3A_492 = arith.constant 0 : i32
      %dma_start3A_493 = tpu.memref_slice %arg7[%add3A_484, %dma_start3A_492] : memref<10000x128xf32, #tpu.memory_space<vmem_shared>> -> memref<80x128xf32, #tpu.memory_space<vmem_shared>>
      %dma_start3A_494 = arith.constant 0 : i32
      %dma_start3A_495 = arith.constant 0 : i32
      %dma_start3A_496 = tpu.memref_slice %arg6[%dma_start3A_485, %dma_start3A_494, %dma_start3A_495] : memref<4x80x128xf32, #tpu.memory_space<vmem>> -> memref<1x80x128xf32, #tpu.memory_space<vmem>>
      %dma_start3A_497 = tpu.memref_squeeze %dma_start3A_496 : memref<1x80x128xf32, #tpu.memory_space<vmem>> -> memref<80x128xf32, #tpu.memory_space<vmem>>
      tpu.enqueue_dma source(%dma_start3A_497 : memref<80x128xf32, #tpu.memory_space<vmem>>) target(%dma_start3A_493 : memref<80x128xf32, #tpu.memory_space<vmem_shared>>) target_semaphore(%arg9 : memref<!tpu.dma_semaphore, #tpu.memory_space<semaphore_mem>>)
      %add3A_498 = arith.constant 560 : i32
      %add3A_499 = arith.addi %mul3A_48, %add3A_498 : i32
      %dma_start3A_500 = arith.constant 0 : i32
      %dma_start3A_501 = arith.constant 0 : i32
      %dma_start3A_502 = arith.constant 0 : i32
      %dma_start3A_503 = tpu.memref_slice %arg6[%dma_start3A_500, %dma_start3A_501, %dma_start3A_502] : memref<4x80x128xf32, #tpu.memory_space<vmem>> -> memref<1x72x128xf32, #tpu.memory_space<vmem>>
      %dma_start3A_504 = tpu.memref_squeeze %dma_start3A_503 : memref<1x72x128xf32, #tpu.memory_space<vmem>> -> memref<72x128xf32, #tpu.memory_space<vmem>>
      %dma_start3A_505 = arith.constant 0 : i32
      %dma_start3A_506 = tpu.memref_slice %arg7[%add3A_499, %dma_start3A_505] : memref<10000x128xf32, #tpu.memory_space<vmem_shared>> -> memref<72x128xf32, #tpu.memory_space<vmem_shared>>
      %dma_start3A_507 = arith.constant 0 : i32
      %dma_start3A_508 = tpu.memref_slice %arg7[%add3A_499, %dma_start3A_507] : memref<10000x128xf32, #tpu.memory_space<vmem_shared>> -> memref<72x128xf32, #tpu.memory_space<vmem_shared>>
      %dma_start3A_509 = arith.constant 0 : i32
      %dma_start3A_510 = arith.constant 0 : i32
      %dma_start3A_511 = tpu.memref_slice %arg6[%dma_start3A_500, %dma_start3A_509, %dma_start3A_510] : memref<4x80x128xf32, #tpu.memory_space<vmem>> -> memref<1x72x128xf32, #tpu.memory_space<vmem>>
      %dma_start3A_512 = tpu.memref_squeeze %dma_start3A_511 : memref<1x72x128xf32, #tpu.memory_space<vmem>> -> memref<72x128xf32, #tpu.memory_space<vmem>>
      tpu.enqueue_dma source(%dma_start3A_512 : memref<72x128xf32, #tpu.memory_space<vmem>>) target(%dma_start3A_508 : memref<72x128xf32, #tpu.memory_space<vmem_shared>>) target_semaphore(%arg9 : memref<!tpu.dma_semaphore, #tpu.memory_space<semaphore_mem>>)
      %dma_wait3A_513 = arith.constant 0 : i32
      %dma_wait3A_514 = arith.constant 0 : i32
      %dma_wait3A_515 = arith.constant 0 : i32
      %dma_wait3A_516 = tpu.memref_slice %arg6[%dma_wait3A_513, %dma_wait3A_514, %dma_wait3A_515] : memref<4x80x128xf32, #tpu.memory_space<vmem>> -> memref<1x80x128xf32, #tpu.memory_space<vmem>>
      %dma_wait3A_517 = tpu.memref_squeeze %dma_wait3A_516 : memref<1x80x128xf32, #tpu.memory_space<vmem>> -> memref<80x128xf32, #tpu.memory_space<vmem>>
      %dma_wait3A_518 = arith.constant 0 : i32
      %dma_wait3A_519 = tpu.memref_slice %arg7[%add3A_394, %dma_wait3A_518] : memref<10000x128xf32, #tpu.memory_space<vmem_shared>> -> memref<80x128xf32, #tpu.memory_space<vmem_shared>>
      %dma_wait3A_520 = arith.constant 0 : i32
      %dma_wait3A_521 = tpu.memref_slice %arg7[%add3A_394, %dma_wait3A_520] : memref<10000x128xf32, #tpu.memory_space<vmem_shared>> -> memref<80x128xf32, #tpu.memory_space<vmem_shared>>
      %dma_wait3A_522 = arith.constant 0 : i32
      %dma_wait3A_523 = arith.constant 0 : i32
      %dma_wait3A_524 = tpu.memref_slice %arg6[%dma_wait3A_513, %dma_wait3A_522, %dma_wait3A_523] : memref<4x80x128xf32, #tpu.memory_space<vmem>> -> memref<1x80x128xf32, #tpu.memory_space<vmem>>
      %dma_wait3A_525 = tpu.memref_squeeze %dma_wait3A_524 : memref<1x80x128xf32, #tpu.memory_space<vmem>> -> memref<80x128xf32, #tpu.memory_space<vmem>>
      tpu.wait_dma2 semaphore(%arg9 : memref<!tpu.dma_semaphore, #tpu.memory_space<semaphore_mem>>) src(%dma_wait3A_525 : memref<80x128xf32, #tpu.memory_space<vmem>>) dst(%dma_wait3A_521 : memref<80x128xf32, #tpu.memory_space<vmem_shared>>)
      %dma_wait3A_526 = arith.constant 0 : i32
      %dma_wait3A_527 = arith.constant 0 : i32
      %dma_wait3A_528 = arith.constant 0 : i32
      %dma_wait3A_529 = tpu.memref_slice %arg6[%dma_wait3A_526, %dma_wait3A_527, %dma_wait3A_528] : memref<4x80x128xf32, #tpu.memory_space<vmem>> -> memref<1x80x128xf32, #tpu.memory_space<vmem>>
      %dma_wait3A_530 = tpu.memref_squeeze %dma_wait3A_529 : memref<1x80x128xf32, #tpu.memory_space<vmem>> -> memref<80x128xf32, #tpu.memory_space<vmem>>
      %dma_wait3A_531 = arith.constant 0 : i32
      %dma_wait3A_532 = tpu.memref_slice %arg7[%add3A_409, %dma_wait3A_531] : memref<10000x128xf32, #tpu.memory_space<vmem_shared>> -> memref<80x128xf32, #tpu.memory_space<vmem_shared>>
      %dma_wait3A_533 = arith.constant 0 : i32
      %dma_wait3A_534 = tpu.memref_slice %arg7[%add3A_409, %dma_wait3A_533] : memref<10000x128xf32, #tpu.memory_space<vmem_shared>> -> memref<80x128xf32, #tpu.memory_space<vmem_shared>>
      %dma_wait3A_535 = arith.constant 0 : i32
      %dma_wait3A_536 = arith.constant 0 : i32
      %dma_wait3A_537 = tpu.memref_slice %arg6[%dma_wait3A_526, %dma_wait3A_535, %dma_wait3A_536] : memref<4x80x128xf32, #tpu.memory_space<vmem>> -> memref<1x80x128xf32, #tpu.memory_space<vmem>>
      %dma_wait3A_538 = tpu.memref_squeeze %dma_wait3A_537 : memref<1x80x128xf32, #tpu.memory_space<vmem>> -> memref<80x128xf32, #tpu.memory_space<vmem>>
      tpu.wait_dma2 semaphore(%arg9 : memref<!tpu.dma_semaphore, #tpu.memory_space<semaphore_mem>>) src(%dma_wait3A_538 : memref<80x128xf32, #tpu.memory_space<vmem>>) dst(%dma_wait3A_534 : memref<80x128xf32, #tpu.memory_space<vmem_shared>>)
      %dma_wait3A_539 = arith.constant 0 : i32
      %dma_wait3A_540 = arith.constant 0 : i32
      %dma_wait3A_541 = arith.constant 0 : i32
      %dma_wait3A_542 = tpu.memref_slice %arg6[%dma_wait3A_539, %dma_wait3A_540, %dma_wait3A_541] : memref<4x80x128xf32, #tpu.memory_space<vmem>> -> memref<1x80x128xf32, #tpu.memory_space<vmem>>
      %dma_wait3A_543 = tpu.memref_squeeze %dma_wait3A_542 : memref<1x80x128xf32, #tpu.memory_space<vmem>> -> memref<80x128xf32, #tpu.memory_space<vmem>>
      %dma_wait3A_544 = arith.constant 0 : i32
      %dma_wait3A_545 = tpu.memref_slice %arg7[%add3A_424, %dma_wait3A_544] : memref<10000x128xf32, #tpu.memory_space<vmem_shared>> -> memref<80x128xf32, #tpu.memory_space<vmem_shared>>
      %dma_wait3A_546 = arith.constant 0 : i32
      %dma_wait3A_547 = tpu.memref_slice %arg7[%add3A_424, %dma_wait3A_546] : memref<10000x128xf32, #tpu.memory_space<vmem_shared>> -> memref<80x128xf32, #tpu.memory_space<vmem_shared>>
      %dma_wait3A_548 = arith.constant 0 : i32
      %dma_wait3A_549 = arith.constant 0 : i32
      %dma_wait3A_550 = tpu.memref_slice %arg6[%dma_wait3A_539, %dma_wait3A_548, %dma_wait3A_549] : memref<4x80x128xf32, #tpu.memory_space<vmem>> -> memref<1x80x128xf32, #tpu.memory_space<vmem>>
      %dma_wait3A_551 = tpu.memref_squeeze %dma_wait3A_550 : memref<1x80x128xf32, #tpu.memory_space<vmem>> -> memref<80x128xf32, #tpu.memory_space<vmem>>
      tpu.wait_dma2 semaphore(%arg9 : memref<!tpu.dma_semaphore, #tpu.memory_space<semaphore_mem>>) src(%dma_wait3A_551 : memref<80x128xf32, #tpu.memory_space<vmem>>) dst(%dma_wait3A_547 : memref<80x128xf32, #tpu.memory_space<vmem_shared>>)
      %dma_wait3A_552 = arith.constant 0 : i32
      %dma_wait3A_553 = arith.constant 0 : i32
      %dma_wait3A_554 = arith.constant 0 : i32
      %dma_wait3A_555 = tpu.memref_slice %arg6[%dma_wait3A_552, %dma_wait3A_553, %dma_wait3A_554] : memref<4x80x128xf32, #tpu.memory_space<vmem>> -> memref<1x80x128xf32, #tpu.memory_space<vmem>>
      %dma_wait3A_556 = tpu.memref_squeeze %dma_wait3A_555 : memref<1x80x128xf32, #tpu.memory_space<vmem>> -> memref<80x128xf32, #tpu.memory_space<vmem>>
      %dma_wait3A_557 = arith.constant 0 : i32
      %dma_wait3A_558 = tpu.memref_slice %arg7[%add3A_439, %dma_wait3A_557] : memref<10000x128xf32, #tpu.memory_space<vmem_shared>> -> memref<80x128xf32, #tpu.memory_space<vmem_shared>>
      %dma_wait3A_559 = arith.constant 0 : i32
      %dma_wait3A_560 = tpu.memref_slice %arg7[%add3A_439, %dma_wait3A_559] : memref<10000x128xf32, #tpu.memory_space<vmem_shared>> -> memref<80x128xf32, #tpu.memory_space<vmem_shared>>
      %dma_wait3A_561 = arith.constant 0 : i32
      %dma_wait3A_562 = arith.constant 0 : i32
      %dma_wait3A_563 = tpu.memref_slice %arg6[%dma_wait3A_552, %dma_wait3A_561, %dma_wait3A_562] : memref<4x80x128xf32, #tpu.memory_space<vmem>> -> memref<1x80x128xf32, #tpu.memory_space<vmem>>
      %dma_wait3A_564 = tpu.memref_squeeze %dma_wait3A_563 : memref<1x80x128xf32, #tpu.memory_space<vmem>> -> memref<80x128xf32, #tpu.memory_space<vmem>>
      tpu.wait_dma2 semaphore(%arg9 : memref<!tpu.dma_semaphore, #tpu.memory_space<semaphore_mem>>) src(%dma_wait3A_564 : memref<80x128xf32, #tpu.memory_space<vmem>>) dst(%dma_wait3A_560 : memref<80x128xf32, #tpu.memory_space<vmem_shared>>)
      %dma_wait3A_565 = arith.constant 0 : i32
      %dma_wait3A_566 = arith.constant 0 : i32
      %dma_wait3A_567 = arith.constant 0 : i32
      %dma_wait3A_568 = tpu.memref_slice %arg6[%dma_wait3A_565, %dma_wait3A_566, %dma_wait3A_567] : memref<4x80x128xf32, #tpu.memory_space<vmem>> -> memref<1x80x128xf32, #tpu.memory_space<vmem>>
      %dma_wait3A_569 = tpu.memref_squeeze %dma_wait3A_568 : memref<1x80x128xf32, #tpu.memory_space<vmem>> -> memref<80x128xf32, #tpu.memory_space<vmem>>
      %dma_wait3A_570 = arith.constant 0 : i32
      %dma_wait3A_571 = tpu.memref_slice %arg7[%add3A_454, %dma_wait3A_570] : memref<10000x128xf32, #tpu.memory_space<vmem_shared>> -> memref<80x128xf32, #tpu.memory_space<vmem_shared>>
      %dma_wait3A_572 = arith.constant 0 : i32
      %dma_wait3A_573 = tpu.memref_slice %arg7[%add3A_454, %dma_wait3A_572] : memref<10000x128xf32, #tpu.memory_space<vmem_shared>> -> memref<80x128xf32, #tpu.memory_space<vmem_shared>>
      %dma_wait3A_574 = arith.constant 0 : i32
      %dma_wait3A_575 = arith.constant 0 : i32
      %dma_wait3A_576 = tpu.memref_slice %arg6[%dma_wait3A_565, %dma_wait3A_574, %dma_wait3A_575] : memref<4x80x128xf32, #tpu.memory_space<vmem>> -> memref<1x80x128xf32, #tpu.memory_space<vmem>>
      %dma_wait3A_577 = tpu.memref_squeeze %dma_wait3A_576 : memref<1x80x128xf32, #tpu.memory_space<vmem>> -> memref<80x128xf32, #tpu.memory_space<vmem>>
      tpu.wait_dma2 semaphore(%arg9 : memref<!tpu.dma_semaphore, #tpu.memory_space<semaphore_mem>>) src(%dma_wait3A_577 : memref<80x128xf32, #tpu.memory_space<vmem>>) dst(%dma_wait3A_573 : memref<80x128xf32, #tpu.memory_space<vmem_shared>>)
      %dma_wait3A_578 = arith.constant 0 : i32
      %dma_wait3A_579 = arith.constant 0 : i32
      %dma_wait3A_580 = arith.constant 0 : i32
      %dma_wait3A_581 = tpu.memref_slice %arg6[%dma_wait3A_578, %dma_wait3A_579, %dma_wait3A_580] : memref<4x80x128xf32, #tpu.memory_space<vmem>> -> memref<1x80x128xf32, #tpu.memory_space<vmem>>
      %dma_wait3A_582 = tpu.memref_squeeze %dma_wait3A_581 : memref<1x80x128xf32, #tpu.memory_space<vmem>> -> memref<80x128xf32, #tpu.memory_space<vmem>>
      %dma_wait3A_583 = arith.constant 0 : i32
      %dma_wait3A_584 = tpu.memref_slice %arg7[%add3A_469, %dma_wait3A_583] : memref<10000x128xf32, #tpu.memory_space<vmem_shared>> -> memref<80x128xf32, #tpu.memory_space<vmem_shared>>
      %dma_wait3A_585 = arith.constant 0 : i32
      %dma_wait3A_586 = tpu.memref_slice %arg7[%add3A_469, %dma_wait3A_585] : memref<10000x128xf32, #tpu.memory_space<vmem_shared>> -> memref<80x128xf32, #tpu.memory_space<vmem_shared>>
      %dma_wait3A_587 = arith.constant 0 : i32
      %dma_wait3A_588 = arith.constant 0 : i32
      %dma_wait3A_589 = tpu.memref_slice %arg6[%dma_wait3A_578, %dma_wait3A_587, %dma_wait3A_588] : memref<4x80x128xf32, #tpu.memory_space<vmem>> -> memref<1x80x128xf32, #tpu.memory_space<vmem>>
      %dma_wait3A_590 = tpu.memref_squeeze %dma_wait3A_589 : memref<1x80x128xf32, #tpu.memory_space<vmem>> -> memref<80x128xf32, #tpu.memory_space<vmem>>
      tpu.wait_dma2 semaphore(%arg9 : memref<!tpu.dma_semaphore, #tpu.memory_space<semaphore_mem>>) src(%dma_wait3A_590 : memref<80x128xf32, #tpu.memory_space<vmem>>) dst(%dma_wait3A_586 : memref<80x128xf32, #tpu.memory_space<vmem_shared>>)
      %dma_wait3A_591 = arith.constant 0 : i32
      %dma_wait3A_592 = arith.constant 0 : i32
      %dma_wait3A_593 = arith.constant 0 : i32
      %dma_wait3A_594 = tpu.memref_slice %arg6[%dma_wait3A_591, %dma_wait3A_592, %dma_wait3A_593] : memref<4x80x128xf32, #tpu.memory_space<vmem>> -> memref<1x80x128xf32, #tpu.memory_space<vmem>>
      %dma_wait3A_595 = tpu.memref_squeeze %dma_wait3A_594 : memref<1x80x128xf32, #tpu.memory_space<vmem>> -> memref<80x128xf32, #tpu.memory_space<vmem>>
      %dma_wait3A_596 = arith.constant 0 : i32
      %dma_wait3A_597 = tpu.memref_slice %arg7[%add3A_484, %dma_wait3A_596] : memref<10000x128xf32, #tpu.memory_space<vmem_shared>> -> memref<80x128xf32, #tpu.memory_space<vmem_shared>>
      %dma_wait3A_598 = arith.constant 0 : i32
      %dma_wait3A_599 = tpu.memref_slice %arg7[%add3A_484, %dma_wait3A_598] : memref<10000x128xf32, #tpu.memory_space<vmem_shared>> -> memref<80x128xf32, #tpu.memory_space<vmem_shared>>
      %dma_wait3A_600 = arith.constant 0 : i32
      %dma_wait3A_601 = arith.constant 0 : i32
      %dma_wait3A_602 = tpu.memref_slice %arg6[%dma_wait3A_591, %dma_wait3A_600, %dma_wait3A_601] : memref<4x80x128xf32, #tpu.memory_space<vmem>> -> memref<1x80x128xf32, #tpu.memory_space<vmem>>
      %dma_wait3A_603 = tpu.memref_squeeze %dma_wait3A_602 : memref<1x80x128xf32, #tpu.memory_space<vmem>> -> memref<80x128xf32, #tpu.memory_space<vmem>>
      tpu.wait_dma2 semaphore(%arg9 : memref<!tpu.dma_semaphore, #tpu.memory_space<semaphore_mem>>) src(%dma_wait3A_603 : memref<80x128xf32, #tpu.memory_space<vmem>>) dst(%dma_wait3A_599 : memref<80x128xf32, #tpu.memory_space<vmem_shared>>)
      %dma_wait3A_604 = arith.constant 0 : i32
      %dma_wait3A_605 = arith.constant 0 : i32
      %dma_wait3A_606 = arith.constant 0 : i32
      %dma_wait3A_607 = tpu.memref_slice %arg6[%dma_wait3A_604, %dma_wait3A_605, %dma_wait3A_606] : memref<4x80x128xf32, #tpu.memory_space<vmem>> -> memref<1x72x128xf32, #tpu.memory_space<vmem>>
      %dma_wait3A_608 = tpu.memref_squeeze %dma_wait3A_607 : memref<1x72x128xf32, #tpu.memory_space<vmem>> -> memref<72x128xf32, #tpu.memory_space<vmem>>
      %dma_wait3A_609 = arith.constant 0 : i32
      %dma_wait3A_610 = tpu.memref_slice %arg7[%add3A_499, %dma_wait3A_609] : memref<10000x128xf32, #tpu.memory_space<vmem_shared>> -> memref<72x128xf32, #tpu.memory_space<vmem_shared>>
      %dma_wait3A_611 = arith.constant 0 : i32
      %dma_wait3A_612 = tpu.memref_slice %arg7[%add3A_499, %dma_wait3A_611] : memref<10000x128xf32, #tpu.memory_space<vmem_shared>> -> memref<72x128xf32, #tpu.memory_space<vmem_shared>>
      %dma_wait3A_613 = arith.constant 0 : i32
      %dma_wait3A_614 = arith.constant 0 : i32
      %dma_wait3A_615 = tpu.memref_slice %arg6[%dma_wait3A_604, %dma_wait3A_613, %dma_wait3A_614] : memref<4x80x128xf32, #tpu.memory_space<vmem>> -> memref<1x72x128xf32, #tpu.memory_space<vmem>>
      %dma_wait3A_616 = tpu.memref_squeeze %dma_wait3A_615 : memref<1x72x128xf32, #tpu.memory_space<vmem>> -> memref<72x128xf32, #tpu.memory_space<vmem>>
      tpu.wait_dma2 semaphore(%arg9 : memref<!tpu.dma_semaphore, #tpu.memory_space<semaphore_mem>>) src(%dma_wait3A_616 : memref<72x128xf32, #tpu.memory_space<vmem>>) dst(%dma_wait3A_612 : memref<72x128xf32, #tpu.memory_space<vmem_shared>>)
    } else {
    }
    %eq3A = arith.constant 15 : i32
    %eq3A_51 = arith.cmpi eq, %arg1, %eq3A : i32
    %convert_element_type3A_52 = arith.extui %eq3A_51 : i1 to i32
    %cond3A_53 = arith.constant 0 : i32
    %cond3A_54 = arith.cmpi ne, %convert_element_type3A_52, %cond3A_53 : i32
    scf.if %cond3A_54 {
      %add3A_393 = arith.constant 0 : i32
      %add3A_394 = arith.addi %mul3A_48, %add3A_393 : i32
      %dma_start3A_395 = arith.constant 0 : i32
      %dma_start3A_396 = arith.constant 0 : i32
      %dma_start3A_397 = arith.constant 0 : i32
      %dma_start3A_398 = tpu.memref_slice %arg6[%dma_start3A_395, %dma_start3A_396, %dma_start3A_397] : memref<4x80x128xf32, #tpu.memory_space<vmem>> -> memref<1x80x128xf32, #tpu.memory_space<vmem>>
      %dma_start3A_399 = tpu.memref_squeeze %dma_start3A_398 : memref<1x80x128xf32, #tpu.memory_space<vmem>> -> memref<80x128xf32, #tpu.memory_space<vmem>>
      %dma_start3A_400 = arith.constant 0 : i32
      %dma_start3A_401 = tpu.memref_slice %arg7[%add3A_394, %dma_start3A_400] : memref<10000x128xf32, #tpu.memory_space<vmem_shared>> -> memref<80x128xf32, #tpu.memory_space<vmem_shared>>
      %dma_start3A_402 = arith.constant 0 : i32
      %dma_start3A_403 = tpu.memref_slice %arg7[%add3A_394, %dma_start3A_402] : memref<10000x128xf32, #tpu.memory_space<vmem_shared>> -> memref<80x128xf32, #tpu.memory_space<vmem_shared>>
      %dma_start3A_404 = arith.constant 0 : i32
      %dma_start3A_405 = arith.constant 0 : i32
      %dma_start3A_406 = tpu.memref_slice %arg6[%dma_start3A_395, %dma_start3A_404, %dma_start3A_405] : memref<4x80x128xf32, #tpu.memory_space<vmem>> -> memref<1x80x128xf32, #tpu.memory_space<vmem>>
      %dma_start3A_407 = tpu.memref_squeeze %dma_start3A_406 : memref<1x80x128xf32, #tpu.memory_space<vmem>> -> memref<80x128xf32, #tpu.memory_space<vmem>>
      tpu.enqueue_dma source(%dma_start3A_407 : memref<80x128xf32, #tpu.memory_space<vmem>>) target(%dma_start3A_403 : memref<80x128xf32, #tpu.memory_space<vmem_shared>>) target_semaphore(%arg9 : memref<!tpu.dma_semaphore, #tpu.memory_space<semaphore_mem>>)
      %add3A_408 = arith.constant 80 : i32
      %add3A_409 = arith.addi %mul3A_48, %add3A_408 : i32
      %dma_start3A_410 = arith.constant 0 : i32
      %dma_start3A_411 = arith.constant 0 : i32
      %dma_start3A_412 = arith.constant 0 : i32
      %dma_start3A_413 = tpu.memref_slice %arg6[%dma_start3A_410, %dma_start3A_411, %dma_start3A_412] : memref<4x80x128xf32, #tpu.memory_space<vmem>> -> memref<1x80x128xf32, #tpu.memory_space<vmem>>
      %dma_start3A_414 = tpu.memref_squeeze %dma_start3A_413 : memref<1x80x128xf32, #tpu.memory_space<vmem>> -> memref<80x128xf32, #tpu.memory_space<vmem>>
      %dma_start3A_415 = arith.constant 0 : i32
      %dma_start3A_416 = tpu.memref_slice %arg7[%add3A_409, %dma_start3A_415] : memref<10000x128xf32, #tpu.memory_space<vmem_shared>> -> memref<80x128xf32, #tpu.memory_space<vmem_shared>>
      %dma_start3A_417 = arith.constant 0 : i32
      %dma_start3A_418 = tpu.memref_slice %arg7[%add3A_409, %dma_start3A_417] : memref<10000x128xf32, #tpu.memory_space<vmem_shared>> -> memref<80x128xf32, #tpu.memory_space<vmem_shared>>
      %dma_start3A_419 = arith.constant 0 : i32
      %dma_start3A_420 = arith.constant 0 : i32
      %dma_start3A_421 = tpu.memref_slice %arg6[%dma_start3A_410, %dma_start3A_419, %dma_start3A_420] : memref<4x80x128xf32, #tpu.memory_space<vmem>> -> memref<1x80x128xf32, #tpu.memory_space<vmem>>
      %dma_start3A_422 = tpu.memref_squeeze %dma_start3A_421 : memref<1x80x128xf32, #tpu.memory_space<vmem>> -> memref<80x128xf32, #tpu.memory_space<vmem>>
      tpu.enqueue_dma source(%dma_start3A_422 : memref<80x128xf32, #tpu.memory_space<vmem>>) target(%dma_start3A_418 : memref<80x128xf32, #tpu.memory_space<vmem_shared>>) target_semaphore(%arg9 : memref<!tpu.dma_semaphore, #tpu.memory_space<semaphore_mem>>)
      %add3A_423 = arith.constant 160 : i32
      %add3A_424 = arith.addi %mul3A_48, %add3A_423 : i32
      %dma_start3A_425 = arith.constant 0 : i32
      %dma_start3A_426 = arith.constant 0 : i32
      %dma_start3A_427 = arith.constant 0 : i32
      %dma_start3A_428 = tpu.memref_slice %arg6[%dma_start3A_425, %dma_start3A_426, %dma_start3A_427] : memref<4x80x128xf32, #tpu.memory_space<vmem>> -> memref<1x80x128xf32, #tpu.memory_space<vmem>>
      %dma_start3A_429 = tpu.memref_squeeze %dma_start3A_428 : memref<1x80x128xf32, #tpu.memory_space<vmem>> -> memref<80x128xf32, #tpu.memory_space<vmem>>
      %dma_start3A_430 = arith.constant 0 : i32
      %dma_start3A_431 = tpu.memref_slice %arg7[%add3A_424, %dma_start3A_430] : memref<10000x128xf32, #tpu.memory_space<vmem_shared>> -> memref<80x128xf32, #tpu.memory_space<vmem_shared>>
      %dma_start3A_432 = arith.constant 0 : i32
      %dma_start3A_433 = tpu.memref_slice %arg7[%add3A_424, %dma_start3A_432] : memref<10000x128xf32, #tpu.memory_space<vmem_shared>> -> memref<80x128xf32, #tpu.memory_space<vmem_shared>>
      %dma_start3A_434 = arith.constant 0 : i32
      %dma_start3A_435 = arith.constant 0 : i32
      %dma_start3A_436 = tpu.memref_slice %arg6[%dma_start3A_425, %dma_start3A_434, %dma_start3A_435] : memref<4x80x128xf32, #tpu.memory_space<vmem>> -> memref<1x80x128xf32, #tpu.memory_space<vmem>>
      %dma_start3A_437 = tpu.memref_squeeze %dma_start3A_436 : memref<1x80x128xf32, #tpu.memory_space<vmem>> -> memref<80x128xf32, #tpu.memory_space<vmem>>
      tpu.enqueue_dma source(%dma_start3A_437 : memref<80x128xf32, #tpu.memory_space<vmem>>) target(%dma_start3A_433 : memref<80x128xf32, #tpu.memory_space<vmem_shared>>) target_semaphore(%arg9 : memref<!tpu.dma_semaphore, #tpu.memory_space<semaphore_mem>>)
      %add3A_438 = arith.constant 240 : i32
      %add3A_439 = arith.addi %mul3A_48, %add3A_438 : i32
      %dma_start3A_440 = arith.constant 0 : i32
      %dma_start3A_441 = arith.constant 0 : i32
      %dma_start3A_442 = arith.constant 0 : i32
      %dma_start3A_443 = tpu.memref_slice %arg6[%dma_start3A_440, %dma_start3A_441, %dma_start3A_442] : memref<4x80x128xf32, #tpu.memory_space<vmem>> -> memref<1x80x128xf32, #tpu.memory_space<vmem>>
      %dma_start3A_444 = tpu.memref_squeeze %dma_start3A_443 : memref<1x80x128xf32, #tpu.memory_space<vmem>> -> memref<80x128xf32, #tpu.memory_space<vmem>>
      %dma_start3A_445 = arith.constant 0 : i32
      %dma_start3A_446 = tpu.memref_slice %arg7[%add3A_439, %dma_start3A_445] : memref<10000x128xf32, #tpu.memory_space<vmem_shared>> -> memref<80x128xf32, #tpu.memory_space<vmem_shared>>
      %dma_start3A_447 = arith.constant 0 : i32
      %dma_start3A_448 = tpu.memref_slice %arg7[%add3A_439, %dma_start3A_447] : memref<10000x128xf32, #tpu.memory_space<vmem_shared>> -> memref<80x128xf32, #tpu.memory_space<vmem_shared>>
      %dma_start3A_449 = arith.constant 0 : i32
      %dma_start3A_450 = arith.constant 0 : i32
      %dma_start3A_451 = tpu.memref_slice %arg6[%dma_start3A_440, %dma_start3A_449, %dma_start3A_450] : memref<4x80x128xf32, #tpu.memory_space<vmem>> -> memref<1x80x128xf32, #tpu.memory_space<vmem>>
      %dma_start3A_452 = tpu.memref_squeeze %dma_start3A_451 : memref<1x80x128xf32, #tpu.memory_space<vmem>> -> memref<80x128xf32, #tpu.memory_space<vmem>>
      tpu.enqueue_dma source(%dma_start3A_452 : memref<80x128xf32, #tpu.memory_space<vmem>>) target(%dma_start3A_448 : memref<80x128xf32, #tpu.memory_space<vmem_shared>>) target_semaphore(%arg9 : memref<!tpu.dma_semaphore, #tpu.memory_space<semaphore_mem>>)
      %add3A_453 = arith.constant 320 : i32
      %add3A_454 = arith.addi %mul3A_48, %add3A_453 : i32
      %dma_start3A_455 = arith.constant 0 : i32
      %dma_start3A_456 = arith.constant 0 : i32
      %dma_start3A_457 = arith.constant 0 : i32
      %dma_start3A_458 = tpu.memref_slice %arg6[%dma_start3A_455, %dma_start3A_456, %dma_start3A_457] : memref<4x80x128xf32, #tpu.memory_space<vmem>> -> memref<1x80x128xf32, #tpu.memory_space<vmem>>
      %dma_start3A_459 = tpu.memref_squeeze %dma_start3A_458 : memref<1x80x128xf32, #tpu.memory_space<vmem>> -> memref<80x128xf32, #tpu.memory_space<vmem>>
      %dma_start3A_460 = arith.constant 0 : i32
      %dma_start3A_461 = tpu.memref_slice %arg7[%add3A_454, %dma_start3A_460] : memref<10000x128xf32, #tpu.memory_space<vmem_shared>> -> memref<80x128xf32, #tpu.memory_space<vmem_shared>>
      %dma_start3A_462 = arith.constant 0 : i32
      %dma_start3A_463 = tpu.memref_slice %arg7[%add3A_454, %dma_start3A_462] : memref<10000x128xf32, #tpu.memory_space<vmem_shared>> -> memref<80x128xf32, #tpu.memory_space<vmem_shared>>
      %dma_start3A_464 = arith.constant 0 : i32
      %dma_start3A_465 = arith.constant 0 : i32
      %dma_start3A_466 = tpu.memref_slice %arg6[%dma_start3A_455, %dma_start3A_464, %dma_start3A_465] : memref<4x80x128xf32, #tpu.memory_space<vmem>> -> memref<1x80x128xf32, #tpu.memory_space<vmem>>
      %dma_start3A_467 = tpu.memref_squeeze %dma_start3A_466 : memref<1x80x128xf32, #tpu.memory_space<vmem>> -> memref<80x128xf32, #tpu.memory_space<vmem>>
      tpu.enqueue_dma source(%dma_start3A_467 : memref<80x128xf32, #tpu.memory_space<vmem>>) target(%dma_start3A_463 : memref<80x128xf32, #tpu.memory_space<vmem_shared>>) target_semaphore(%arg9 : memref<!tpu.dma_semaphore, #tpu.memory_space<semaphore_mem>>)
      %add3A_468 = arith.constant 400 : i32
      %add3A_469 = arith.addi %mul3A_48, %add3A_468 : i32
      %dma_start3A_470 = arith.constant 0 : i32
      %dma_start3A_471 = arith.constant 0 : i32
      %dma_start3A_472 = arith.constant 0 : i32
      %dma_start3A_473 = tpu.memref_slice %arg6[%dma_start3A_470, %dma_start3A_471, %dma_start3A_472] : memref<4x80x128xf32, #tpu.memory_space<vmem>> -> memref<1x80x128xf32, #tpu.memory_space<vmem>>
      %dma_start3A_474 = tpu.memref_squeeze %dma_start3A_473 : memref<1x80x128xf32, #tpu.memory_space<vmem>> -> memref<80x128xf32, #tpu.memory_space<vmem>>
      %dma_start3A_475 = arith.constant 0 : i32
      %dma_start3A_476 = tpu.memref_slice %arg7[%add3A_469, %dma_start3A_475] : memref<10000x128xf32, #tpu.memory_space<vmem_shared>> -> memref<80x128xf32, #tpu.memory_space<vmem_shared>>
      %dma_start3A_477 = arith.constant 0 : i32
      %dma_start3A_478 = tpu.memref_slice %arg7[%add3A_469, %dma_start3A_477] : memref<10000x128xf32, #tpu.memory_space<vmem_shared>> -> memref<80x128xf32, #tpu.memory_space<vmem_shared>>
      %dma_start3A_479 = arith.constant 0 : i32
      %dma_start3A_480 = arith.constant 0 : i32
      %dma_start3A_481 = tpu.memref_slice %arg6[%dma_start3A_470, %dma_start3A_479, %dma_start3A_480] : memref<4x80x128xf32, #tpu.memory_space<vmem>> -> memref<1x80x128xf32, #tpu.memory_space<vmem>>
      %dma_start3A_482 = tpu.memref_squeeze %dma_start3A_481 : memref<1x80x128xf32, #tpu.memory_space<vmem>> -> memref<80x128xf32, #tpu.memory_space<vmem>>
      tpu.enqueue_dma source(%dma_start3A_482 : memref<80x128xf32, #tpu.memory_space<vmem>>) target(%dma_start3A_478 : memref<80x128xf32, #tpu.memory_space<vmem_shared>>) target_semaphore(%arg9 : memref<!tpu.dma_semaphore, #tpu.memory_space<semaphore_mem>>)
      %add3A_483 = arith.constant 480 : i32
      %add3A_484 = arith.addi %mul3A_48, %add3A_483 : i32
      %dma_start3A_485 = arith.constant 0 : i32
      %dma_start3A_486 = arith.constant 0 : i32
      %dma_start3A_487 = arith.constant 0 : i32
      %dma_start3A_488 = tpu.memref_slice %arg6[%dma_start3A_485, %dma_start3A_486, %dma_start3A_487] : memref<4x80x128xf32, #tpu.memory_space<vmem>> -> memref<1x40x128xf32, #tpu.memory_space<vmem>>
      %dma_start3A_489 = tpu.memref_squeeze %dma_start3A_488 : memref<1x40x128xf32, #tpu.memory_space<vmem>> -> memref<40x128xf32, #tpu.memory_space<vmem>>
      %dma_start3A_490 = arith.constant 0 : i32
      %dma_start3A_491 = tpu.memref_slice %arg7[%add3A_484, %dma_start3A_490] : memref<10000x128xf32, #tpu.memory_space<vmem_shared>> -> memref<40x128xf32, #tpu.memory_space<vmem_shared>>
      %dma_start3A_492 = arith.constant 0 : i32
      %dma_start3A_493 = tpu.memref_slice %arg7[%add3A_484, %dma_start3A_492] : memref<10000x128xf32, #tpu.memory_space<vmem_shared>> -> memref<40x128xf32, #tpu.memory_space<vmem_shared>>
      %dma_start3A_494 = arith.constant 0 : i32
      %dma_start3A_495 = arith.constant 0 : i32
      %dma_start3A_496 = tpu.memref_slice %arg6[%dma_start3A_485, %dma_start3A_494, %dma_start3A_495] : memref<4x80x128xf32, #tpu.memory_space<vmem>> -> memref<1x40x128xf32, #tpu.memory_space<vmem>>
      %dma_start3A_497 = tpu.memref_squeeze %dma_start3A_496 : memref<1x40x128xf32, #tpu.memory_space<vmem>> -> memref<40x128xf32, #tpu.memory_space<vmem>>
      tpu.enqueue_dma source(%dma_start3A_497 : memref<40x128xf32, #tpu.memory_space<vmem>>) target(%dma_start3A_493 : memref<40x128xf32, #tpu.memory_space<vmem_shared>>) target_semaphore(%arg9 : memref<!tpu.dma_semaphore, #tpu.memory_space<semaphore_mem>>)
      %dma_wait3A_498 = arith.constant 0 : i32
      %dma_wait3A_499 = arith.constant 0 : i32
      %dma_wait3A_500 = arith.constant 0 : i32
      %dma_wait3A_501 = tpu.memref_slice %arg6[%dma_wait3A_498, %dma_wait3A_499, %dma_wait3A_500] : memref<4x80x128xf32, #tpu.memory_space<vmem>> -> memref<1x80x128xf32, #tpu.memory_space<vmem>>
      %dma_wait3A_502 = tpu.memref_squeeze %dma_wait3A_501 : memref<1x80x128xf32, #tpu.memory_space<vmem>> -> memref<80x128xf32, #tpu.memory_space<vmem>>
      %dma_wait3A_503 = arith.constant 0 : i32
      %dma_wait3A_504 = tpu.memref_slice %arg7[%add3A_394, %dma_wait3A_503] : memref<10000x128xf32, #tpu.memory_space<vmem_shared>> -> memref<80x128xf32, #tpu.memory_space<vmem_shared>>
      %dma_wait3A_505 = arith.constant 0 : i32
      %dma_wait3A_506 = tpu.memref_slice %arg7[%add3A_394, %dma_wait3A_505] : memref<10000x128xf32, #tpu.memory_space<vmem_shared>> -> memref<80x128xf32, #tpu.memory_space<vmem_shared>>
      %dma_wait3A_507 = arith.constant 0 : i32
      %dma_wait3A_508 = arith.constant 0 : i32
      %dma_wait3A_509 = tpu.memref_slice %arg6[%dma_wait3A_498, %dma_wait3A_507, %dma_wait3A_508] : memref<4x80x128xf32, #tpu.memory_space<vmem>> -> memref<1x80x128xf32, #tpu.memory_space<vmem>>
      %dma_wait3A_510 = tpu.memref_squeeze %dma_wait3A_509 : memref<1x80x128xf32, #tpu.memory_space<vmem>> -> memref<80x128xf32, #tpu.memory_space<vmem>>
      tpu.wait_dma2 semaphore(%arg9 : memref<!tpu.dma_semaphore, #tpu.memory_space<semaphore_mem>>) src(%dma_wait3A_510 : memref<80x128xf32, #tpu.memory_space<vmem>>) dst(%dma_wait3A_506 : memref<80x128xf32, #tpu.memory_space<vmem_shared>>)
      %dma_wait3A_511 = arith.constant 0 : i32
      %dma_wait3A_512 = arith.constant 0 : i32
      %dma_wait3A_513 = arith.constant 0 : i32
      %dma_wait3A_514 = tpu.memref_slice %arg6[%dma_wait3A_511, %dma_wait3A_512, %dma_wait3A_513] : memref<4x80x128xf32, #tpu.memory_space<vmem>> -> memref<1x80x128xf32, #tpu.memory_space<vmem>>
      %dma_wait3A_515 = tpu.memref_squeeze %dma_wait3A_514 : memref<1x80x128xf32, #tpu.memory_space<vmem>> -> memref<80x128xf32, #tpu.memory_space<vmem>>
      %dma_wait3A_516 = arith.constant 0 : i32
      %dma_wait3A_517 = tpu.memref_slice %arg7[%add3A_409, %dma_wait3A_516] : memref<10000x128xf32, #tpu.memory_space<vmem_shared>> -> memref<80x128xf32, #tpu.memory_space<vmem_shared>>
      %dma_wait3A_518 = arith.constant 0 : i32
      %dma_wait3A_519 = tpu.memref_slice %arg7[%add3A_409, %dma_wait3A_518] : memref<10000x128xf32, #tpu.memory_space<vmem_shared>> -> memref<80x128xf32, #tpu.memory_space<vmem_shared>>
      %dma_wait3A_520 = arith.constant 0 : i32
      %dma_wait3A_521 = arith.constant 0 : i32
      %dma_wait3A_522 = tpu.memref_slice %arg6[%dma_wait3A_511, %dma_wait3A_520, %dma_wait3A_521] : memref<4x80x128xf32, #tpu.memory_space<vmem>> -> memref<1x80x128xf32, #tpu.memory_space<vmem>>
      %dma_wait3A_523 = tpu.memref_squeeze %dma_wait3A_522 : memref<1x80x128xf32, #tpu.memory_space<vmem>> -> memref<80x128xf32, #tpu.memory_space<vmem>>
      tpu.wait_dma2 semaphore(%arg9 : memref<!tpu.dma_semaphore, #tpu.memory_space<semaphore_mem>>) src(%dma_wait3A_523 : memref<80x128xf32, #tpu.memory_space<vmem>>) dst(%dma_wait3A_519 : memref<80x128xf32, #tpu.memory_space<vmem_shared>>)
      %dma_wait3A_524 = arith.constant 0 : i32
      %dma_wait3A_525 = arith.constant 0 : i32
      %dma_wait3A_526 = arith.constant 0 : i32
      %dma_wait3A_527 = tpu.memref_slice %arg6[%dma_wait3A_524, %dma_wait3A_525, %dma_wait3A_526] : memref<4x80x128xf32, #tpu.memory_space<vmem>> -> memref<1x80x128xf32, #tpu.memory_space<vmem>>
      %dma_wait3A_528 = tpu.memref_squeeze %dma_wait3A_527 : memref<1x80x128xf32, #tpu.memory_space<vmem>> -> memref<80x128xf32, #tpu.memory_space<vmem>>
      %dma_wait3A_529 = arith.constant 0 : i32
      %dma_wait3A_530 = tpu.memref_slice %arg7[%add3A_424, %dma_wait3A_529] : memref<10000x128xf32, #tpu.memory_space<vmem_shared>> -> memref<80x128xf32, #tpu.memory_space<vmem_shared>>
      %dma_wait3A_531 = arith.constant 0 : i32
      %dma_wait3A_532 = tpu.memref_slice %arg7[%add3A_424, %dma_wait3A_531] : memref<10000x128xf32, #tpu.memory_space<vmem_shared>> -> memref<80x128xf32, #tpu.memory_space<vmem_shared>>
      %dma_wait3A_533 = arith.constant 0 : i32
      %dma_wait3A_534 = arith.constant 0 : i32
      %dma_wait3A_535 = tpu.memref_slice %arg6[%dma_wait3A_524, %dma_wait3A_533, %dma_wait3A_534] : memref<4x80x128xf32, #tpu.memory_space<vmem>> -> memref<1x80x128xf32, #tpu.memory_space<vmem>>
      %dma_wait3A_536 = tpu.memref_squeeze %dma_wait3A_535 : memref<1x80x128xf32, #tpu.memory_space<vmem>> -> memref<80x128xf32, #tpu.memory_space<vmem>>
      tpu.wait_dma2 semaphore(%arg9 : memref<!tpu.dma_semaphore, #tpu.memory_space<semaphore_mem>>) src(%dma_wait3A_536 : memref<80x128xf32, #tpu.memory_space<vmem>>) dst(%dma_wait3A_532 : memref<80x128xf32, #tpu.memory_space<vmem_shared>>)
      %dma_wait3A_537 = arith.constant 0 : i32
      %dma_wait3A_538 = arith.constant 0 : i32
      %dma_wait3A_539 = arith.constant 0 : i32
      %dma_wait3A_540 = tpu.memref_slice %arg6[%dma_wait3A_537, %dma_wait3A_538, %dma_wait3A_539] : memref<4x80x128xf32, #tpu.memory_space<vmem>> -> memref<1x80x128xf32, #tpu.memory_space<vmem>>
      %dma_wait3A_541 = tpu.memref_squeeze %dma_wait3A_540 : memref<1x80x128xf32, #tpu.memory_space<vmem>> -> memref<80x128xf32, #tpu.memory_space<vmem>>
      %dma_wait3A_542 = arith.constant 0 : i32
      %dma_wait3A_543 = tpu.memref_slice %arg7[%add3A_439, %dma_wait3A_542] : memref<10000x128xf32, #tpu.memory_space<vmem_shared>> -> memref<80x128xf32, #tpu.memory_space<vmem_shared>>
      %dma_wait3A_544 = arith.constant 0 : i32
      %dma_wait3A_545 = tpu.memref_slice %arg7[%add3A_439, %dma_wait3A_544] : memref<10000x128xf32, #tpu.memory_space<vmem_shared>> -> memref<80x128xf32, #tpu.memory_space<vmem_shared>>
      %dma_wait3A_546 = arith.constant 0 : i32
      %dma_wait3A_547 = arith.constant 0 : i32
      %dma_wait3A_548 = tpu.memref_slice %arg6[%dma_wait3A_537, %dma_wait3A_546, %dma_wait3A_547] : memref<4x80x128xf32, #tpu.memory_space<vmem>> -> memref<1x80x128xf32, #tpu.memory_space<vmem>>
      %dma_wait3A_549 = tpu.memref_squeeze %dma_wait3A_548 : memref<1x80x128xf32, #tpu.memory_space<vmem>> -> memref<80x128xf32, #tpu.memory_space<vmem>>
      tpu.wait_dma2 semaphore(%arg9 : memref<!tpu.dma_semaphore, #tpu.memory_space<semaphore_mem>>) src(%dma_wait3A_549 : memref<80x128xf32, #tpu.memory_space<vmem>>) dst(%dma_wait3A_545 : memref<80x128xf32, #tpu.memory_space<vmem_shared>>)
      %dma_wait3A_550 = arith.constant 0 : i32
      %dma_wait3A_551 = arith.constant 0 : i32
      %dma_wait3A_552 = arith.constant 0 : i32
      %dma_wait3A_553 = tpu.memref_slice %arg6[%dma_wait3A_550, %dma_wait3A_551, %dma_wait3A_552] : memref<4x80x128xf32, #tpu.memory_space<vmem>> -> memref<1x80x128xf32, #tpu.memory_space<vmem>>
      %dma_wait3A_554 = tpu.memref_squeeze %dma_wait3A_553 : memref<1x80x128xf32, #tpu.memory_space<vmem>> -> memref<80x128xf32, #tpu.memory_space<vmem>>
      %dma_wait3A_555 = arith.constant 0 : i32
      %dma_wait3A_556 = tpu.memref_slice %arg7[%add3A_454, %dma_wait3A_555] : memref<10000x128xf32, #tpu.memory_space<vmem_shared>> -> memref<80x128xf32, #tpu.memory_space<vmem_shared>>
      %dma_wait3A_557 = arith.constant 0 : i32
      %dma_wait3A_558 = tpu.memref_slice %arg7[%add3A_454, %dma_wait3A_557] : memref<10000x128xf32, #tpu.memory_space<vmem_shared>> -> memref<80x128xf32, #tpu.memory_space<vmem_shared>>
      %dma_wait3A_559 = arith.constant 0 : i32
      %dma_wait3A_560 = arith.constant 0 : i32
      %dma_wait3A_561 = tpu.memref_slice %arg6[%dma_wait3A_550, %dma_wait3A_559, %dma_wait3A_560] : memref<4x80x128xf32, #tpu.memory_space<vmem>> -> memref<1x80x128xf32, #tpu.memory_space<vmem>>
      %dma_wait3A_562 = tpu.memref_squeeze %dma_wait3A_561 : memref<1x80x128xf32, #tpu.memory_space<vmem>> -> memref<80x128xf32, #tpu.memory_space<vmem>>
      tpu.wait_dma2 semaphore(%arg9 : memref<!tpu.dma_semaphore, #tpu.memory_space<semaphore_mem>>) src(%dma_wait3A_562 : memref<80x128xf32, #tpu.memory_space<vmem>>) dst(%dma_wait3A_558 : memref<80x128xf32, #tpu.memory_space<vmem_shared>>)
      %dma_wait3A_563 = arith.constant 0 : i32
      %dma_wait3A_564 = arith.constant 0 : i32
      %dma_wait3A_565 = arith.constant 0 : i32
      %dma_wait3A_566 = tpu.memref_slice %arg6[%dma_wait3A_563, %dma_wait3A_564, %dma_wait3A_565] : memref<4x80x128xf32, #tpu.memory_space<vmem>> -> memref<1x80x128xf32, #tpu.memory_space<vmem>>
      %dma_wait3A_567 = tpu.memref_squeeze %dma_wait3A_566 : memref<1x80x128xf32, #tpu.memory_space<vmem>> -> memref<80x128xf32, #tpu.memory_space<vmem>>
      %dma_wait3A_568 = arith.constant 0 : i32
      %dma_wait3A_569 = tpu.memref_slice %arg7[%add3A_469, %dma_wait3A_568] : memref<10000x128xf32, #tpu.memory_space<vmem_shared>> -> memref<80x128xf32, #tpu.memory_space<vmem_shared>>
      %dma_wait3A_570 = arith.constant 0 : i32
      %dma_wait3A_571 = tpu.memref_slice %arg7[%add3A_469, %dma_wait3A_570] : memref<10000x128xf32, #tpu.memory_space<vmem_shared>> -> memref<80x128xf32, #tpu.memory_space<vmem_shared>>
      %dma_wait3A_572 = arith.constant 0 : i32
      %dma_wait3A_573 = arith.constant 0 : i32
      %dma_wait3A_574 = tpu.memref_slice %arg6[%dma_wait3A_563, %dma_wait3A_572, %dma_wait3A_573] : memref<4x80x128xf32, #tpu.memory_space<vmem>> -> memref<1x80x128xf32, #tpu.memory_space<vmem>>
      %dma_wait3A_575 = tpu.memref_squeeze %dma_wait3A_574 : memref<1x80x128xf32, #tpu.memory_space<vmem>> -> memref<80x128xf32, #tpu.memory_space<vmem>>
      tpu.wait_dma2 semaphore(%arg9 : memref<!tpu.dma_semaphore, #tpu.memory_space<semaphore_mem>>) src(%dma_wait3A_575 : memref<80x128xf32, #tpu.memory_space<vmem>>) dst(%dma_wait3A_571 : memref<80x128xf32, #tpu.memory_space<vmem_shared>>)
      %dma_wait3A_576 = arith.constant 0 : i32
      %dma_wait3A_577 = arith.constant 0 : i32
      %dma_wait3A_578 = arith.constant 0 : i32
      %dma_wait3A_579 = tpu.memref_slice %arg6[%dma_wait3A_576, %dma_wait3A_577, %dma_wait3A_578] : memref<4x80x128xf32, #tpu.memory_space<vmem>> -> memref<1x40x128xf32, #tpu.memory_space<vmem>>
      %dma_wait3A_580 = tpu.memref_squeeze %dma_wait3A_579 : memref<1x40x128xf32, #tpu.memory_space<vmem>> -> memref<40x128xf32, #tpu.memory_space<vmem>>
      %dma_wait3A_581 = arith.constant 0 : i32
      %dma_wait3A_582 = tpu.memref_slice %arg7[%add3A_484, %dma_wait3A_581] : memref<10000x128xf32, #tpu.memory_space<vmem_shared>> -> memref<40x128xf32, #tpu.memory_space<vmem_shared>>
      %dma_wait3A_583 = arith.constant 0 : i32
      %dma_wait3A_584 = tpu.memref_slice %arg7[%add3A_484, %dma_wait3A_583] : memref<10000x128xf32, #tpu.memory_space<vmem_shared>> -> memref<40x128xf32, #tpu.memory_space<vmem_shared>>
      %dma_wait3A_585 = arith.constant 0 : i32
      %dma_wait3A_586 = arith.constant 0 : i32
      %dma_wait3A_587 = tpu.memref_slice %arg6[%dma_wait3A_576, %dma_wait3A_585, %dma_wait3A_586] : memref<4x80x128xf32, #tpu.memory_space<vmem>> -> memref<1x40x128xf32, #tpu.memory_space<vmem>>
      %dma_wait3A_588 = tpu.memref_squeeze %dma_wait3A_587 : memref<1x40x128xf32, #tpu.memory_space<vmem>> -> memref<40x128xf32, #tpu.memory_space<vmem>>
      tpu.wait_dma2 semaphore(%arg9 : memref<!tpu.dma_semaphore, #tpu.memory_space<semaphore_mem>>) src(%dma_wait3A_588 : memref<40x128xf32, #tpu.memory_space<vmem>>) dst(%dma_wait3A_584 : memref<40x128xf32, #tpu.memory_space<vmem_shared>>)
    } else {
    }
    %barrier3A = arith.constant 0 : index
    tpu.barrier barrier_id(%barrier3A)
    %scan3A_55 = arith.constant 0 : i32
    %scan3A_56 = arith.constant 0 : i32
    %scan3A_57 = arith.constant 15 : i32
    %scan3A_58 = arith.addi %scan3A_56, %scan3A_57 : i32
    %scan3A_59 = arith.constant 1 : i32
    scf.for %scan3A_393 = %scan3A_56 to %scan3A_58 step %scan3A_59  : i32 {
      %mul3A_394 = arith.constant 2 : i32
      %mul3A_395 = arith.muli %mul3A_394, %scan3A_393 : i32
      %add3A_396 = arith.constant 0 : i32
      %add3A_397 = arith.addi %mul3A_395, %add3A_396 : i32
      %dma_wait3A_398 = arith.constant 0 : i32
      %dma_wait3A_399 = arith.constant 0 : i32
      %dma_wait3A_400 = arith.constant 0 : i32
      %dma_wait3A_401 = arith.constant 0 : i32
      %dma_wait3A_402 = tpu.memref_slice %arg5[%dma_wait3A_398, %dma_wait3A_399, %dma_wait3A_400, %dma_wait3A_401] : memref<2x4x2x80xi32, #tpu.memory_space<vmem>> -> memref<1x4x2x80xi32, #tpu.memory_space<vmem>>
      %dma_wait3A_403 = tpu.memref_squeeze %dma_wait3A_402 : memref<1x4x2x80xi32, #tpu.memory_space<vmem>> -> memref<4x2x80xi32, #tpu.memory_space<vmem>>
      %dma_wait3A_404 = arith.constant 0 : i32
      %dma_wait3A_405 = arith.constant 0 : i32
      %dma_wait3A_406 = arith.constant 0 : i32
      %dma_wait3A_407 = tpu.memref_slice %arg3[%add3A, %dma_wait3A_404, %dma_wait3A_405, %dma_wait3A_406] : memref<32x128x2x80xi32, #tpu.memory_space<hbm>> -> memref<1x4x2x80xi32, #tpu.memory_space<hbm>>
      %dma_wait3A_408 = tpu.memref_squeeze %dma_wait3A_407 : memref<1x4x2x80xi32, #tpu.memory_space<hbm>> -> memref<4x2x80xi32, #tpu.memory_space<hbm>>
      %dma_wait3A_409 = arith.constant 0 : i32
      %dma_wait3A_410 = arith.constant 0 : i32
      %dma_wait3A_411 = arith.constant 0 : i32
      %dma_wait3A_412 = tpu.memref_slice %arg5[%dma_wait3A_398, %dma_wait3A_409, %dma_wait3A_410, %dma_wait3A_411] : memref<2x4x2x80xi32, #tpu.memory_space<vmem>> -> memref<1x4x2x80xi32, #tpu.memory_space<vmem>>
      %dma_wait3A_413 = tpu.memref_squeeze %dma_wait3A_412 : memref<1x4x2x80xi32, #tpu.memory_space<vmem>> -> memref<4x2x80xi32, #tpu.memory_space<vmem>>
      %dma_wait3A_414 = arith.constant 0 : i32
      %dma_wait3A_415 = arith.constant 0 : i32
      %dma_wait3A_416 = arith.constant 0 : i32
      %dma_wait3A_417 = tpu.memref_slice %arg3[%add3A, %dma_wait3A_414, %dma_wait3A_415, %dma_wait3A_416] : memref<32x128x2x80xi32, #tpu.memory_space<hbm>> -> memref<1x4x2x80xi32, #tpu.memory_space<hbm>>
      %dma_wait3A_418 = tpu.memref_squeeze %dma_wait3A_417 : memref<1x4x2x80xi32, #tpu.memory_space<hbm>> -> memref<4x2x80xi32, #tpu.memory_space<hbm>>
      tpu.wait_dma2 semaphore(%arg10 : memref<!tpu.dma_semaphore, #tpu.memory_space<semaphore_mem>>) src(%dma_wait3A_418 : memref<4x2x80xi32, #tpu.memory_space<hbm>>) dst(%dma_wait3A_413 : memref<4x2x80xi32, #tpu.memory_space<vmem>>)
      %dma_start3A_419 = arith.constant 0 : i32
      %dma_start3A_420 = arith.constant 0 : i32
      %dma_start3A_421 = arith.constant 0 : i32
      %dma_start3A_422 = arith.constant 0 : i32
      %dma_start3A_423 = arith.constant 0 : i32
      %dma_start3A_424 = arith.constant 0 : i32
      %dma_start3A_425 = tpu.memref_slice %arg6[%dma_start3A_422, %dma_start3A_423, %dma_start3A_424] : memref<4x80x128xf32, #tpu.memory_space<vmem>> -> memref<1x80x128xf32, #tpu.memory_space<vmem>>
      %dma_start3A_426 = tpu.memref_squeeze %dma_start3A_425 : memref<1x80x128xf32, #tpu.memory_space<vmem>> -> memref<80x128xf32, #tpu.memory_space<vmem>>
      %dma_start3A_427 = arith.constant 0 : i32
      %dma_start3A_428 = tpu.memref_slice %arg5[%dma_start3A_419, %dma_start3A_420, %dma_start3A_421, %dma_start3A_427] : memref<2x4x2x80xi32, #tpu.memory_space<vmem>> -> memref<1x1x1x80xi32, #tpu.memory_space<vmem>>
      %dma_start3A_429 = tpu.memref_squeeze %dma_start3A_428 : memref<1x1x1x80xi32, #tpu.memory_space<vmem>> -> memref<80xi32, #tpu.memory_space<vmem>>
      %dma_start3A_430 = arith.constant 0 : i32
      %dma_start3A_431 = arith.constant 0 : i32
      %dma_start3A_432 = tpu.memref_slice %arg2[%dma_start3A_430, %dma_start3A_431] : memref<10000x128xf32, #tpu.memory_space<hbm>> -> memref<10000x128xf32, #tpu.memory_space<hbm>>
      tpu.enqueue_indirect_dma source(%dma_start3A_432 : memref<10000x128xf32, #tpu.memory_space<hbm>>) target(%dma_start3A_426 : memref<80x128xf32, #tpu.memory_space<vmem>>) offsets(%dma_start3A_429 : memref<80xi32, #tpu.memory_space<vmem>>) semaphore(%arg8 : memref<!tpu.dma_semaphore, #tpu.memory_space<semaphore_mem>>)
      %dma_start3A_433 = arith.constant 0 : i32
      %dma_start3A_434 = arith.constant 1 : i32
      %dma_start3A_435 = arith.constant 0 : i32
      %dma_start3A_436 = arith.constant 1 : i32
      %dma_start3A_437 = arith.constant 0 : i32
      %dma_start3A_438 = arith.constant 0 : i32
      %dma_start3A_439 = tpu.memref_slice %arg6[%dma_start3A_436, %dma_start3A_437, %dma_start3A_438] : memref<4x80x128xf32, #tpu.memory_space<vmem>> -> memref<1x80x128xf32, #tpu.memory_space<vmem>>
      %dma_start3A_440 = tpu.memref_squeeze %dma_start3A_439 : memref<1x80x128xf32, #tpu.memory_space<vmem>> -> memref<80x128xf32, #tpu.memory_space<vmem>>
      %dma_start3A_441 = arith.constant 0 : i32
      %dma_start3A_442 = tpu.memref_slice %arg5[%dma_start3A_433, %dma_start3A_434, %dma_start3A_435, %dma_start3A_441] : memref<2x4x2x80xi32, #tpu.memory_space<vmem>> -> memref<1x1x1x80xi32, #tpu.memory_space<vmem>>
      %dma_start3A_443 = tpu.memref_squeeze %dma_start3A_442 : memref<1x1x1x80xi32, #tpu.memory_space<vmem>> -> memref<80xi32, #tpu.memory_space<vmem>>
      %dma_start3A_444 = arith.constant 0 : i32
      %dma_start3A_445 = arith.constant 0 : i32
      %dma_start3A_446 = tpu.memref_slice %arg2[%dma_start3A_444, %dma_start3A_445] : memref<10000x128xf32, #tpu.memory_space<hbm>> -> memref<10000x128xf32, #tpu.memory_space<hbm>>
      tpu.enqueue_indirect_dma source(%dma_start3A_446 : memref<10000x128xf32, #tpu.memory_space<hbm>>) target(%dma_start3A_440 : memref<80x128xf32, #tpu.memory_space<vmem>>) offsets(%dma_start3A_443 : memref<80xi32, #tpu.memory_space<vmem>>) semaphore(%arg8 : memref<!tpu.dma_semaphore, #tpu.memory_space<semaphore_mem>>)
      %dma_start3A_447 = arith.constant 0 : i32
      %dma_start3A_448 = arith.constant 2 : i32
      %dma_start3A_449 = arith.constant 0 : i32
      %dma_start3A_450 = arith.constant 2 : i32
      %dma_start3A_451 = arith.constant 0 : i32
      %dma_start3A_452 = arith.constant 0 : i32
      %dma_start3A_453 = tpu.memref_slice %arg6[%dma_start3A_450, %dma_start3A_451, %dma_start3A_452] : memref<4x80x128xf32, #tpu.memory_space<vmem>> -> memref<1x80x128xf32, #tpu.memory_space<vmem>>
      %dma_start3A_454 = tpu.memref_squeeze %dma_start3A_453 : memref<1x80x128xf32, #tpu.memory_space<vmem>> -> memref<80x128xf32, #tpu.memory_space<vmem>>
      %dma_start3A_455 = arith.constant 0 : i32
      %dma_start3A_456 = tpu.memref_slice %arg5[%dma_start3A_447, %dma_start3A_448, %dma_start3A_449, %dma_start3A_455] : memref<2x4x2x80xi32, #tpu.memory_space<vmem>> -> memref<1x1x1x80xi32, #tpu.memory_space<vmem>>
      %dma_start3A_457 = tpu.memref_squeeze %dma_start3A_456 : memref<1x1x1x80xi32, #tpu.memory_space<vmem>> -> memref<80xi32, #tpu.memory_space<vmem>>
      %dma_start3A_458 = arith.constant 0 : i32
      %dma_start3A_459 = arith.constant 0 : i32
      %dma_start3A_460 = tpu.memref_slice %arg2[%dma_start3A_458, %dma_start3A_459] : memref<10000x128xf32, #tpu.memory_space<hbm>> -> memref<10000x128xf32, #tpu.memory_space<hbm>>
      tpu.enqueue_indirect_dma source(%dma_start3A_460 : memref<10000x128xf32, #tpu.memory_space<hbm>>) target(%dma_start3A_454 : memref<80x128xf32, #tpu.memory_space<vmem>>) offsets(%dma_start3A_457 : memref<80xi32, #tpu.memory_space<vmem>>) semaphore(%arg8 : memref<!tpu.dma_semaphore, #tpu.memory_space<semaphore_mem>>)
      %dma_start3A_461 = arith.constant 0 : i32
      %dma_start3A_462 = arith.constant 3 : i32
      %dma_start3A_463 = arith.constant 0 : i32
      %dma_start3A_464 = arith.constant 3 : i32
      %dma_start3A_465 = arith.constant 0 : i32
      %dma_start3A_466 = arith.constant 0 : i32
      %dma_start3A_467 = tpu.memref_slice %arg6[%dma_start3A_464, %dma_start3A_465, %dma_start3A_466] : memref<4x80x128xf32, #tpu.memory_space<vmem>> -> memref<1x80x128xf32, #tpu.memory_space<vmem>>
      %dma_start3A_468 = tpu.memref_squeeze %dma_start3A_467 : memref<1x80x128xf32, #tpu.memory_space<vmem>> -> memref<80x128xf32, #tpu.memory_space<vmem>>
      %dma_start3A_469 = arith.constant 0 : i32
      %dma_start3A_470 = tpu.memref_slice %arg5[%dma_start3A_461, %dma_start3A_462, %dma_start3A_463, %dma_start3A_469] : memref<2x4x2x80xi32, #tpu.memory_space<vmem>> -> memref<1x1x1x80xi32, #tpu.memory_space<vmem>>
      %dma_start3A_471 = tpu.memref_squeeze %dma_start3A_470 : memref<1x1x1x80xi32, #tpu.memory_space<vmem>> -> memref<80xi32, #tpu.memory_space<vmem>>
      %dma_start3A_472 = arith.constant 0 : i32
      %dma_start3A_473 = arith.constant 0 : i32
      %dma_start3A_474 = tpu.memref_slice %arg2[%dma_start3A_472, %dma_start3A_473] : memref<10000x128xf32, #tpu.memory_space<hbm>> -> memref<10000x128xf32, #tpu.memory_space<hbm>>
      tpu.enqueue_indirect_dma source(%dma_start3A_474 : memref<10000x128xf32, #tpu.memory_space<hbm>>) target(%dma_start3A_468 : memref<80x128xf32, #tpu.memory_space<vmem>>) offsets(%dma_start3A_471 : memref<80xi32, #tpu.memory_space<vmem>>) semaphore(%arg8 : memref<!tpu.dma_semaphore, #tpu.memory_space<semaphore_mem>>)
      %dma_wait3A_475 = arith.constant 0 : i32
      %dma_wait3A_476 = arith.constant 0 : i32
      %dma_wait3A_477 = arith.constant 0 : i32
      %dma_wait3A_478 = arith.constant 0 : i32
      %dma_wait3A_479 = arith.constant 0 : i32
      %dma_wait3A_480 = arith.constant 0 : i32
      %dma_wait3A_481 = tpu.memref_slice %arg6[%dma_wait3A_478, %dma_wait3A_479, %dma_wait3A_480] : memref<4x80x128xf32, #tpu.memory_space<vmem>> -> memref<1x80x128xf32, #tpu.memory_space<vmem>>
      %dma_wait3A_482 = tpu.memref_squeeze %dma_wait3A_481 : memref<1x80x128xf32, #tpu.memory_space<vmem>> -> memref<80x128xf32, #tpu.memory_space<vmem>>
      %dma_wait3A_483 = arith.constant 0 : i32
      %dma_wait3A_484 = tpu.memref_slice %arg5[%dma_wait3A_475, %dma_wait3A_476, %dma_wait3A_477, %dma_wait3A_483] : memref<2x4x2x80xi32, #tpu.memory_space<vmem>> -> memref<1x1x1x80xi32, #tpu.memory_space<vmem>>
      %dma_wait3A_485 = tpu.memref_squeeze %dma_wait3A_484 : memref<1x1x1x80xi32, #tpu.memory_space<vmem>> -> memref<80xi32, #tpu.memory_space<vmem>>
      %dma_wait3A_486 = arith.constant 0 : i32
      %dma_wait3A_487 = arith.constant 0 : i32
      %dma_wait3A_488 = tpu.memref_slice %arg2[%dma_wait3A_486, %dma_wait3A_487] : memref<10000x128xf32, #tpu.memory_space<hbm>> -> memref<10000x128xf32, #tpu.memory_space<hbm>>
      tpu.wait_indirect_dma semaphore(%arg8 : memref<!tpu.dma_semaphore, #tpu.memory_space<semaphore_mem>>) src(%dma_wait3A_488 : memref<10000x128xf32, #tpu.memory_space<hbm>>) dst(%dma_wait3A_482 : memref<80x128xf32, #tpu.memory_space<vmem>>)
      %dma_start3A_489 = arith.constant 0 : i32
      %dma_start3A_490 = arith.constant 0 : i32
      %dma_start3A_491 = arith.constant 0 : i32
      %dma_start3A_492 = arith.constant 1 : i32
      %dma_start3A_493 = arith.constant 0 : i32
      %dma_start3A_494 = arith.constant 0 : i32
      %dma_start3A_495 = tpu.memref_slice %arg6[%dma_start3A_489, %dma_start3A_493, %dma_start3A_494] : memref<4x80x128xf32, #tpu.memory_space<vmem>> -> memref<1x80x128xf32, #tpu.memory_space<vmem>>
      %dma_start3A_496 = tpu.memref_squeeze %dma_start3A_495 : memref<1x80x128xf32, #tpu.memory_space<vmem>> -> memref<80x128xf32, #tpu.memory_space<vmem>>
      %dma_start3A_497 = arith.constant 0 : i32
      %dma_start3A_498 = tpu.memref_slice %arg5[%dma_start3A_490, %dma_start3A_491, %dma_start3A_492, %dma_start3A_497] : memref<2x4x2x80xi32, #tpu.memory_space<vmem>> -> memref<1x1x1x80xi32, #tpu.memory_space<vmem>>
      %dma_start3A_499 = tpu.memref_squeeze %dma_start3A_498 : memref<1x1x1x80xi32, #tpu.memory_space<vmem>> -> memref<80xi32, #tpu.memory_space<vmem>>
      %dma_start3A_500 = arith.constant 0 : i32
      %dma_start3A_501 = arith.constant 0 : i32
      %dma_start3A_502 = tpu.memref_slice %arg7[%dma_start3A_500, %dma_start3A_501] : memref<10000x128xf32, #tpu.memory_space<vmem_shared>> -> memref<10000x128xf32, #tpu.memory_space<vmem_shared>>
      tpu.enqueue_indirect_dma source(%dma_start3A_496 : memref<80x128xf32, #tpu.memory_space<vmem>>) target(%dma_start3A_502 : memref<10000x128xf32, #tpu.memory_space<vmem_shared>>) offsets(%dma_start3A_499 : memref<80xi32, #tpu.memory_space<vmem>>) semaphore(%arg9 : memref<!tpu.dma_semaphore, #tpu.memory_space<semaphore_mem>>) {add = true}
      %dma_wait3A_503 = arith.constant 0 : i32
      %dma_wait3A_504 = arith.constant 1 : i32
      %dma_wait3A_505 = arith.constant 0 : i32
      %dma_wait3A_506 = arith.constant 1 : i32
      %dma_wait3A_507 = arith.constant 0 : i32
      %dma_wait3A_508 = arith.constant 0 : i32
      %dma_wait3A_509 = tpu.memref_slice %arg6[%dma_wait3A_506, %dma_wait3A_507, %dma_wait3A_508] : memref<4x80x128xf32, #tpu.memory_space<vmem>> -> memref<1x80x128xf32, #tpu.memory_space<vmem>>
      %dma_wait3A_510 = tpu.memref_squeeze %dma_wait3A_509 : memref<1x80x128xf32, #tpu.memory_space<vmem>> -> memref<80x128xf32, #tpu.memory_space<vmem>>
      %dma_wait3A_511 = arith.constant 0 : i32
      %dma_wait3A_512 = tpu.memref_slice %arg5[%dma_wait3A_503, %dma_wait3A_504, %dma_wait3A_505, %dma_wait3A_511] : memref<2x4x2x80xi32, #tpu.memory_space<vmem>> -> memref<1x1x1x80xi32, #tpu.memory_space<vmem>>
      %dma_wait3A_513 = tpu.memref_squeeze %dma_wait3A_512 : memref<1x1x1x80xi32, #tpu.memory_space<vmem>> -> memref<80xi32, #tpu.memory_space<vmem>>
      %dma_wait3A_514 = arith.constant 0 : i32
      %dma_wait3A_515 = arith.constant 0 : i32
      %dma_wait3A_516 = tpu.memref_slice %arg2[%dma_wait3A_514, %dma_wait3A_515] : memref<10000x128xf32, #tpu.memory_space<hbm>> -> memref<10000x128xf32, #tpu.memory_space<hbm>>
      tpu.wait_indirect_dma semaphore(%arg8 : memref<!tpu.dma_semaphore, #tpu.memory_space<semaphore_mem>>) src(%dma_wait3A_516 : memref<10000x128xf32, #tpu.memory_space<hbm>>) dst(%dma_wait3A_510 : memref<80x128xf32, #tpu.memory_space<vmem>>)
      %dma_start3A_517 = arith.constant 1 : i32
      %dma_start3A_518 = arith.constant 0 : i32
      %dma_start3A_519 = arith.constant 1 : i32
      %dma_start3A_520 = arith.constant 1 : i32
      %dma_start3A_521 = arith.constant 0 : i32
      %dma_start3A_522 = arith.constant 0 : i32
      %dma_start3A_523 = tpu.memref_slice %arg6[%dma_start3A_517, %dma_start3A_521, %dma_start3A_522] : memref<4x80x128xf32, #tpu.memory_space<vmem>> -> memref<1x80x128xf32, #tpu.memory_space<vmem>>
      %dma_start3A_524 = tpu.memref_squeeze %dma_start3A_523 : memref<1x80x128xf32, #tpu.memory_space<vmem>> -> memref<80x128xf32, #tpu.memory_space<vmem>>
      %dma_start3A_525 = arith.constant 0 : i32
      %dma_start3A_526 = tpu.memref_slice %arg5[%dma_start3A_518, %dma_start3A_519, %dma_start3A_520, %dma_start3A_525] : memref<2x4x2x80xi32, #tpu.memory_space<vmem>> -> memref<1x1x1x80xi32, #tpu.memory_space<vmem>>
      %dma_start3A_527 = tpu.memref_squeeze %dma_start3A_526 : memref<1x1x1x80xi32, #tpu.memory_space<vmem>> -> memref<80xi32, #tpu.memory_space<vmem>>
      %dma_start3A_528 = arith.constant 0 : i32
      %dma_start3A_529 = arith.constant 0 : i32
      %dma_start3A_530 = tpu.memref_slice %arg7[%dma_start3A_528, %dma_start3A_529] : memref<10000x128xf32, #tpu.memory_space<vmem_shared>> -> memref<10000x128xf32, #tpu.memory_space<vmem_shared>>
      tpu.enqueue_indirect_dma source(%dma_start3A_524 : memref<80x128xf32, #tpu.memory_space<vmem>>) target(%dma_start3A_530 : memref<10000x128xf32, #tpu.memory_space<vmem_shared>>) offsets(%dma_start3A_527 : memref<80xi32, #tpu.memory_space<vmem>>) semaphore(%arg9 : memref<!tpu.dma_semaphore, #tpu.memory_space<semaphore_mem>>) {add = true}
      %dma_wait3A_531 = arith.constant 0 : i32
      %dma_wait3A_532 = arith.constant 2 : i32
      %dma_wait3A_533 = arith.constant 0 : i32
      %dma_wait3A_534 = arith.constant 2 : i32
      %dma_wait3A_535 = arith.constant 0 : i32
      %dma_wait3A_536 = arith.constant 0 : i32
      %dma_wait3A_537 = tpu.memref_slice %arg6[%dma_wait3A_534, %dma_wait3A_535, %dma_wait3A_536] : memref<4x80x128xf32, #tpu.memory_space<vmem>> -> memref<1x80x128xf32, #tpu.memory_space<vmem>>
      %dma_wait3A_538 = tpu.memref_squeeze %dma_wait3A_537 : memref<1x80x128xf32, #tpu.memory_space<vmem>> -> memref<80x128xf32, #tpu.memory_space<vmem>>
      %dma_wait3A_539 = arith.constant 0 : i32
      %dma_wait3A_540 = tpu.memref_slice %arg5[%dma_wait3A_531, %dma_wait3A_532, %dma_wait3A_533, %dma_wait3A_539] : memref<2x4x2x80xi32, #tpu.memory_space<vmem>> -> memref<1x1x1x80xi32, #tpu.memory_space<vmem>>
      %dma_wait3A_541 = tpu.memref_squeeze %dma_wait3A_540 : memref<1x1x1x80xi32, #tpu.memory_space<vmem>> -> memref<80xi32, #tpu.memory_space<vmem>>
      %dma_wait3A_542 = arith.constant 0 : i32
      %dma_wait3A_543 = arith.constant 0 : i32
      %dma_wait3A_544 = tpu.memref_slice %arg2[%dma_wait3A_542, %dma_wait3A_543] : memref<10000x128xf32, #tpu.memory_space<hbm>> -> memref<10000x128xf32, #tpu.memory_space<hbm>>
      tpu.wait_indirect_dma semaphore(%arg8 : memref<!tpu.dma_semaphore, #tpu.memory_space<semaphore_mem>>) src(%dma_wait3A_544 : memref<10000x128xf32, #tpu.memory_space<hbm>>) dst(%dma_wait3A_538 : memref<80x128xf32, #tpu.memory_space<vmem>>)
      %dma_start3A_545 = arith.constant 2 : i32
      %dma_start3A_546 = arith.constant 0 : i32
      %dma_start3A_547 = arith.constant 2 : i32
      %dma_start3A_548 = arith.constant 1 : i32
      %dma_start3A_549 = arith.constant 0 : i32
      %dma_start3A_550 = arith.constant 0 : i32
      %dma_start3A_551 = tpu.memref_slice %arg6[%dma_start3A_545, %dma_start3A_549, %dma_start3A_550] : memref<4x80x128xf32, #tpu.memory_space<vmem>> -> memref<1x80x128xf32, #tpu.memory_space<vmem>>
      %dma_start3A_552 = tpu.memref_squeeze %dma_start3A_551 : memref<1x80x128xf32, #tpu.memory_space<vmem>> -> memref<80x128xf32, #tpu.memory_space<vmem>>
      %dma_start3A_553 = arith.constant 0 : i32
      %dma_start3A_554 = tpu.memref_slice %arg5[%dma_start3A_546, %dma_start3A_547, %dma_start3A_548, %dma_start3A_553] : memref<2x4x2x80xi32, #tpu.memory_space<vmem>> -> memref<1x1x1x80xi32, #tpu.memory_space<vmem>>
      %dma_start3A_555 = tpu.memref_squeeze %dma_start3A_554 : memref<1x1x1x80xi32, #tpu.memory_space<vmem>> -> memref<80xi32, #tpu.memory_space<vmem>>
      %dma_start3A_556 = arith.constant 0 : i32
      %dma_start3A_557 = arith.constant 0 : i32
      %dma_start3A_558 = tpu.memref_slice %arg7[%dma_start3A_556, %dma_start3A_557] : memref<10000x128xf32, #tpu.memory_space<vmem_shared>> -> memref<10000x128xf32, #tpu.memory_space<vmem_shared>>
      tpu.enqueue_indirect_dma source(%dma_start3A_552 : memref<80x128xf32, #tpu.memory_space<vmem>>) target(%dma_start3A_558 : memref<10000x128xf32, #tpu.memory_space<vmem_shared>>) offsets(%dma_start3A_555 : memref<80xi32, #tpu.memory_space<vmem>>) semaphore(%arg9 : memref<!tpu.dma_semaphore, #tpu.memory_space<semaphore_mem>>) {add = true}
      %dma_wait3A_559 = arith.constant 0 : i32
      %dma_wait3A_560 = arith.constant 3 : i32
      %dma_wait3A_561 = arith.constant 0 : i32
      %dma_wait3A_562 = arith.constant 3 : i32
      %dma_wait3A_563 = arith.constant 0 : i32
      %dma_wait3A_564 = arith.constant 0 : i32
      %dma_wait3A_565 = tpu.memref_slice %arg6[%dma_wait3A_562, %dma_wait3A_563, %dma_wait3A_564] : memref<4x80x128xf32, #tpu.memory_space<vmem>> -> memref<1x80x128xf32, #tpu.memory_space<vmem>>
      %dma_wait3A_566 = tpu.memref_squeeze %dma_wait3A_565 : memref<1x80x128xf32, #tpu.memory_space<vmem>> -> memref<80x128xf32, #tpu.memory_space<vmem>>
      %dma_wait3A_567 = arith.constant 0 : i32
      %dma_wait3A_568 = tpu.memref_slice %arg5[%dma_wait3A_559, %dma_wait3A_560, %dma_wait3A_561, %dma_wait3A_567] : memref<2x4x2x80xi32, #tpu.memory_space<vmem>> -> memref<1x1x1x80xi32, #tpu.memory_space<vmem>>
      %dma_wait3A_569 = tpu.memref_squeeze %dma_wait3A_568 : memref<1x1x1x80xi32, #tpu.memory_space<vmem>> -> memref<80xi32, #tpu.memory_space<vmem>>
      %dma_wait3A_570 = arith.constant 0 : i32
      %dma_wait3A_571 = arith.constant 0 : i32
      %dma_wait3A_572 = tpu.memref_slice %arg2[%dma_wait3A_570, %dma_wait3A_571] : memref<10000x128xf32, #tpu.memory_space<hbm>> -> memref<10000x128xf32, #tpu.memory_space<hbm>>
      tpu.wait_indirect_dma semaphore(%arg8 : memref<!tpu.dma_semaphore, #tpu.memory_space<semaphore_mem>>) src(%dma_wait3A_572 : memref<10000x128xf32, #tpu.memory_space<hbm>>) dst(%dma_wait3A_566 : memref<80x128xf32, #tpu.memory_space<vmem>>)
      %dma_start3A_573 = arith.constant 3 : i32
      %dma_start3A_574 = arith.constant 0 : i32
      %dma_start3A_575 = arith.constant 3 : i32
      %dma_start3A_576 = arith.constant 1 : i32
      %dma_start3A_577 = arith.constant 0 : i32
      %dma_start3A_578 = arith.constant 0 : i32
      %dma_start3A_579 = tpu.memref_slice %arg6[%dma_start3A_573, %dma_start3A_577, %dma_start3A_578] : memref<4x80x128xf32, #tpu.memory_space<vmem>> -> memref<1x80x128xf32, #tpu.memory_space<vmem>>
      %dma_start3A_580 = tpu.memref_squeeze %dma_start3A_579 : memref<1x80x128xf32, #tpu.memory_space<vmem>> -> memref<80x128xf32, #tpu.memory_space<vmem>>
      %dma_start3A_581 = arith.constant 0 : i32
      %dma_start3A_582 = tpu.memref_slice %arg5[%dma_start3A_574, %dma_start3A_575, %dma_start3A_576, %dma_start3A_581] : memref<2x4x2x80xi32, #tpu.memory_space<vmem>> -> memref<1x1x1x80xi32, #tpu.memory_space<vmem>>
      %dma_start3A_583 = tpu.memref_squeeze %dma_start3A_582 : memref<1x1x1x80xi32, #tpu.memory_space<vmem>> -> memref<80xi32, #tpu.memory_space<vmem>>
      %dma_start3A_584 = arith.constant 0 : i32
      %dma_start3A_585 = arith.constant 0 : i32
      %dma_start3A_586 = tpu.memref_slice %arg7[%dma_start3A_584, %dma_start3A_585] : memref<10000x128xf32, #tpu.memory_space<vmem_shared>> -> memref<10000x128xf32, #tpu.memory_space<vmem_shared>>
      tpu.enqueue_indirect_dma source(%dma_start3A_580 : memref<80x128xf32, #tpu.memory_space<vmem>>) target(%dma_start3A_586 : memref<10000x128xf32, #tpu.memory_space<vmem_shared>>) offsets(%dma_start3A_583 : memref<80xi32, #tpu.memory_space<vmem>>) semaphore(%arg9 : memref<!tpu.dma_semaphore, #tpu.memory_space<semaphore_mem>>) {add = true}
      %dma_wait3A_587 = arith.constant 0 : i32
      %dma_wait3A_588 = arith.constant 0 : i32
      %dma_wait3A_589 = arith.constant 0 : i32
      %dma_wait3A_590 = arith.constant 1 : i32
      %dma_wait3A_591 = arith.constant 0 : i32
      %dma_wait3A_592 = arith.constant 0 : i32
      %dma_wait3A_593 = tpu.memref_slice %arg6[%dma_wait3A_587, %dma_wait3A_591, %dma_wait3A_592] : memref<4x80x128xf32, #tpu.memory_space<vmem>> -> memref<1x80x128xf32, #tpu.memory_space<vmem>>
      %dma_wait3A_594 = tpu.memref_squeeze %dma_wait3A_593 : memref<1x80x128xf32, #tpu.memory_space<vmem>> -> memref<80x128xf32, #tpu.memory_space<vmem>>
      %dma_wait3A_595 = arith.constant 0 : i32
      %dma_wait3A_596 = tpu.memref_slice %arg5[%dma_wait3A_588, %dma_wait3A_589, %dma_wait3A_590, %dma_wait3A_595] : memref<2x4x2x80xi32, #tpu.memory_space<vmem>> -> memref<1x1x1x80xi32, #tpu.memory_space<vmem>>
      %dma_wait3A_597 = tpu.memref_squeeze %dma_wait3A_596 : memref<1x1x1x80xi32, #tpu.memory_space<vmem>> -> memref<80xi32, #tpu.memory_space<vmem>>
      %dma_wait3A_598 = arith.constant 0 : i32
      %dma_wait3A_599 = arith.constant 0 : i32
      %dma_wait3A_600 = tpu.memref_slice %arg7[%dma_wait3A_598, %dma_wait3A_599] : memref<10000x128xf32, #tpu.memory_space<vmem_shared>> -> memref<10000x128xf32, #tpu.memory_space<vmem_shared>>
      tpu.wait_indirect_dma semaphore(%arg9 : memref<!tpu.dma_semaphore, #tpu.memory_space<semaphore_mem>>) src(%dma_wait3A_594 : memref<80x128xf32, #tpu.memory_space<vmem>>) dst(%dma_wait3A_600 : memref<10000x128xf32, #tpu.memory_space<vmem_shared>>)
      %dma_wait3A_601 = arith.constant 1 : i32
      %dma_wait3A_602 = arith.constant 0 : i32
      %dma_wait3A_603 = arith.constant 1 : i32
      %dma_wait3A_604 = arith.constant 1 : i32
      %dma_wait3A_605 = arith.constant 0 : i32
      %dma_wait3A_606 = arith.constant 0 : i32
      %dma_wait3A_607 = tpu.memref_slice %arg6[%dma_wait3A_601, %dma_wait3A_605, %dma_wait3A_606] : memref<4x80x128xf32, #tpu.memory_space<vmem>> -> memref<1x80x128xf32, #tpu.memory_space<vmem>>
      %dma_wait3A_608 = tpu.memref_squeeze %dma_wait3A_607 : memref<1x80x128xf32, #tpu.memory_space<vmem>> -> memref<80x128xf32, #tpu.memory_space<vmem>>
      %dma_wait3A_609 = arith.constant 0 : i32
      %dma_wait3A_610 = tpu.memref_slice %arg5[%dma_wait3A_602, %dma_wait3A_603, %dma_wait3A_604, %dma_wait3A_609] : memref<2x4x2x80xi32, #tpu.memory_space<vmem>> -> memref<1x1x1x80xi32, #tpu.memory_space<vmem>>
      %dma_wait3A_611 = tpu.memref_squeeze %dma_wait3A_610 : memref<1x1x1x80xi32, #tpu.memory_space<vmem>> -> memref<80xi32, #tpu.memory_space<vmem>>
      %dma_wait3A_612 = arith.constant 0 : i32
      %dma_wait3A_613 = arith.constant 0 : i32
      %dma_wait3A_614 = tpu.memref_slice %arg7[%dma_wait3A_612, %dma_wait3A_613] : memref<10000x128xf32, #tpu.memory_space<vmem_shared>> -> memref<10000x128xf32, #tpu.memory_space<vmem_shared>>
      tpu.wait_indirect_dma semaphore(%arg9 : memref<!tpu.dma_semaphore, #tpu.memory_space<semaphore_mem>>) src(%dma_wait3A_608 : memref<80x128xf32, #tpu.memory_space<vmem>>) dst(%dma_wait3A_614 : memref<10000x128xf32, #tpu.memory_space<vmem_shared>>)
      %dma_wait3A_615 = arith.constant 2 : i32
      %dma_wait3A_616 = arith.constant 0 : i32
      %dma_wait3A_617 = arith.constant 2 : i32
      %dma_wait3A_618 = arith.constant 1 : i32
      %dma_wait3A_619 = arith.constant 0 : i32
      %dma_wait3A_620 = arith.constant 0 : i32
      %dma_wait3A_621 = tpu.memref_slice %arg6[%dma_wait3A_615, %dma_wait3A_619, %dma_wait3A_620] : memref<4x80x128xf32, #tpu.memory_space<vmem>> -> memref<1x80x128xf32, #tpu.memory_space<vmem>>
      %dma_wait3A_622 = tpu.memref_squeeze %dma_wait3A_621 : memref<1x80x128xf32, #tpu.memory_space<vmem>> -> memref<80x128xf32, #tpu.memory_space<vmem>>
      %dma_wait3A_623 = arith.constant 0 : i32
      %dma_wait3A_624 = tpu.memref_slice %arg5[%dma_wait3A_616, %dma_wait3A_617, %dma_wait3A_618, %dma_wait3A_623] : memref<2x4x2x80xi32, #tpu.memory_space<vmem>> -> memref<1x1x1x80xi32, #tpu.memory_space<vmem>>
      %dma_wait3A_625 = tpu.memref_squeeze %dma_wait3A_624 : memref<1x1x1x80xi32, #tpu.memory_space<vmem>> -> memref<80xi32, #tpu.memory_space<vmem>>
      %dma_wait3A_626 = arith.constant 0 : i32
      %dma_wait3A_627 = arith.constant 0 : i32
      %dma_wait3A_628 = tpu.memref_slice %arg7[%dma_wait3A_626, %dma_wait3A_627] : memref<10000x128xf32, #tpu.memory_space<vmem_shared>> -> memref<10000x128xf32, #tpu.memory_space<vmem_shared>>
      tpu.wait_indirect_dma semaphore(%arg9 : memref<!tpu.dma_semaphore, #tpu.memory_space<semaphore_mem>>) src(%dma_wait3A_622 : memref<80x128xf32, #tpu.memory_space<vmem>>) dst(%dma_wait3A_628 : memref<10000x128xf32, #tpu.memory_space<vmem_shared>>)
      %dma_wait3A_629 = arith.constant 3 : i32
      %dma_wait3A_630 = arith.constant 0 : i32
      %dma_wait3A_631 = arith.constant 3 : i32
      %dma_wait3A_632 = arith.constant 1 : i32
      %dma_wait3A_633 = arith.constant 0 : i32
      %dma_wait3A_634 = arith.constant 0 : i32
      %dma_wait3A_635 = tpu.memref_slice %arg6[%dma_wait3A_629, %dma_wait3A_633, %dma_wait3A_634] : memref<4x80x128xf32, #tpu.memory_space<vmem>> -> memref<1x80x128xf32, #tpu.memory_space<vmem>>
      %dma_wait3A_636 = tpu.memref_squeeze %dma_wait3A_635 : memref<1x80x128xf32, #tpu.memory_space<vmem>> -> memref<80x128xf32, #tpu.memory_space<vmem>>
      %dma_wait3A_637 = arith.constant 0 : i32
      %dma_wait3A_638 = tpu.memref_slice %arg5[%dma_wait3A_630, %dma_wait3A_631, %dma_wait3A_632, %dma_wait3A_637] : memref<2x4x2x80xi32, #tpu.memory_space<vmem>> -> memref<1x1x1x80xi32, #tpu.memory_space<vmem>>
      %dma_wait3A_639 = tpu.memref_squeeze %dma_wait3A_638 : memref<1x1x1x80xi32, #tpu.memory_space<vmem>> -> memref<80xi32, #tpu.memory_space<vmem>>
      %dma_wait3A_640 = arith.constant 0 : i32
      %dma_wait3A_641 = arith.constant 0 : i32
      %dma_wait3A_642 = tpu.memref_slice %arg7[%dma_wait3A_640, %dma_wait3A_641] : memref<10000x128xf32, #tpu.memory_space<vmem_shared>> -> memref<10000x128xf32, #tpu.memory_space<vmem_shared>>
      tpu.wait_indirect_dma semaphore(%arg9 : memref<!tpu.dma_semaphore, #tpu.memory_space<semaphore_mem>>) src(%dma_wait3A_636 : memref<80x128xf32, #tpu.memory_space<vmem>>) dst(%dma_wait3A_642 : memref<10000x128xf32, #tpu.memory_space<vmem_shared>>)
      %add3A_643 = arith.constant 2 : i32
      %add3A_644 = arith.addi %add3A_397, %add3A_643 : i32
      %mul3A_645 = arith.constant 4 : i32
      %mul3A_646 = arith.muli %add3A_644, %mul3A_645 : i32
      %dma_start3A_647 = arith.constant 0 : i32
      %dma_start3A_648 = arith.constant 0 : i32
      %dma_start3A_649 = arith.constant 0 : i32
      %dma_start3A_650 = arith.constant 0 : i32
      %dma_start3A_651 = tpu.memref_slice %arg5[%dma_start3A_647, %dma_start3A_648, %dma_start3A_649, %dma_start3A_650] : memref<2x4x2x80xi32, #tpu.memory_space<vmem>> -> memref<1x4x2x80xi32, #tpu.memory_space<vmem>>
      %dma_start3A_652 = tpu.memref_squeeze %dma_start3A_651 : memref<1x4x2x80xi32, #tpu.memory_space<vmem>> -> memref<4x2x80xi32, #tpu.memory_space<vmem>>
      %dma_start3A_653 = arith.constant 0 : i32
      %dma_start3A_654 = arith.constant 0 : i32
      %dma_start3A_655 = tpu.memref_slice %arg3[%add3A, %mul3A_646, %dma_start3A_653, %dma_start3A_654] : memref<32x128x2x80xi32, #tpu.memory_space<hbm>> -> memref<1x4x2x80xi32, #tpu.memory_space<hbm>>
      %dma_start3A_656 = tpu.memref_squeeze %dma_start3A_655 : memref<1x4x2x80xi32, #tpu.memory_space<hbm>> -> memref<4x2x80xi32, #tpu.memory_space<hbm>>
      %dma_start3A_657 = arith.constant 0 : i32
      %dma_start3A_658 = arith.constant 0 : i32
      %dma_start3A_659 = arith.constant 0 : i32
      %dma_start3A_660 = tpu.memref_slice %arg5[%dma_start3A_647, %dma_start3A_657, %dma_start3A_658, %dma_start3A_659] : memref<2x4x2x80xi32, #tpu.memory_space<vmem>> -> memref<1x4x2x80xi32, #tpu.memory_space<vmem>>
      %dma_start3A_661 = tpu.memref_squeeze %dma_start3A_660 : memref<1x4x2x80xi32, #tpu.memory_space<vmem>> -> memref<4x2x80xi32, #tpu.memory_space<vmem>>
      %dma_start3A_662 = arith.constant 0 : i32
      %dma_start3A_663 = arith.constant 0 : i32
      %dma_start3A_664 = tpu.memref_slice %arg3[%add3A, %mul3A_646, %dma_start3A_662, %dma_start3A_663] : memref<32x128x2x80xi32, #tpu.memory_space<hbm>> -> memref<1x4x2x80xi32, #tpu.memory_space<hbm>>
      %dma_start3A_665 = tpu.memref_squeeze %dma_start3A_664 : memref<1x4x2x80xi32, #tpu.memory_space<hbm>> -> memref<4x2x80xi32, #tpu.memory_space<hbm>>
      tpu.enqueue_dma source(%dma_start3A_665 : memref<4x2x80xi32, #tpu.memory_space<hbm>>) target(%dma_start3A_661 : memref<4x2x80xi32, #tpu.memory_space<vmem>>) target_semaphore(%arg10 : memref<!tpu.dma_semaphore, #tpu.memory_space<semaphore_mem>>)
      %mul3A_666 = arith.constant 2 : i32
      %mul3A_667 = arith.muli %mul3A_666, %scan3A_393 : i32
      %add3A_668 = arith.constant 1 : i32
      %add3A_669 = arith.addi %mul3A_667, %add3A_668 : i32
      %dma_wait3A_670 = arith.constant 1 : i32
      %dma_wait3A_671 = arith.constant 0 : i32
      %dma_wait3A_672 = arith.constant 0 : i32
      %dma_wait3A_673 = arith.constant 0 : i32
      %dma_wait3A_674 = tpu.memref_slice %arg5[%dma_wait3A_670, %dma_wait3A_671, %dma_wait3A_672, %dma_wait3A_673] : memref<2x4x2x80xi32, #tpu.memory_space<vmem>> -> memref<1x4x2x80xi32, #tpu.memory_space<vmem>>
      %dma_wait3A_675 = tpu.memref_squeeze %dma_wait3A_674 : memref<1x4x2x80xi32, #tpu.memory_space<vmem>> -> memref<4x2x80xi32, #tpu.memory_space<vmem>>
      %dma_wait3A_676 = arith.constant 0 : i32
      %dma_wait3A_677 = arith.constant 0 : i32
      %dma_wait3A_678 = arith.constant 0 : i32
      %dma_wait3A_679 = tpu.memref_slice %arg3[%add3A, %dma_wait3A_676, %dma_wait3A_677, %dma_wait3A_678] : memref<32x128x2x80xi32, #tpu.memory_space<hbm>> -> memref<1x4x2x80xi32, #tpu.memory_space<hbm>>
      %dma_wait3A_680 = tpu.memref_squeeze %dma_wait3A_679 : memref<1x4x2x80xi32, #tpu.memory_space<hbm>> -> memref<4x2x80xi32, #tpu.memory_space<hbm>>
      %dma_wait3A_681 = arith.constant 0 : i32
      %dma_wait3A_682 = arith.constant 0 : i32
      %dma_wait3A_683 = arith.constant 0 : i32
      %dma_wait3A_684 = tpu.memref_slice %arg5[%dma_wait3A_670, %dma_wait3A_681, %dma_wait3A_682, %dma_wait3A_683] : memref<2x4x2x80xi32, #tpu.memory_space<vmem>> -> memref<1x4x2x80xi32, #tpu.memory_space<vmem>>
      %dma_wait3A_685 = tpu.memref_squeeze %dma_wait3A_684 : memref<1x4x2x80xi32, #tpu.memory_space<vmem>> -> memref<4x2x80xi32, #tpu.memory_space<vmem>>
      %dma_wait3A_686 = arith.constant 0 : i32
      %dma_wait3A_687 = arith.constant 0 : i32
      %dma_wait3A_688 = arith.constant 0 : i32
      %dma_wait3A_689 = tpu.memref_slice %arg3[%add3A, %dma_wait3A_686, %dma_wait3A_687, %dma_wait3A_688] : memref<32x128x2x80xi32, #tpu.memory_space<hbm>> -> memref<1x4x2x80xi32, #tpu.memory_space<hbm>>
      %dma_wait3A_690 = tpu.memref_squeeze %dma_wait3A_689 : memref<1x4x2x80xi32, #tpu.memory_space<hbm>> -> memref<4x2x80xi32, #tpu.memory_space<hbm>>
      tpu.wait_dma2 semaphore(%arg10 : memref<!tpu.dma_semaphore, #tpu.memory_space<semaphore_mem>>) src(%dma_wait3A_690 : memref<4x2x80xi32, #tpu.memory_space<hbm>>) dst(%dma_wait3A_685 : memref<4x2x80xi32, #tpu.memory_space<vmem>>)
      %dma_start3A_691 = arith.constant 1 : i32
      %dma_start3A_692 = arith.constant 0 : i32
      %dma_start3A_693 = arith.constant 0 : i32
      %dma_start3A_694 = arith.constant 0 : i32
      %dma_start3A_695 = arith.constant 0 : i32
      %dma_start3A_696 = arith.constant 0 : i32
      %dma_start3A_697 = tpu.memref_slice %arg6[%dma_start3A_694, %dma_start3A_695, %dma_start3A_696] : memref<4x80x128xf32, #tpu.memory_space<vmem>> -> memref<1x80x128xf32, #tpu.memory_space<vmem>>
      %dma_start3A_698 = tpu.memref_squeeze %dma_start3A_697 : memref<1x80x128xf32, #tpu.memory_space<vmem>> -> memref<80x128xf32, #tpu.memory_space<vmem>>
      %dma_start3A_699 = arith.constant 0 : i32
      %dma_start3A_700 = tpu.memref_slice %arg5[%dma_start3A_691, %dma_start3A_692, %dma_start3A_693, %dma_start3A_699] : memref<2x4x2x80xi32, #tpu.memory_space<vmem>> -> memref<1x1x1x80xi32, #tpu.memory_space<vmem>>
      %dma_start3A_701 = tpu.memref_squeeze %dma_start3A_700 : memref<1x1x1x80xi32, #tpu.memory_space<vmem>> -> memref<80xi32, #tpu.memory_space<vmem>>
      %dma_start3A_702 = arith.constant 0 : i32
      %dma_start3A_703 = arith.constant 0 : i32
      %dma_start3A_704 = tpu.memref_slice %arg2[%dma_start3A_702, %dma_start3A_703] : memref<10000x128xf32, #tpu.memory_space<hbm>> -> memref<10000x128xf32, #tpu.memory_space<hbm>>
      tpu.enqueue_indirect_dma source(%dma_start3A_704 : memref<10000x128xf32, #tpu.memory_space<hbm>>) target(%dma_start3A_698 : memref<80x128xf32, #tpu.memory_space<vmem>>) offsets(%dma_start3A_701 : memref<80xi32, #tpu.memory_space<vmem>>) semaphore(%arg8 : memref<!tpu.dma_semaphore, #tpu.memory_space<semaphore_mem>>)
      %dma_start3A_705 = arith.constant 1 : i32
      %dma_start3A_706 = arith.constant 1 : i32
      %dma_start3A_707 = arith.constant 0 : i32
      %dma_start3A_708 = arith.constant 1 : i32
      %dma_start3A_709 = arith.constant 0 : i32
      %dma_start3A_710 = arith.constant 0 : i32
      %dma_start3A_711 = tpu.memref_slice %arg6[%dma_start3A_708, %dma_start3A_709, %dma_start3A_710] : memref<4x80x128xf32, #tpu.memory_space<vmem>> -> memref<1x80x128xf32, #tpu.memory_space<vmem>>
      %dma_start3A_712 = tpu.memref_squeeze %dma_start3A_711 : memref<1x80x128xf32, #tpu.memory_space<vmem>> -> memref<80x128xf32, #tpu.memory_space<vmem>>
      %dma_start3A_713 = arith.constant 0 : i32
      %dma_start3A_714 = tpu.memref_slice %arg5[%dma_start3A_705, %dma_start3A_706, %dma_start3A_707, %dma_start3A_713] : memref<2x4x2x80xi32, #tpu.memory_space<vmem>> -> memref<1x1x1x80xi32, #tpu.memory_space<vmem>>
      %dma_start3A_715 = tpu.memref_squeeze %dma_start3A_714 : memref<1x1x1x80xi32, #tpu.memory_space<vmem>> -> memref<80xi32, #tpu.memory_space<vmem>>
      %dma_start3A_716 = arith.constant 0 : i32
      %dma_start3A_717 = arith.constant 0 : i32
      %dma_start3A_718 = tpu.memref_slice %arg2[%dma_start3A_716, %dma_start3A_717] : memref<10000x128xf32, #tpu.memory_space<hbm>> -> memref<10000x128xf32, #tpu.memory_space<hbm>>
      tpu.enqueue_indirect_dma source(%dma_start3A_718 : memref<10000x128xf32, #tpu.memory_space<hbm>>) target(%dma_start3A_712 : memref<80x128xf32, #tpu.memory_space<vmem>>) offsets(%dma_start3A_715 : memref<80xi32, #tpu.memory_space<vmem>>) semaphore(%arg8 : memref<!tpu.dma_semaphore, #tpu.memory_space<semaphore_mem>>)
      %dma_start3A_719 = arith.constant 1 : i32
      %dma_start3A_720 = arith.constant 2 : i32
      %dma_start3A_721 = arith.constant 0 : i32
      %dma_start3A_722 = arith.constant 2 : i32
      %dma_start3A_723 = arith.constant 0 : i32
      %dma_start3A_724 = arith.constant 0 : i32
      %dma_start3A_725 = tpu.memref_slice %arg6[%dma_start3A_722, %dma_start3A_723, %dma_start3A_724] : memref<4x80x128xf32, #tpu.memory_space<vmem>> -> memref<1x80x128xf32, #tpu.memory_space<vmem>>
      %dma_start3A_726 = tpu.memref_squeeze %dma_start3A_725 : memref<1x80x128xf32, #tpu.memory_space<vmem>> -> memref<80x128xf32, #tpu.memory_space<vmem>>
      %dma_start3A_727 = arith.constant 0 : i32
      %dma_start3A_728 = tpu.memref_slice %arg5[%dma_start3A_719, %dma_start3A_720, %dma_start3A_721, %dma_start3A_727] : memref<2x4x2x80xi32, #tpu.memory_space<vmem>> -> memref<1x1x1x80xi32, #tpu.memory_space<vmem>>
      %dma_start3A_729 = tpu.memref_squeeze %dma_start3A_728 : memref<1x1x1x80xi32, #tpu.memory_space<vmem>> -> memref<80xi32, #tpu.memory_space<vmem>>
      %dma_start3A_730 = arith.constant 0 : i32
      %dma_start3A_731 = arith.constant 0 : i32
      %dma_start3A_732 = tpu.memref_slice %arg2[%dma_start3A_730, %dma_start3A_731] : memref<10000x128xf32, #tpu.memory_space<hbm>> -> memref<10000x128xf32, #tpu.memory_space<hbm>>
      tpu.enqueue_indirect_dma source(%dma_start3A_732 : memref<10000x128xf32, #tpu.memory_space<hbm>>) target(%dma_start3A_726 : memref<80x128xf32, #tpu.memory_space<vmem>>) offsets(%dma_start3A_729 : memref<80xi32, #tpu.memory_space<vmem>>) semaphore(%arg8 : memref<!tpu.dma_semaphore, #tpu.memory_space<semaphore_mem>>)
      %dma_start3A_733 = arith.constant 1 : i32
      %dma_start3A_734 = arith.constant 3 : i32
      %dma_start3A_735 = arith.constant 0 : i32
      %dma_start3A_736 = arith.constant 3 : i32
      %dma_start3A_737 = arith.constant 0 : i32
      %dma_start3A_738 = arith.constant 0 : i32
      %dma_start3A_739 = tpu.memref_slice %arg6[%dma_start3A_736, %dma_start3A_737, %dma_start3A_738] : memref<4x80x128xf32, #tpu.memory_space<vmem>> -> memref<1x80x128xf32, #tpu.memory_space<vmem>>
      %dma_start3A_740 = tpu.memref_squeeze %dma_start3A_739 : memref<1x80x128xf32, #tpu.memory_space<vmem>> -> memref<80x128xf32, #tpu.memory_space<vmem>>
      %dma_start3A_741 = arith.constant 0 : i32
      %dma_start3A_742 = tpu.memref_slice %arg5[%dma_start3A_733, %dma_start3A_734, %dma_start3A_735, %dma_start3A_741] : memref<2x4x2x80xi32, #tpu.memory_space<vmem>> -> memref<1x1x1x80xi32, #tpu.memory_space<vmem>>
      %dma_start3A_743 = tpu.memref_squeeze %dma_start3A_742 : memref<1x1x1x80xi32, #tpu.memory_space<vmem>> -> memref<80xi32, #tpu.memory_space<vmem>>
      %dma_start3A_744 = arith.constant 0 : i32
      %dma_start3A_745 = arith.constant 0 : i32
      %dma_start3A_746 = tpu.memref_slice %arg2[%dma_start3A_744, %dma_start3A_745] : memref<10000x128xf32, #tpu.memory_space<hbm>> -> memref<10000x128xf32, #tpu.memory_space<hbm>>
      tpu.enqueue_indirect_dma source(%dma_start3A_746 : memref<10000x128xf32, #tpu.memory_space<hbm>>) target(%dma_start3A_740 : memref<80x128xf32, #tpu.memory_space<vmem>>) offsets(%dma_start3A_743 : memref<80xi32, #tpu.memory_space<vmem>>) semaphore(%arg8 : memref<!tpu.dma_semaphore, #tpu.memory_space<semaphore_mem>>)
      %dma_wait3A_747 = arith.constant 1 : i32
      %dma_wait3A_748 = arith.constant 0 : i32
      %dma_wait3A_749 = arith.constant 0 : i32
      %dma_wait3A_750 = arith.constant 0 : i32
      %dma_wait3A_751 = arith.constant 0 : i32
      %dma_wait3A_752 = arith.constant 0 : i32
      %dma_wait3A_753 = tpu.memref_slice %arg6[%dma_wait3A_750, %dma_wait3A_751, %dma_wait3A_752] : memref<4x80x128xf32, #tpu.memory_space<vmem>> -> memref<1x80x128xf32, #tpu.memory_space<vmem>>
      %dma_wait3A_754 = tpu.memref_squeeze %dma_wait3A_753 : memref<1x80x128xf32, #tpu.memory_space<vmem>> -> memref<80x128xf32, #tpu.memory_space<vmem>>
      %dma_wait3A_755 = arith.constant 0 : i32
      %dma_wait3A_756 = tpu.memref_slice %arg5[%dma_wait3A_747, %dma_wait3A_748, %dma_wait3A_749, %dma_wait3A_755] : memref<2x4x2x80xi32, #tpu.memory_space<vmem>> -> memref<1x1x1x80xi32, #tpu.memory_space<vmem>>
      %dma_wait3A_757 = tpu.memref_squeeze %dma_wait3A_756 : memref<1x1x1x80xi32, #tpu.memory_space<vmem>> -> memref<80xi32, #tpu.memory_space<vmem>>
      %dma_wait3A_758 = arith.constant 0 : i32
      %dma_wait3A_759 = arith.constant 0 : i32
      %dma_wait3A_760 = tpu.memref_slice %arg2[%dma_wait3A_758, %dma_wait3A_759] : memref<10000x128xf32, #tpu.memory_space<hbm>> -> memref<10000x128xf32, #tpu.memory_space<hbm>>
      tpu.wait_indirect_dma semaphore(%arg8 : memref<!tpu.dma_semaphore, #tpu.memory_space<semaphore_mem>>) src(%dma_wait3A_760 : memref<10000x128xf32, #tpu.memory_space<hbm>>) dst(%dma_wait3A_754 : memref<80x128xf32, #tpu.memory_space<vmem>>)
      %dma_start3A_761 = arith.constant 0 : i32
      %dma_start3A_762 = arith.constant 1 : i32
      %dma_start3A_763 = arith.constant 0 : i32
      %dma_start3A_764 = arith.constant 1 : i32
      %dma_start3A_765 = arith.constant 0 : i32
      %dma_start3A_766 = arith.constant 0 : i32
      %dma_start3A_767 = tpu.memref_slice %arg6[%dma_start3A_761, %dma_start3A_765, %dma_start3A_766] : memref<4x80x128xf32, #tpu.memory_space<vmem>> -> memref<1x80x128xf32, #tpu.memory_space<vmem>>
      %dma_start3A_768 = tpu.memref_squeeze %dma_start3A_767 : memref<1x80x128xf32, #tpu.memory_space<vmem>> -> memref<80x128xf32, #tpu.memory_space<vmem>>
      %dma_start3A_769 = arith.constant 0 : i32
      %dma_start3A_770 = tpu.memref_slice %arg5[%dma_start3A_762, %dma_start3A_763, %dma_start3A_764, %dma_start3A_769] : memref<2x4x2x80xi32, #tpu.memory_space<vmem>> -> memref<1x1x1x80xi32, #tpu.memory_space<vmem>>
      %dma_start3A_771 = tpu.memref_squeeze %dma_start3A_770 : memref<1x1x1x80xi32, #tpu.memory_space<vmem>> -> memref<80xi32, #tpu.memory_space<vmem>>
      %dma_start3A_772 = arith.constant 0 : i32
      %dma_start3A_773 = arith.constant 0 : i32
      %dma_start3A_774 = tpu.memref_slice %arg7[%dma_start3A_772, %dma_start3A_773] : memref<10000x128xf32, #tpu.memory_space<vmem_shared>> -> memref<10000x128xf32, #tpu.memory_space<vmem_shared>>
      tpu.enqueue_indirect_dma source(%dma_start3A_768 : memref<80x128xf32, #tpu.memory_space<vmem>>) target(%dma_start3A_774 : memref<10000x128xf32, #tpu.memory_space<vmem_shared>>) offsets(%dma_start3A_771 : memref<80xi32, #tpu.memory_space<vmem>>) semaphore(%arg9 : memref<!tpu.dma_semaphore, #tpu.memory_space<semaphore_mem>>) {add = true}
      %dma_wait3A_775 = arith.constant 1 : i32
      %dma_wait3A_776 = arith.constant 1 : i32
      %dma_wait3A_777 = arith.constant 0 : i32
      %dma_wait3A_778 = arith.constant 1 : i32
      %dma_wait3A_779 = arith.constant 0 : i32
      %dma_wait3A_780 = arith.constant 0 : i32
      %dma_wait3A_781 = tpu.memref_slice %arg6[%dma_wait3A_778, %dma_wait3A_779, %dma_wait3A_780] : memref<4x80x128xf32, #tpu.memory_space<vmem>> -> memref<1x80x128xf32, #tpu.memory_space<vmem>>
      %dma_wait3A_782 = tpu.memref_squeeze %dma_wait3A_781 : memref<1x80x128xf32, #tpu.memory_space<vmem>> -> memref<80x128xf32, #tpu.memory_space<vmem>>
      %dma_wait3A_783 = arith.constant 0 : i32
      %dma_wait3A_784 = tpu.memref_slice %arg5[%dma_wait3A_775, %dma_wait3A_776, %dma_wait3A_777, %dma_wait3A_783] : memref<2x4x2x80xi32, #tpu.memory_space<vmem>> -> memref<1x1x1x80xi32, #tpu.memory_space<vmem>>
      %dma_wait3A_785 = tpu.memref_squeeze %dma_wait3A_784 : memref<1x1x1x80xi32, #tpu.memory_space<vmem>> -> memref<80xi32, #tpu.memory_space<vmem>>
      %dma_wait3A_786 = arith.constant 0 : i32
      %dma_wait3A_787 = arith.constant 0 : i32
      %dma_wait3A_788 = tpu.memref_slice %arg2[%dma_wait3A_786, %dma_wait3A_787] : memref<10000x128xf32, #tpu.memory_space<hbm>> -> memref<10000x128xf32, #tpu.memory_space<hbm>>
      tpu.wait_indirect_dma semaphore(%arg8 : memref<!tpu.dma_semaphore, #tpu.memory_space<semaphore_mem>>) src(%dma_wait3A_788 : memref<10000x128xf32, #tpu.memory_space<hbm>>) dst(%dma_wait3A_782 : memref<80x128xf32, #tpu.memory_space<vmem>>)
      %dma_start3A_789 = arith.constant 1 : i32
      %dma_start3A_790 = arith.constant 1 : i32
      %dma_start3A_791 = arith.constant 1 : i32
      %dma_start3A_792 = arith.constant 1 : i32
      %dma_start3A_793 = arith.constant 0 : i32
      %dma_start3A_794 = arith.constant 0 : i32
      %dma_start3A_795 = tpu.memref_slice %arg6[%dma_start3A_789, %dma_start3A_793, %dma_start3A_794] : memref<4x80x128xf32, #tpu.memory_space<vmem>> -> memref<1x80x128xf32, #tpu.memory_space<vmem>>
      %dma_start3A_796 = tpu.memref_squeeze %dma_start3A_795 : memref<1x80x128xf32, #tpu.memory_space<vmem>> -> memref<80x128xf32, #tpu.memory_space<vmem>>
      %dma_start3A_797 = arith.constant 0 : i32
      %dma_start3A_798 = tpu.memref_slice %arg5[%dma_start3A_790, %dma_start3A_791, %dma_start3A_792, %dma_start3A_797] : memref<2x4x2x80xi32, #tpu.memory_space<vmem>> -> memref<1x1x1x80xi32, #tpu.memory_space<vmem>>
      %dma_start3A_799 = tpu.memref_squeeze %dma_start3A_798 : memref<1x1x1x80xi32, #tpu.memory_space<vmem>> -> memref<80xi32, #tpu.memory_space<vmem>>
      %dma_start3A_800 = arith.constant 0 : i32
      %dma_start3A_801 = arith.constant 0 : i32
      %dma_start3A_802 = tpu.memref_slice %arg7[%dma_start3A_800, %dma_start3A_801] : memref<10000x128xf32, #tpu.memory_space<vmem_shared>> -> memref<10000x128xf32, #tpu.memory_space<vmem_shared>>
      tpu.enqueue_indirect_dma source(%dma_start3A_796 : memref<80x128xf32, #tpu.memory_space<vmem>>) target(%dma_start3A_802 : memref<10000x128xf32, #tpu.memory_space<vmem_shared>>) offsets(%dma_start3A_799 : memref<80xi32, #tpu.memory_space<vmem>>) semaphore(%arg9 : memref<!tpu.dma_semaphore, #tpu.memory_space<semaphore_mem>>) {add = true}
      %dma_wait3A_803 = arith.constant 1 : i32
      %dma_wait3A_804 = arith.constant 2 : i32
      %dma_wait3A_805 = arith.constant 0 : i32
      %dma_wait3A_806 = arith.constant 2 : i32
      %dma_wait3A_807 = arith.constant 0 : i32
      %dma_wait3A_808 = arith.constant 0 : i32
      %dma_wait3A_809 = tpu.memref_slice %arg6[%dma_wait3A_806, %dma_wait3A_807, %dma_wait3A_808] : memref<4x80x128xf32, #tpu.memory_space<vmem>> -> memref<1x80x128xf32, #tpu.memory_space<vmem>>
      %dma_wait3A_810 = tpu.memref_squeeze %dma_wait3A_809 : memref<1x80x128xf32, #tpu.memory_space<vmem>> -> memref<80x128xf32, #tpu.memory_space<vmem>>
      %dma_wait3A_811 = arith.constant 0 : i32
      %dma_wait3A_812 = tpu.memref_slice %arg5[%dma_wait3A_803, %dma_wait3A_804, %dma_wait3A_805, %dma_wait3A_811] : memref<2x4x2x80xi32, #tpu.memory_space<vmem>> -> memref<1x1x1x80xi32, #tpu.memory_space<vmem>>
      %dma_wait3A_813 = tpu.memref_squeeze %dma_wait3A_812 : memref<1x1x1x80xi32, #tpu.memory_space<vmem>> -> memref<80xi32, #tpu.memory_space<vmem>>
      %dma_wait3A_814 = arith.constant 0 : i32
      %dma_wait3A_815 = arith.constant 0 : i32
      %dma_wait3A_816 = tpu.memref_slice %arg2[%dma_wait3A_814, %dma_wait3A_815] : memref<10000x128xf32, #tpu.memory_space<hbm>> -> memref<10000x128xf32, #tpu.memory_space<hbm>>
      tpu.wait_indirect_dma semaphore(%arg8 : memref<!tpu.dma_semaphore, #tpu.memory_space<semaphore_mem>>) src(%dma_wait3A_816 : memref<10000x128xf32, #tpu.memory_space<hbm>>) dst(%dma_wait3A_810 : memref<80x128xf32, #tpu.memory_space<vmem>>)
      %dma_start3A_817 = arith.constant 2 : i32
      %dma_start3A_818 = arith.constant 1 : i32
      %dma_start3A_819 = arith.constant 2 : i32
      %dma_start3A_820 = arith.constant 1 : i32
      %dma_start3A_821 = arith.constant 0 : i32
      %dma_start3A_822 = arith.constant 0 : i32
      %dma_start3A_823 = tpu.memref_slice %arg6[%dma_start3A_817, %dma_start3A_821, %dma_start3A_822] : memref<4x80x128xf32, #tpu.memory_space<vmem>> -> memref<1x80x128xf32, #tpu.memory_space<vmem>>
      %dma_start3A_824 = tpu.memref_squeeze %dma_start3A_823 : memref<1x80x128xf32, #tpu.memory_space<vmem>> -> memref<80x128xf32, #tpu.memory_space<vmem>>
      %dma_start3A_825 = arith.constant 0 : i32
      %dma_start3A_826 = tpu.memref_slice %arg5[%dma_start3A_818, %dma_start3A_819, %dma_start3A_820, %dma_start3A_825] : memref<2x4x2x80xi32, #tpu.memory_space<vmem>> -> memref<1x1x1x80xi32, #tpu.memory_space<vmem>>
      %dma_start3A_827 = tpu.memref_squeeze %dma_start3A_826 : memref<1x1x1x80xi32, #tpu.memory_space<vmem>> -> memref<80xi32, #tpu.memory_space<vmem>>
      %dma_start3A_828 = arith.constant 0 : i32
      %dma_start3A_829 = arith.constant 0 : i32
      %dma_start3A_830 = tpu.memref_slice %arg7[%dma_start3A_828, %dma_start3A_829] : memref<10000x128xf32, #tpu.memory_space<vmem_shared>> -> memref<10000x128xf32, #tpu.memory_space<vmem_shared>>
      tpu.enqueue_indirect_dma source(%dma_start3A_824 : memref<80x128xf32, #tpu.memory_space<vmem>>) target(%dma_start3A_830 : memref<10000x128xf32, #tpu.memory_space<vmem_shared>>) offsets(%dma_start3A_827 : memref<80xi32, #tpu.memory_space<vmem>>) semaphore(%arg9 : memref<!tpu.dma_semaphore, #tpu.memory_space<semaphore_mem>>) {add = true}
      %dma_wait3A_831 = arith.constant 1 : i32
      %dma_wait3A_832 = arith.constant 3 : i32
      %dma_wait3A_833 = arith.constant 0 : i32
      %dma_wait3A_834 = arith.constant 3 : i32
      %dma_wait3A_835 = arith.constant 0 : i32
      %dma_wait3A_836 = arith.constant 0 : i32
      %dma_wait3A_837 = tpu.memref_slice %arg6[%dma_wait3A_834, %dma_wait3A_835, %dma_wait3A_836] : memref<4x80x128xf32, #tpu.memory_space<vmem>> -> memref<1x80x128xf32, #tpu.memory_space<vmem>>
      %dma_wait3A_838 = tpu.memref_squeeze %dma_wait3A_837 : memref<1x80x128xf32, #tpu.memory_space<vmem>> -> memref<80x128xf32, #tpu.memory_space<vmem>>
      %dma_wait3A_839 = arith.constant 0 : i32
      %dma_wait3A_840 = tpu.memref_slice %arg5[%dma_wait3A_831, %dma_wait3A_832, %dma_wait3A_833, %dma_wait3A_839] : memref<2x4x2x80xi32, #tpu.memory_space<vmem>> -> memref<1x1x1x80xi32, #tpu.memory_space<vmem>>
      %dma_wait3A_841 = tpu.memref_squeeze %dma_wait3A_840 : memref<1x1x1x80xi32, #tpu.memory_space<vmem>> -> memref<80xi32, #tpu.memory_space<vmem>>
      %dma_wait3A_842 = arith.constant 0 : i32
      %dma_wait3A_843 = arith.constant 0 : i32
      %dma_wait3A_844 = tpu.memref_slice %arg2[%dma_wait3A_842, %dma_wait3A_843] : memref<10000x128xf32, #tpu.memory_space<hbm>> -> memref<10000x128xf32, #tpu.memory_space<hbm>>
      tpu.wait_indirect_dma semaphore(%arg8 : memref<!tpu.dma_semaphore, #tpu.memory_space<semaphore_mem>>) src(%dma_wait3A_844 : memref<10000x128xf32, #tpu.memory_space<hbm>>) dst(%dma_wait3A_838 : memref<80x128xf32, #tpu.memory_space<vmem>>)
      %dma_start3A_845 = arith.constant 3 : i32
      %dma_start3A_846 = arith.constant 1 : i32
      %dma_start3A_847 = arith.constant 3 : i32
      %dma_start3A_848 = arith.constant 1 : i32
      %dma_start3A_849 = arith.constant 0 : i32
      %dma_start3A_850 = arith.constant 0 : i32
      %dma_start3A_851 = tpu.memref_slice %arg6[%dma_start3A_845, %dma_start3A_849, %dma_start3A_850] : memref<4x80x128xf32, #tpu.memory_space<vmem>> -> memref<1x80x128xf32, #tpu.memory_space<vmem>>
      %dma_start3A_852 = tpu.memref_squeeze %dma_start3A_851 : memref<1x80x128xf32, #tpu.memory_space<vmem>> -> memref<80x128xf32, #tpu.memory_space<vmem>>
      %dma_start3A_853 = arith.constant 0 : i32
      %dma_start3A_854 = tpu.memref_slice %arg5[%dma_start3A_846, %dma_start3A_847, %dma_start3A_848, %dma_start3A_853] : memref<2x4x2x80xi32, #tpu.memory_space<vmem>> -> memref<1x1x1x80xi32, #tpu.memory_space<vmem>>
      %dma_start3A_855 = tpu.memref_squeeze %dma_start3A_854 : memref<1x1x1x80xi32, #tpu.memory_space<vmem>> -> memref<80xi32, #tpu.memory_space<vmem>>
      %dma_start3A_856 = arith.constant 0 : i32
      %dma_start3A_857 = arith.constant 0 : i32
      %dma_start3A_858 = tpu.memref_slice %arg7[%dma_start3A_856, %dma_start3A_857] : memref<10000x128xf32, #tpu.memory_space<vmem_shared>> -> memref<10000x128xf32, #tpu.memory_space<vmem_shared>>
      tpu.enqueue_indirect_dma source(%dma_start3A_852 : memref<80x128xf32, #tpu.memory_space<vmem>>) target(%dma_start3A_858 : memref<10000x128xf32, #tpu.memory_space<vmem_shared>>) offsets(%dma_start3A_855 : memref<80xi32, #tpu.memory_space<vmem>>) semaphore(%arg9 : memref<!tpu.dma_semaphore, #tpu.memory_space<semaphore_mem>>) {add = true}
      %dma_wait3A_859 = arith.constant 0 : i32
      %dma_wait3A_860 = arith.constant 1 : i32
      %dma_wait3A_861 = arith.constant 0 : i32
      %dma_wait3A_862 = arith.constant 1 : i32
      %dma_wait3A_863 = arith.constant 0 : i32
      %dma_wait3A_864 = arith.constant 0 : i32
      %dma_wait3A_865 = tpu.memref_slice %arg6[%dma_wait3A_859, %dma_wait3A_863, %dma_wait3A_864] : memref<4x80x128xf32, #tpu.memory_space<vmem>> -> memref<1x80x128xf32, #tpu.memory_space<vmem>>
      %dma_wait3A_866 = tpu.memref_squeeze %dma_wait3A_865 : memref<1x80x128xf32, #tpu.memory_space<vmem>> -> memref<80x128xf32, #tpu.memory_space<vmem>>
      %dma_wait3A_867 = arith.constant 0 : i32
      %dma_wait3A_868 = tpu.memref_slice %arg5[%dma_wait3A_860, %dma_wait3A_861, %dma_wait3A_862, %dma_wait3A_867] : memref<2x4x2x80xi32, #tpu.memory_space<vmem>> -> memref<1x1x1x80xi32, #tpu.memory_space<vmem>>
      %dma_wait3A_869 = tpu.memref_squeeze %dma_wait3A_868 : memref<1x1x1x80xi32, #tpu.memory_space<vmem>> -> memref<80xi32, #tpu.memory_space<vmem>>
      %dma_wait3A_870 = arith.constant 0 : i32
      %dma_wait3A_871 = arith.constant 0 : i32
      %dma_wait3A_872 = tpu.memref_slice %arg7[%dma_wait3A_870, %dma_wait3A_871] : memref<10000x128xf32, #tpu.memory_space<vmem_shared>> -> memref<10000x128xf32, #tpu.memory_space<vmem_shared>>
      tpu.wait_indirect_dma semaphore(%arg9 : memref<!tpu.dma_semaphore, #tpu.memory_space<semaphore_mem>>) src(%dma_wait3A_866 : memref<80x128xf32, #tpu.memory_space<vmem>>) dst(%dma_wait3A_872 : memref<10000x128xf32, #tpu.memory_space<vmem_shared>>)
      %dma_wait3A_873 = arith.constant 1 : i32
      %dma_wait3A_874 = arith.constant 1 : i32
      %dma_wait3A_875 = arith.constant 1 : i32
      %dma_wait3A_876 = arith.constant 1 : i32
      %dma_wait3A_877 = arith.constant 0 : i32
      %dma_wait3A_878 = arith.constant 0 : i32
      %dma_wait3A_879 = tpu.memref_slice %arg6[%dma_wait3A_873, %dma_wait3A_877, %dma_wait3A_878] : memref<4x80x128xf32, #tpu.memory_space<vmem>> -> memref<1x80x128xf32, #tpu.memory_space<vmem>>
      %dma_wait3A_880 = tpu.memref_squeeze %dma_wait3A_879 : memref<1x80x128xf32, #tpu.memory_space<vmem>> -> memref<80x128xf32, #tpu.memory_space<vmem>>
      %dma_wait3A_881 = arith.constant 0 : i32
      %dma_wait3A_882 = tpu.memref_slice %arg5[%dma_wait3A_874, %dma_wait3A_875, %dma_wait3A_876, %dma_wait3A_881] : memref<2x4x2x80xi32, #tpu.memory_space<vmem>> -> memref<1x1x1x80xi32, #tpu.memory_space<vmem>>
      %dma_wait3A_883 = tpu.memref_squeeze %dma_wait3A_882 : memref<1x1x1x80xi32, #tpu.memory_space<vmem>> -> memref<80xi32, #tpu.memory_space<vmem>>
      %dma_wait3A_884 = arith.constant 0 : i32
      %dma_wait3A_885 = arith.constant 0 : i32
      %dma_wait3A_886 = tpu.memref_slice %arg7[%dma_wait3A_884, %dma_wait3A_885] : memref<10000x128xf32, #tpu.memory_space<vmem_shared>> -> memref<10000x128xf32, #tpu.memory_space<vmem_shared>>
      tpu.wait_indirect_dma semaphore(%arg9 : memref<!tpu.dma_semaphore, #tpu.memory_space<semaphore_mem>>) src(%dma_wait3A_880 : memref<80x128xf32, #tpu.memory_space<vmem>>) dst(%dma_wait3A_886 : memref<10000x128xf32, #tpu.memory_space<vmem_shared>>)
      %dma_wait3A_887 = arith.constant 2 : i32
      %dma_wait3A_888 = arith.constant 1 : i32
      %dma_wait3A_889 = arith.constant 2 : i32
      %dma_wait3A_890 = arith.constant 1 : i32
      %dma_wait3A_891 = arith.constant 0 : i32
      %dma_wait3A_892 = arith.constant 0 : i32
      %dma_wait3A_893 = tpu.memref_slice %arg6[%dma_wait3A_887, %dma_wait3A_891, %dma_wait3A_892] : memref<4x80x128xf32, #tpu.memory_space<vmem>> -> memref<1x80x128xf32, #tpu.memory_space<vmem>>
      %dma_wait3A_894 = tpu.memref_squeeze %dma_wait3A_893 : memref<1x80x128xf32, #tpu.memory_space<vmem>> -> memref<80x128xf32, #tpu.memory_space<vmem>>
      %dma_wait3A_895 = arith.constant 0 : i32
      %dma_wait3A_896 = tpu.memref_slice %arg5[%dma_wait3A_888, %dma_wait3A_889, %dma_wait3A_890, %dma_wait3A_895] : memref<2x4x2x80xi32, #tpu.memory_space<vmem>> -> memref<1x1x1x80xi32, #tpu.memory_space<vmem>>
      %dma_wait3A_897 = tpu.memref_squeeze %dma_wait3A_896 : memref<1x1x1x80xi32, #tpu.memory_space<vmem>> -> memref<80xi32, #tpu.memory_space<vmem>>
      %dma_wait3A_898 = arith.constant 0 : i32
      %dma_wait3A_899 = arith.constant 0 : i32
      %dma_wait3A_900 = tpu.memref_slice %arg7[%dma_wait3A_898, %dma_wait3A_899] : memref<10000x128xf32, #tpu.memory_space<vmem_shared>> -> memref<10000x128xf32, #tpu.memory_space<vmem_shared>>
      tpu.wait_indirect_dma semaphore(%arg9 : memref<!tpu.dma_semaphore, #tpu.memory_space<semaphore_mem>>) src(%dma_wait3A_894 : memref<80x128xf32, #tpu.memory_space<vmem>>) dst(%dma_wait3A_900 : memref<10000x128xf32, #tpu.memory_space<vmem_shared>>)
      %dma_wait3A_901 = arith.constant 3 : i32
      %dma_wait3A_902 = arith.constant 1 : i32
      %dma_wait3A_903 = arith.constant 3 : i32
      %dma_wait3A_904 = arith.constant 1 : i32
      %dma_wait3A_905 = arith.constant 0 : i32
      %dma_wait3A_906 = arith.constant 0 : i32
      %dma_wait3A_907 = tpu.memref_slice %arg6[%dma_wait3A_901, %dma_wait3A_905, %dma_wait3A_906] : memref<4x80x128xf32, #tpu.memory_space<vmem>> -> memref<1x80x128xf32, #tpu.memory_space<vmem>>
      %dma_wait3A_908 = tpu.memref_squeeze %dma_wait3A_907 : memref<1x80x128xf32, #tpu.memory_space<vmem>> -> memref<80x128xf32, #tpu.memory_space<vmem>>
      %dma_wait3A_909 = arith.constant 0 : i32
      %dma_wait3A_910 = tpu.memref_slice %arg5[%dma_wait3A_902, %dma_wait3A_903, %dma_wait3A_904, %dma_wait3A_909] : memref<2x4x2x80xi32, #tpu.memory_space<vmem>> -> memref<1x1x1x80xi32, #tpu.memory_space<vmem>>
      %dma_wait3A_911 = tpu.memref_squeeze %dma_wait3A_910 : memref<1x1x1x80xi32, #tpu.memory_space<vmem>> -> memref<80xi32, #tpu.memory_space<vmem>>
      %dma_wait3A_912 = arith.constant 0 : i32
      %dma_wait3A_913 = arith.constant 0 : i32
      %dma_wait3A_914 = tpu.memref_slice %arg7[%dma_wait3A_912, %dma_wait3A_913] : memref<10000x128xf32, #tpu.memory_space<vmem_shared>> -> memref<10000x128xf32, #tpu.memory_space<vmem_shared>>
      tpu.wait_indirect_dma semaphore(%arg9 : memref<!tpu.dma_semaphore, #tpu.memory_space<semaphore_mem>>) src(%dma_wait3A_908 : memref<80x128xf32, #tpu.memory_space<vmem>>) dst(%dma_wait3A_914 : memref<10000x128xf32, #tpu.memory_space<vmem_shared>>)
      %add3A_915 = arith.constant 2 : i32
      %add3A_916 = arith.addi %add3A_669, %add3A_915 : i32
      %mul3A_917 = arith.constant 4 : i32
      %mul3A_918 = arith.muli %add3A_916, %mul3A_917 : i32
      %dma_start3A_919 = arith.constant 1 : i32
      %dma_start3A_920 = arith.constant 0 : i32
      %dma_start3A_921 = arith.constant 0 : i32
      %dma_start3A_922 = arith.constant 0 : i32
      %dma_start3A_923 = tpu.memref_slice %arg5[%dma_start3A_919, %dma_start3A_920, %dma_start3A_921, %dma_start3A_922] : memref<2x4x2x80xi32, #tpu.memory_space<vmem>> -> memref<1x4x2x80xi32, #tpu.memory_space<vmem>>
      %dma_start3A_924 = tpu.memref_squeeze %dma_start3A_923 : memref<1x4x2x80xi32, #tpu.memory_space<vmem>> -> memref<4x2x80xi32, #tpu.memory_space<vmem>>
      %dma_start3A_925 = arith.constant 0 : i32
      %dma_start3A_926 = arith.constant 0 : i32
      %dma_start3A_927 = tpu.memref_slice %arg3[%add3A, %mul3A_918, %dma_start3A_925, %dma_start3A_926] : memref<32x128x2x80xi32, #tpu.memory_space<hbm>> -> memref<1x4x2x80xi32, #tpu.memory_space<hbm>>
      %dma_start3A_928 = tpu.memref_squeeze %dma_start3A_927 : memref<1x4x2x80xi32, #tpu.memory_space<hbm>> -> memref<4x2x80xi32, #tpu.memory_space<hbm>>
      %dma_start3A_929 = arith.constant 0 : i32
      %dma_start3A_930 = arith.constant 0 : i32
      %dma_start3A_931 = arith.constant 0 : i32
      %dma_start3A_932 = tpu.memref_slice %arg5[%dma_start3A_919, %dma_start3A_929, %dma_start3A_930, %dma_start3A_931] : memref<2x4x2x80xi32, #tpu.memory_space<vmem>> -> memref<1x4x2x80xi32, #tpu.memory_space<vmem>>
      %dma_start3A_933 = tpu.memref_squeeze %dma_start3A_932 : memref<1x4x2x80xi32, #tpu.memory_space<vmem>> -> memref<4x2x80xi32, #tpu.memory_space<vmem>>
      %dma_start3A_934 = arith.constant 0 : i32
      %dma_start3A_935 = arith.constant 0 : i32
      %dma_start3A_936 = tpu.memref_slice %arg3[%add3A, %mul3A_918, %dma_start3A_934, %dma_start3A_935] : memref<32x128x2x80xi32, #tpu.memory_space<hbm>> -> memref<1x4x2x80xi32, #tpu.memory_space<hbm>>
      %dma_start3A_937 = tpu.memref_squeeze %dma_start3A_936 : memref<1x4x2x80xi32, #tpu.memory_space<hbm>> -> memref<4x2x80xi32, #tpu.memory_space<hbm>>
      tpu.enqueue_dma source(%dma_start3A_937 : memref<4x2x80xi32, #tpu.memory_space<hbm>>) target(%dma_start3A_933 : memref<4x2x80xi32, #tpu.memory_space<vmem>>) target_semaphore(%arg10 : memref<!tpu.dma_semaphore, #tpu.memory_space<semaphore_mem>>)
    }
    %scan3A_60 = arith.constant 15 : i32
    %dma_wait3A = arith.constant 0 : i32
    %dma_wait3A_61 = arith.constant 0 : i32
    %dma_wait3A_62 = arith.constant 0 : i32
    %dma_wait3A_63 = arith.constant 0 : i32
    %dma_wait3A_64 = tpu.memref_slice %arg5[%dma_wait3A, %dma_wait3A_61, %dma_wait3A_62, %dma_wait3A_63] : memref<2x4x2x80xi32, #tpu.memory_space<vmem>> -> memref<1x4x2x80xi32, #tpu.memory_space<vmem>>
    %dma_wait3A_65 = tpu.memref_squeeze %dma_wait3A_64 : memref<1x4x2x80xi32, #tpu.memory_space<vmem>> -> memref<4x2x80xi32, #tpu.memory_space<vmem>>
    %dma_wait3A_66 = arith.constant 0 : i32
    %dma_wait3A_67 = arith.constant 0 : i32
    %dma_wait3A_68 = arith.constant 0 : i32
    %dma_wait3A_69 = tpu.memref_slice %arg3[%add3A, %dma_wait3A_66, %dma_wait3A_67, %dma_wait3A_68] : memref<32x128x2x80xi32, #tpu.memory_space<hbm>> -> memref<1x4x2x80xi32, #tpu.memory_space<hbm>>
    %dma_wait3A_70 = tpu.memref_squeeze %dma_wait3A_69 : memref<1x4x2x80xi32, #tpu.memory_space<hbm>> -> memref<4x2x80xi32, #tpu.memory_space<hbm>>
    %dma_wait3A_71 = arith.constant 0 : i32
    %dma_wait3A_72 = arith.constant 0 : i32
    %dma_wait3A_73 = arith.constant 0 : i32
    %dma_wait3A_74 = tpu.memref_slice %arg5[%dma_wait3A, %dma_wait3A_71, %dma_wait3A_72, %dma_wait3A_73] : memref<2x4x2x80xi32, #tpu.memory_space<vmem>> -> memref<1x4x2x80xi32, #tpu.memory_space<vmem>>
    %dma_wait3A_75 = tpu.memref_squeeze %dma_wait3A_74 : memref<1x4x2x80xi32, #tpu.memory_space<vmem>> -> memref<4x2x80xi32, #tpu.memory_space<vmem>>
    %dma_wait3A_76 = arith.constant 0 : i32
    %dma_wait3A_77 = arith.constant 0 : i32
    %dma_wait3A_78 = arith.constant 0 : i32
    %dma_wait3A_79 = tpu.memref_slice %arg3[%add3A, %dma_wait3A_76, %dma_wait3A_77, %dma_wait3A_78] : memref<32x128x2x80xi32, #tpu.memory_space<hbm>> -> memref<1x4x2x80xi32, #tpu.memory_space<hbm>>
    %dma_wait3A_80 = tpu.memref_squeeze %dma_wait3A_79 : memref<1x4x2x80xi32, #tpu.memory_space<hbm>> -> memref<4x2x80xi32, #tpu.memory_space<hbm>>
    tpu.wait_dma2 semaphore(%arg10 : memref<!tpu.dma_semaphore, #tpu.memory_space<semaphore_mem>>) src(%dma_wait3A_80 : memref<4x2x80xi32, #tpu.memory_space<hbm>>) dst(%dma_wait3A_75 : memref<4x2x80xi32, #tpu.memory_space<vmem>>)
    %dma_start3A_81 = arith.constant 0 : i32
    %dma_start3A_82 = arith.constant 0 : i32
    %dma_start3A_83 = arith.constant 0 : i32
    %dma_start3A_84 = arith.constant 0 : i32
    %dma_start3A_85 = arith.constant 0 : i32
    %dma_start3A_86 = arith.constant 0 : i32
    %dma_start3A_87 = tpu.memref_slice %arg6[%dma_start3A_84, %dma_start3A_85, %dma_start3A_86] : memref<4x80x128xf32, #tpu.memory_space<vmem>> -> memref<1x80x128xf32, #tpu.memory_space<vmem>>
    %dma_start3A_88 = tpu.memref_squeeze %dma_start3A_87 : memref<1x80x128xf32, #tpu.memory_space<vmem>> -> memref<80x128xf32, #tpu.memory_space<vmem>>
    %dma_start3A_89 = arith.constant 0 : i32
    %dma_start3A_90 = tpu.memref_slice %arg5[%dma_start3A_81, %dma_start3A_82, %dma_start3A_83, %dma_start3A_89] : memref<2x4x2x80xi32, #tpu.memory_space<vmem>> -> memref<1x1x1x80xi32, #tpu.memory_space<vmem>>
    %dma_start3A_91 = tpu.memref_squeeze %dma_start3A_90 : memref<1x1x1x80xi32, #tpu.memory_space<vmem>> -> memref<80xi32, #tpu.memory_space<vmem>>
    %dma_start3A_92 = arith.constant 0 : i32
    %dma_start3A_93 = arith.constant 0 : i32
    %dma_start3A_94 = tpu.memref_slice %arg2[%dma_start3A_92, %dma_start3A_93] : memref<10000x128xf32, #tpu.memory_space<hbm>> -> memref<10000x128xf32, #tpu.memory_space<hbm>>
    tpu.enqueue_indirect_dma source(%dma_start3A_94 : memref<10000x128xf32, #tpu.memory_space<hbm>>) target(%dma_start3A_88 : memref<80x128xf32, #tpu.memory_space<vmem>>) offsets(%dma_start3A_91 : memref<80xi32, #tpu.memory_space<vmem>>) semaphore(%arg8 : memref<!tpu.dma_semaphore, #tpu.memory_space<semaphore_mem>>)
    %dma_start3A_95 = arith.constant 0 : i32
    %dma_start3A_96 = arith.constant 1 : i32
    %dma_start3A_97 = arith.constant 0 : i32
    %dma_start3A_98 = arith.constant 1 : i32
    %dma_start3A_99 = arith.constant 0 : i32
    %dma_start3A_100 = arith.constant 0 : i32
    %dma_start3A_101 = tpu.memref_slice %arg6[%dma_start3A_98, %dma_start3A_99, %dma_start3A_100] : memref<4x80x128xf32, #tpu.memory_space<vmem>> -> memref<1x80x128xf32, #tpu.memory_space<vmem>>
    %dma_start3A_102 = tpu.memref_squeeze %dma_start3A_101 : memref<1x80x128xf32, #tpu.memory_space<vmem>> -> memref<80x128xf32, #tpu.memory_space<vmem>>
    %dma_start3A_103 = arith.constant 0 : i32
    %dma_start3A_104 = tpu.memref_slice %arg5[%dma_start3A_95, %dma_start3A_96, %dma_start3A_97, %dma_start3A_103] : memref<2x4x2x80xi32, #tpu.memory_space<vmem>> -> memref<1x1x1x80xi32, #tpu.memory_space<vmem>>
    %dma_start3A_105 = tpu.memref_squeeze %dma_start3A_104 : memref<1x1x1x80xi32, #tpu.memory_space<vmem>> -> memref<80xi32, #tpu.memory_space<vmem>>
    %dma_start3A_106 = arith.constant 0 : i32
    %dma_start3A_107 = arith.constant 0 : i32
    %dma_start3A_108 = tpu.memref_slice %arg2[%dma_start3A_106, %dma_start3A_107] : memref<10000x128xf32, #tpu.memory_space<hbm>> -> memref<10000x128xf32, #tpu.memory_space<hbm>>
    tpu.enqueue_indirect_dma source(%dma_start3A_108 : memref<10000x128xf32, #tpu.memory_space<hbm>>) target(%dma_start3A_102 : memref<80x128xf32, #tpu.memory_space<vmem>>) offsets(%dma_start3A_105 : memref<80xi32, #tpu.memory_space<vmem>>) semaphore(%arg8 : memref<!tpu.dma_semaphore, #tpu.memory_space<semaphore_mem>>)
    %dma_start3A_109 = arith.constant 0 : i32
    %dma_start3A_110 = arith.constant 2 : i32
    %dma_start3A_111 = arith.constant 0 : i32
    %dma_start3A_112 = arith.constant 2 : i32
    %dma_start3A_113 = arith.constant 0 : i32
    %dma_start3A_114 = arith.constant 0 : i32
    %dma_start3A_115 = tpu.memref_slice %arg6[%dma_start3A_112, %dma_start3A_113, %dma_start3A_114] : memref<4x80x128xf32, #tpu.memory_space<vmem>> -> memref<1x80x128xf32, #tpu.memory_space<vmem>>
    %dma_start3A_116 = tpu.memref_squeeze %dma_start3A_115 : memref<1x80x128xf32, #tpu.memory_space<vmem>> -> memref<80x128xf32, #tpu.memory_space<vmem>>
    %dma_start3A_117 = arith.constant 0 : i32
    %dma_start3A_118 = tpu.memref_slice %arg5[%dma_start3A_109, %dma_start3A_110, %dma_start3A_111, %dma_start3A_117] : memref<2x4x2x80xi32, #tpu.memory_space<vmem>> -> memref<1x1x1x80xi32, #tpu.memory_space<vmem>>
    %dma_start3A_119 = tpu.memref_squeeze %dma_start3A_118 : memref<1x1x1x80xi32, #tpu.memory_space<vmem>> -> memref<80xi32, #tpu.memory_space<vmem>>
    %dma_start3A_120 = arith.constant 0 : i32
    %dma_start3A_121 = arith.constant 0 : i32
    %dma_start3A_122 = tpu.memref_slice %arg2[%dma_start3A_120, %dma_start3A_121] : memref<10000x128xf32, #tpu.memory_space<hbm>> -> memref<10000x128xf32, #tpu.memory_space<hbm>>
    tpu.enqueue_indirect_dma source(%dma_start3A_122 : memref<10000x128xf32, #tpu.memory_space<hbm>>) target(%dma_start3A_116 : memref<80x128xf32, #tpu.memory_space<vmem>>) offsets(%dma_start3A_119 : memref<80xi32, #tpu.memory_space<vmem>>) semaphore(%arg8 : memref<!tpu.dma_semaphore, #tpu.memory_space<semaphore_mem>>)
    %dma_start3A_123 = arith.constant 0 : i32
    %dma_start3A_124 = arith.constant 3 : i32
    %dma_start3A_125 = arith.constant 0 : i32
    %dma_start3A_126 = arith.constant 3 : i32
    %dma_start3A_127 = arith.constant 0 : i32
    %dma_start3A_128 = arith.constant 0 : i32
    %dma_start3A_129 = tpu.memref_slice %arg6[%dma_start3A_126, %dma_start3A_127, %dma_start3A_128] : memref<4x80x128xf32, #tpu.memory_space<vmem>> -> memref<1x80x128xf32, #tpu.memory_space<vmem>>
    %dma_start3A_130 = tpu.memref_squeeze %dma_start3A_129 : memref<1x80x128xf32, #tpu.memory_space<vmem>> -> memref<80x128xf32, #tpu.memory_space<vmem>>
    %dma_start3A_131 = arith.constant 0 : i32
    %dma_start3A_132 = tpu.memref_slice %arg5[%dma_start3A_123, %dma_start3A_124, %dma_start3A_125, %dma_start3A_131] : memref<2x4x2x80xi32, #tpu.memory_space<vmem>> -> memref<1x1x1x80xi32, #tpu.memory_space<vmem>>
    %dma_start3A_133 = tpu.memref_squeeze %dma_start3A_132 : memref<1x1x1x80xi32, #tpu.memory_space<vmem>> -> memref<80xi32, #tpu.memory_space<vmem>>
    %dma_start3A_134 = arith.constant 0 : i32
    %dma_start3A_135 = arith.constant 0 : i32
    %dma_start3A_136 = tpu.memref_slice %arg2[%dma_start3A_134, %dma_start3A_135] : memref<10000x128xf32, #tpu.memory_space<hbm>> -> memref<10000x128xf32, #tpu.memory_space<hbm>>
    tpu.enqueue_indirect_dma source(%dma_start3A_136 : memref<10000x128xf32, #tpu.memory_space<hbm>>) target(%dma_start3A_130 : memref<80x128xf32, #tpu.memory_space<vmem>>) offsets(%dma_start3A_133 : memref<80xi32, #tpu.memory_space<vmem>>) semaphore(%arg8 : memref<!tpu.dma_semaphore, #tpu.memory_space<semaphore_mem>>)
    %dma_wait3A_137 = arith.constant 0 : i32
    %dma_wait3A_138 = arith.constant 0 : i32
    %dma_wait3A_139 = arith.constant 0 : i32
    %dma_wait3A_140 = arith.constant 0 : i32
    %dma_wait3A_141 = arith.constant 0 : i32
    %dma_wait3A_142 = arith.constant 0 : i32
    %dma_wait3A_143 = tpu.memref_slice %arg6[%dma_wait3A_140, %dma_wait3A_141, %dma_wait3A_142] : memref<4x80x128xf32, #tpu.memory_space<vmem>> -> memref<1x80x128xf32, #tpu.memory_space<vmem>>
    %dma_wait3A_144 = tpu.memref_squeeze %dma_wait3A_143 : memref<1x80x128xf32, #tpu.memory_space<vmem>> -> memref<80x128xf32, #tpu.memory_space<vmem>>
    %dma_wait3A_145 = arith.constant 0 : i32
    %dma_wait3A_146 = tpu.memref_slice %arg5[%dma_wait3A_137, %dma_wait3A_138, %dma_wait3A_139, %dma_wait3A_145] : memref<2x4x2x80xi32, #tpu.memory_space<vmem>> -> memref<1x1x1x80xi32, #tpu.memory_space<vmem>>
    %dma_wait3A_147 = tpu.memref_squeeze %dma_wait3A_146 : memref<1x1x1x80xi32, #tpu.memory_space<vmem>> -> memref<80xi32, #tpu.memory_space<vmem>>
    %dma_wait3A_148 = arith.constant 0 : i32
    %dma_wait3A_149 = arith.constant 0 : i32
    %dma_wait3A_150 = tpu.memref_slice %arg2[%dma_wait3A_148, %dma_wait3A_149] : memref<10000x128xf32, #tpu.memory_space<hbm>> -> memref<10000x128xf32, #tpu.memory_space<hbm>>
    tpu.wait_indirect_dma semaphore(%arg8 : memref<!tpu.dma_semaphore, #tpu.memory_space<semaphore_mem>>) src(%dma_wait3A_150 : memref<10000x128xf32, #tpu.memory_space<hbm>>) dst(%dma_wait3A_144 : memref<80x128xf32, #tpu.memory_space<vmem>>)
    %dma_start3A_151 = arith.constant 0 : i32
    %dma_start3A_152 = arith.constant 0 : i32
    %dma_start3A_153 = arith.constant 0 : i32
    %dma_start3A_154 = arith.constant 1 : i32
    %dma_start3A_155 = arith.constant 0 : i32
    %dma_start3A_156 = arith.constant 0 : i32
    %dma_start3A_157 = tpu.memref_slice %arg6[%dma_start3A_151, %dma_start3A_155, %dma_start3A_156] : memref<4x80x128xf32, #tpu.memory_space<vmem>> -> memref<1x80x128xf32, #tpu.memory_space<vmem>>
    %dma_start3A_158 = tpu.memref_squeeze %dma_start3A_157 : memref<1x80x128xf32, #tpu.memory_space<vmem>> -> memref<80x128xf32, #tpu.memory_space<vmem>>
    %dma_start3A_159 = arith.constant 0 : i32
    %dma_start3A_160 = tpu.memref_slice %arg5[%dma_start3A_152, %dma_start3A_153, %dma_start3A_154, %dma_start3A_159] : memref<2x4x2x80xi32, #tpu.memory_space<vmem>> -> memref<1x1x1x80xi32, #tpu.memory_space<vmem>>
    %dma_start3A_161 = tpu.memref_squeeze %dma_start3A_160 : memref<1x1x1x80xi32, #tpu.memory_space<vmem>> -> memref<80xi32, #tpu.memory_space<vmem>>
    %dma_start3A_162 = arith.constant 0 : i32
    %dma_start3A_163 = arith.constant 0 : i32
    %dma_start3A_164 = tpu.memref_slice %arg7[%dma_start3A_162, %dma_start3A_163] : memref<10000x128xf32, #tpu.memory_space<vmem_shared>> -> memref<10000x128xf32, #tpu.memory_space<vmem_shared>>
    tpu.enqueue_indirect_dma source(%dma_start3A_158 : memref<80x128xf32, #tpu.memory_space<vmem>>) target(%dma_start3A_164 : memref<10000x128xf32, #tpu.memory_space<vmem_shared>>) offsets(%dma_start3A_161 : memref<80xi32, #tpu.memory_space<vmem>>) semaphore(%arg9 : memref<!tpu.dma_semaphore, #tpu.memory_space<semaphore_mem>>) {add = true}
    %dma_wait3A_165 = arith.constant 0 : i32
    %dma_wait3A_166 = arith.constant 1 : i32
    %dma_wait3A_167 = arith.constant 0 : i32
    %dma_wait3A_168 = arith.constant 1 : i32
    %dma_wait3A_169 = arith.constant 0 : i32
    %dma_wait3A_170 = arith.constant 0 : i32
    %dma_wait3A_171 = tpu.memref_slice %arg6[%dma_wait3A_168, %dma_wait3A_169, %dma_wait3A_170] : memref<4x80x128xf32, #tpu.memory_space<vmem>> -> memref<1x80x128xf32, #tpu.memory_space<vmem>>
    %dma_wait3A_172 = tpu.memref_squeeze %dma_wait3A_171 : memref<1x80x128xf32, #tpu.memory_space<vmem>> -> memref<80x128xf32, #tpu.memory_space<vmem>>
    %dma_wait3A_173 = arith.constant 0 : i32
    %dma_wait3A_174 = tpu.memref_slice %arg5[%dma_wait3A_165, %dma_wait3A_166, %dma_wait3A_167, %dma_wait3A_173] : memref<2x4x2x80xi32, #tpu.memory_space<vmem>> -> memref<1x1x1x80xi32, #tpu.memory_space<vmem>>
    %dma_wait3A_175 = tpu.memref_squeeze %dma_wait3A_174 : memref<1x1x1x80xi32, #tpu.memory_space<vmem>> -> memref<80xi32, #tpu.memory_space<vmem>>
    %dma_wait3A_176 = arith.constant 0 : i32
    %dma_wait3A_177 = arith.constant 0 : i32
    %dma_wait3A_178 = tpu.memref_slice %arg2[%dma_wait3A_176, %dma_wait3A_177] : memref<10000x128xf32, #tpu.memory_space<hbm>> -> memref<10000x128xf32, #tpu.memory_space<hbm>>
    tpu.wait_indirect_dma semaphore(%arg8 : memref<!tpu.dma_semaphore, #tpu.memory_space<semaphore_mem>>) src(%dma_wait3A_178 : memref<10000x128xf32, #tpu.memory_space<hbm>>) dst(%dma_wait3A_172 : memref<80x128xf32, #tpu.memory_space<vmem>>)
    %dma_start3A_179 = arith.constant 1 : i32
    %dma_start3A_180 = arith.constant 0 : i32
    %dma_start3A_181 = arith.constant 1 : i32
    %dma_start3A_182 = arith.constant 1 : i32
    %dma_start3A_183 = arith.constant 0 : i32
    %dma_start3A_184 = arith.constant 0 : i32
    %dma_start3A_185 = tpu.memref_slice %arg6[%dma_start3A_179, %dma_start3A_183, %dma_start3A_184] : memref<4x80x128xf32, #tpu.memory_space<vmem>> -> memref<1x80x128xf32, #tpu.memory_space<vmem>>
    %dma_start3A_186 = tpu.memref_squeeze %dma_start3A_185 : memref<1x80x128xf32, #tpu.memory_space<vmem>> -> memref<80x128xf32, #tpu.memory_space<vmem>>
    %dma_start3A_187 = arith.constant 0 : i32
    %dma_start3A_188 = tpu.memref_slice %arg5[%dma_start3A_180, %dma_start3A_181, %dma_start3A_182, %dma_start3A_187] : memref<2x4x2x80xi32, #tpu.memory_space<vmem>> -> memref<1x1x1x80xi32, #tpu.memory_space<vmem>>
    %dma_start3A_189 = tpu.memref_squeeze %dma_start3A_188 : memref<1x1x1x80xi32, #tpu.memory_space<vmem>> -> memref<80xi32, #tpu.memory_space<vmem>>
    %dma_start3A_190 = arith.constant 0 : i32
    %dma_start3A_191 = arith.constant 0 : i32
    %dma_start3A_192 = tpu.memref_slice %arg7[%dma_start3A_190, %dma_start3A_191] : memref<10000x128xf32, #tpu.memory_space<vmem_shared>> -> memref<10000x128xf32, #tpu.memory_space<vmem_shared>>
    tpu.enqueue_indirect_dma source(%dma_start3A_186 : memref<80x128xf32, #tpu.memory_space<vmem>>) target(%dma_start3A_192 : memref<10000x128xf32, #tpu.memory_space<vmem_shared>>) offsets(%dma_start3A_189 : memref<80xi32, #tpu.memory_space<vmem>>) semaphore(%arg9 : memref<!tpu.dma_semaphore, #tpu.memory_space<semaphore_mem>>) {add = true}
    %dma_wait3A_193 = arith.constant 0 : i32
    %dma_wait3A_194 = arith.constant 2 : i32
    %dma_wait3A_195 = arith.constant 0 : i32
    %dma_wait3A_196 = arith.constant 2 : i32
    %dma_wait3A_197 = arith.constant 0 : i32
    %dma_wait3A_198 = arith.constant 0 : i32
    %dma_wait3A_199 = tpu.memref_slice %arg6[%dma_wait3A_196, %dma_wait3A_197, %dma_wait3A_198] : memref<4x80x128xf32, #tpu.memory_space<vmem>> -> memref<1x80x128xf32, #tpu.memory_space<vmem>>
    %dma_wait3A_200 = tpu.memref_squeeze %dma_wait3A_199 : memref<1x80x128xf32, #tpu.memory_space<vmem>> -> memref<80x128xf32, #tpu.memory_space<vmem>>
    %dma_wait3A_201 = arith.constant 0 : i32
    %dma_wait3A_202 = tpu.memref_slice %arg5[%dma_wait3A_193, %dma_wait3A_194, %dma_wait3A_195, %dma_wait3A_201] : memref<2x4x2x80xi32, #tpu.memory_space<vmem>> -> memref<1x1x1x80xi32, #tpu.memory_space<vmem>>
    %dma_wait3A_203 = tpu.memref_squeeze %dma_wait3A_202 : memref<1x1x1x80xi32, #tpu.memory_space<vmem>> -> memref<80xi32, #tpu.memory_space<vmem>>
    %dma_wait3A_204 = arith.constant 0 : i32
    %dma_wait3A_205 = arith.constant 0 : i32
    %dma_wait3A_206 = tpu.memref_slice %arg2[%dma_wait3A_204, %dma_wait3A_205] : memref<10000x128xf32, #tpu.memory_space<hbm>> -> memref<10000x128xf32, #tpu.memory_space<hbm>>
    tpu.wait_indirect_dma semaphore(%arg8 : memref<!tpu.dma_semaphore, #tpu.memory_space<semaphore_mem>>) src(%dma_wait3A_206 : memref<10000x128xf32, #tpu.memory_space<hbm>>) dst(%dma_wait3A_200 : memref<80x128xf32, #tpu.memory_space<vmem>>)
    %dma_start3A_207 = arith.constant 2 : i32
    %dma_start3A_208 = arith.constant 0 : i32
    %dma_start3A_209 = arith.constant 2 : i32
    %dma_start3A_210 = arith.constant 1 : i32
    %dma_start3A_211 = arith.constant 0 : i32
    %dma_start3A_212 = arith.constant 0 : i32
    %dma_start3A_213 = tpu.memref_slice %arg6[%dma_start3A_207, %dma_start3A_211, %dma_start3A_212] : memref<4x80x128xf32, #tpu.memory_space<vmem>> -> memref<1x80x128xf32, #tpu.memory_space<vmem>>
    %dma_start3A_214 = tpu.memref_squeeze %dma_start3A_213 : memref<1x80x128xf32, #tpu.memory_space<vmem>> -> memref<80x128xf32, #tpu.memory_space<vmem>>
    %dma_start3A_215 = arith.constant 0 : i32
    %dma_start3A_216 = tpu.memref_slice %arg5[%dma_start3A_208, %dma_start3A_209, %dma_start3A_210, %dma_start3A_215] : memref<2x4x2x80xi32, #tpu.memory_space<vmem>> -> memref<1x1x1x80xi32, #tpu.memory_space<vmem>>
    %dma_start3A_217 = tpu.memref_squeeze %dma_start3A_216 : memref<1x1x1x80xi32, #tpu.memory_space<vmem>> -> memref<80xi32, #tpu.memory_space<vmem>>
    %dma_start3A_218 = arith.constant 0 : i32
    %dma_start3A_219 = arith.constant 0 : i32
    %dma_start3A_220 = tpu.memref_slice %arg7[%dma_start3A_218, %dma_start3A_219] : memref<10000x128xf32, #tpu.memory_space<vmem_shared>> -> memref<10000x128xf32, #tpu.memory_space<vmem_shared>>
    tpu.enqueue_indirect_dma source(%dma_start3A_214 : memref<80x128xf32, #tpu.memory_space<vmem>>) target(%dma_start3A_220 : memref<10000x128xf32, #tpu.memory_space<vmem_shared>>) offsets(%dma_start3A_217 : memref<80xi32, #tpu.memory_space<vmem>>) semaphore(%arg9 : memref<!tpu.dma_semaphore, #tpu.memory_space<semaphore_mem>>) {add = true}
    %dma_wait3A_221 = arith.constant 0 : i32
    %dma_wait3A_222 = arith.constant 3 : i32
    %dma_wait3A_223 = arith.constant 0 : i32
    %dma_wait3A_224 = arith.constant 3 : i32
    %dma_wait3A_225 = arith.constant 0 : i32
    %dma_wait3A_226 = arith.constant 0 : i32
    %dma_wait3A_227 = tpu.memref_slice %arg6[%dma_wait3A_224, %dma_wait3A_225, %dma_wait3A_226] : memref<4x80x128xf32, #tpu.memory_space<vmem>> -> memref<1x80x128xf32, #tpu.memory_space<vmem>>
    %dma_wait3A_228 = tpu.memref_squeeze %dma_wait3A_227 : memref<1x80x128xf32, #tpu.memory_space<vmem>> -> memref<80x128xf32, #tpu.memory_space<vmem>>
    %dma_wait3A_229 = arith.constant 0 : i32
    %dma_wait3A_230 = tpu.memref_slice %arg5[%dma_wait3A_221, %dma_wait3A_222, %dma_wait3A_223, %dma_wait3A_229] : memref<2x4x2x80xi32, #tpu.memory_space<vmem>> -> memref<1x1x1x80xi32, #tpu.memory_space<vmem>>
    %dma_wait3A_231 = tpu.memref_squeeze %dma_wait3A_230 : memref<1x1x1x80xi32, #tpu.memory_space<vmem>> -> memref<80xi32, #tpu.memory_space<vmem>>
    %dma_wait3A_232 = arith.constant 0 : i32
    %dma_wait3A_233 = arith.constant 0 : i32
    %dma_wait3A_234 = tpu.memref_slice %arg2[%dma_wait3A_232, %dma_wait3A_233] : memref<10000x128xf32, #tpu.memory_space<hbm>> -> memref<10000x128xf32, #tpu.memory_space<hbm>>
    tpu.wait_indirect_dma semaphore(%arg8 : memref<!tpu.dma_semaphore, #tpu.memory_space<semaphore_mem>>) src(%dma_wait3A_234 : memref<10000x128xf32, #tpu.memory_space<hbm>>) dst(%dma_wait3A_228 : memref<80x128xf32, #tpu.memory_space<vmem>>)
    %dma_start3A_235 = arith.constant 3 : i32
    %dma_start3A_236 = arith.constant 0 : i32
    %dma_start3A_237 = arith.constant 3 : i32
    %dma_start3A_238 = arith.constant 1 : i32
    %dma_start3A_239 = arith.constant 0 : i32
    %dma_start3A_240 = arith.constant 0 : i32
    %dma_start3A_241 = tpu.memref_slice %arg6[%dma_start3A_235, %dma_start3A_239, %dma_start3A_240] : memref<4x80x128xf32, #tpu.memory_space<vmem>> -> memref<1x80x128xf32, #tpu.memory_space<vmem>>
    %dma_start3A_242 = tpu.memref_squeeze %dma_start3A_241 : memref<1x80x128xf32, #tpu.memory_space<vmem>> -> memref<80x128xf32, #tpu.memory_space<vmem>>
    %dma_start3A_243 = arith.constant 0 : i32
    %dma_start3A_244 = tpu.memref_slice %arg5[%dma_start3A_236, %dma_start3A_237, %dma_start3A_238, %dma_start3A_243] : memref<2x4x2x80xi32, #tpu.memory_space<vmem>> -> memref<1x1x1x80xi32, #tpu.memory_space<vmem>>
    %dma_start3A_245 = tpu.memref_squeeze %dma_start3A_244 : memref<1x1x1x80xi32, #tpu.memory_space<vmem>> -> memref<80xi32, #tpu.memory_space<vmem>>
    %dma_start3A_246 = arith.constant 0 : i32
    %dma_start3A_247 = arith.constant 0 : i32
    %dma_start3A_248 = tpu.memref_slice %arg7[%dma_start3A_246, %dma_start3A_247] : memref<10000x128xf32, #tpu.memory_space<vmem_shared>> -> memref<10000x128xf32, #tpu.memory_space<vmem_shared>>
    tpu.enqueue_indirect_dma source(%dma_start3A_242 : memref<80x128xf32, #tpu.memory_space<vmem>>) target(%dma_start3A_248 : memref<10000x128xf32, #tpu.memory_space<vmem_shared>>) offsets(%dma_start3A_245 : memref<80xi32, #tpu.memory_space<vmem>>) semaphore(%arg9 : memref<!tpu.dma_semaphore, #tpu.memory_space<semaphore_mem>>) {add = true}
    %dma_wait3A_249 = arith.constant 0 : i32
    %dma_wait3A_250 = arith.constant 0 : i32
    %dma_wait3A_251 = arith.constant 0 : i32
    %dma_wait3A_252 = arith.constant 1 : i32
    %dma_wait3A_253 = arith.constant 0 : i32
    %dma_wait3A_254 = arith.constant 0 : i32
    %dma_wait3A_255 = tpu.memref_slice %arg6[%dma_wait3A_249, %dma_wait3A_253, %dma_wait3A_254] : memref<4x80x128xf32, #tpu.memory_space<vmem>> -> memref<1x80x128xf32, #tpu.memory_space<vmem>>
    %dma_wait3A_256 = tpu.memref_squeeze %dma_wait3A_255 : memref<1x80x128xf32, #tpu.memory_space<vmem>> -> memref<80x128xf32, #tpu.memory_space<vmem>>
    %dma_wait3A_257 = arith.constant 0 : i32
    %dma_wait3A_258 = tpu.memref_slice %arg5[%dma_wait3A_250, %dma_wait3A_251, %dma_wait3A_252, %dma_wait3A_257] : memref<2x4x2x80xi32, #tpu.memory_space<vmem>> -> memref<1x1x1x80xi32, #tpu.memory_space<vmem>>
    %dma_wait3A_259 = tpu.memref_squeeze %dma_wait3A_258 : memref<1x1x1x80xi32, #tpu.memory_space<vmem>> -> memref<80xi32, #tpu.memory_space<vmem>>
    %dma_wait3A_260 = arith.constant 0 : i32
    %dma_wait3A_261 = arith.constant 0 : i32
    %dma_wait3A_262 = tpu.memref_slice %arg7[%dma_wait3A_260, %dma_wait3A_261] : memref<10000x128xf32, #tpu.memory_space<vmem_shared>> -> memref<10000x128xf32, #tpu.memory_space<vmem_shared>>
    tpu.wait_indirect_dma semaphore(%arg9 : memref<!tpu.dma_semaphore, #tpu.memory_space<semaphore_mem>>) src(%dma_wait3A_256 : memref<80x128xf32, #tpu.memory_space<vmem>>) dst(%dma_wait3A_262 : memref<10000x128xf32, #tpu.memory_space<vmem_shared>>)
    %dma_wait3A_263 = arith.constant 1 : i32
    %dma_wait3A_264 = arith.constant 0 : i32
    %dma_wait3A_265 = arith.constant 1 : i32
    %dma_wait3A_266 = arith.constant 1 : i32
    %dma_wait3A_267 = arith.constant 0 : i32
    %dma_wait3A_268 = arith.constant 0 : i32
    %dma_wait3A_269 = tpu.memref_slice %arg6[%dma_wait3A_263, %dma_wait3A_267, %dma_wait3A_268] : memref<4x80x128xf32, #tpu.memory_space<vmem>> -> memref<1x80x128xf32, #tpu.memory_space<vmem>>
    %dma_wait3A_270 = tpu.memref_squeeze %dma_wait3A_269 : memref<1x80x128xf32, #tpu.memory_space<vmem>> -> memref<80x128xf32, #tpu.memory_space<vmem>>
    %dma_wait3A_271 = arith.constant 0 : i32
    %dma_wait3A_272 = tpu.memref_slice %arg5[%dma_wait3A_264, %dma_wait3A_265, %dma_wait3A_266, %dma_wait3A_271] : memref<2x4x2x80xi32, #tpu.memory_space<vmem>> -> memref<1x1x1x80xi32, #tpu.memory_space<vmem>>
    %dma_wait3A_273 = tpu.memref_squeeze %dma_wait3A_272 : memref<1x1x1x80xi32, #tpu.memory_space<vmem>> -> memref<80xi32, #tpu.memory_space<vmem>>
    %dma_wait3A_274 = arith.constant 0 : i32
    %dma_wait3A_275 = arith.constant 0 : i32
    %dma_wait3A_276 = tpu.memref_slice %arg7[%dma_wait3A_274, %dma_wait3A_275] : memref<10000x128xf32, #tpu.memory_space<vmem_shared>> -> memref<10000x128xf32, #tpu.memory_space<vmem_shared>>
    tpu.wait_indirect_dma semaphore(%arg9 : memref<!tpu.dma_semaphore, #tpu.memory_space<semaphore_mem>>) src(%dma_wait3A_270 : memref<80x128xf32, #tpu.memory_space<vmem>>) dst(%dma_wait3A_276 : memref<10000x128xf32, #tpu.memory_space<vmem_shared>>)
    %dma_wait3A_277 = arith.constant 2 : i32
    %dma_wait3A_278 = arith.constant 0 : i32
    %dma_wait3A_279 = arith.constant 2 : i32
    %dma_wait3A_280 = arith.constant 1 : i32
    %dma_wait3A_281 = arith.constant 0 : i32
    %dma_wait3A_282 = arith.constant 0 : i32
    %dma_wait3A_283 = tpu.memref_slice %arg6[%dma_wait3A_277, %dma_wait3A_281, %dma_wait3A_282] : memref<4x80x128xf32, #tpu.memory_space<vmem>> -> memref<1x80x128xf32, #tpu.memory_space<vmem>>
    %dma_wait3A_284 = tpu.memref_squeeze %dma_wait3A_283 : memref<1x80x128xf32, #tpu.memory_space<vmem>> -> memref<80x128xf32, #tpu.memory_space<vmem>>
    %dma_wait3A_285 = arith.constant 0 : i32
    %dma_wait3A_286 = tpu.memref_slice %arg5[%dma_wait3A_278, %dma_wait3A_279, %dma_wait3A_280, %dma_wait3A_285] : memref<2x4x2x80xi32, #tpu.memory_space<vmem>> -> memref<1x1x1x80xi32, #tpu.memory_space<vmem>>
    %dma_wait3A_287 = tpu.memref_squeeze %dma_wait3A_286 : memref<1x1x1x80xi32, #tpu.memory_space<vmem>> -> memref<80xi32, #tpu.memory_space<vmem>>
    %dma_wait3A_288 = arith.constant 0 : i32
    %dma_wait3A_289 = arith.constant 0 : i32
    %dma_wait3A_290 = tpu.memref_slice %arg7[%dma_wait3A_288, %dma_wait3A_289] : memref<10000x128xf32, #tpu.memory_space<vmem_shared>> -> memref<10000x128xf32, #tpu.memory_space<vmem_shared>>
    tpu.wait_indirect_dma semaphore(%arg9 : memref<!tpu.dma_semaphore, #tpu.memory_space<semaphore_mem>>) src(%dma_wait3A_284 : memref<80x128xf32, #tpu.memory_space<vmem>>) dst(%dma_wait3A_290 : memref<10000x128xf32, #tpu.memory_space<vmem_shared>>)
    %dma_wait3A_291 = arith.constant 3 : i32
    %dma_wait3A_292 = arith.constant 0 : i32
    %dma_wait3A_293 = arith.constant 3 : i32
    %dma_wait3A_294 = arith.constant 1 : i32
    %dma_wait3A_295 = arith.constant 0 : i32
    %dma_wait3A_296 = arith.constant 0 : i32
    %dma_wait3A_297 = tpu.memref_slice %arg6[%dma_wait3A_291, %dma_wait3A_295, %dma_wait3A_296] : memref<4x80x128xf32, #tpu.memory_space<vmem>> -> memref<1x80x128xf32, #tpu.memory_space<vmem>>
    %dma_wait3A_298 = tpu.memref_squeeze %dma_wait3A_297 : memref<1x80x128xf32, #tpu.memory_space<vmem>> -> memref<80x128xf32, #tpu.memory_space<vmem>>
    %dma_wait3A_299 = arith.constant 0 : i32
    %dma_wait3A_300 = tpu.memref_slice %arg5[%dma_wait3A_292, %dma_wait3A_293, %dma_wait3A_294, %dma_wait3A_299] : memref<2x4x2x80xi32, #tpu.memory_space<vmem>> -> memref<1x1x1x80xi32, #tpu.memory_space<vmem>>
    %dma_wait3A_301 = tpu.memref_squeeze %dma_wait3A_300 : memref<1x1x1x80xi32, #tpu.memory_space<vmem>> -> memref<80xi32, #tpu.memory_space<vmem>>
    %dma_wait3A_302 = arith.constant 0 : i32
    %dma_wait3A_303 = arith.constant 0 : i32
    %dma_wait3A_304 = tpu.memref_slice %arg7[%dma_wait3A_302, %dma_wait3A_303] : memref<10000x128xf32, #tpu.memory_space<vmem_shared>> -> memref<10000x128xf32, #tpu.memory_space<vmem_shared>>
    tpu.wait_indirect_dma semaphore(%arg9 : memref<!tpu.dma_semaphore, #tpu.memory_space<semaphore_mem>>) src(%dma_wait3A_298 : memref<80x128xf32, #tpu.memory_space<vmem>>) dst(%dma_wait3A_304 : memref<10000x128xf32, #tpu.memory_space<vmem_shared>>)
    %dma_wait3A_305 = arith.constant 1 : i32
    %dma_wait3A_306 = arith.constant 0 : i32
    %dma_wait3A_307 = arith.constant 0 : i32
    %dma_wait3A_308 = arith.constant 0 : i32
    %dma_wait3A_309 = tpu.memref_slice %arg5[%dma_wait3A_305, %dma_wait3A_306, %dma_wait3A_307, %dma_wait3A_308] : memref<2x4x2x80xi32, #tpu.memory_space<vmem>> -> memref<1x4x2x80xi32, #tpu.memory_space<vmem>>
    %dma_wait3A_310 = tpu.memref_squeeze %dma_wait3A_309 : memref<1x4x2x80xi32, #tpu.memory_space<vmem>> -> memref<4x2x80xi32, #tpu.memory_space<vmem>>
    %dma_wait3A_311 = arith.constant 0 : i32
    %dma_wait3A_312 = arith.constant 0 : i32
    %dma_wait3A_313 = arith.constant 0 : i32
    %dma_wait3A_314 = tpu.memref_slice %arg3[%add3A, %dma_wait3A_311, %dma_wait3A_312, %dma_wait3A_313] : memref<32x128x2x80xi32, #tpu.memory_space<hbm>> -> memref<1x4x2x80xi32, #tpu.memory_space<hbm>>
    %dma_wait3A_315 = tpu.memref_squeeze %dma_wait3A_314 : memref<1x4x2x80xi32, #tpu.memory_space<hbm>> -> memref<4x2x80xi32, #tpu.memory_space<hbm>>
    %dma_wait3A_316 = arith.constant 0 : i32
    %dma_wait3A_317 = arith.constant 0 : i32
    %dma_wait3A_318 = arith.constant 0 : i32
    %dma_wait3A_319 = tpu.memref_slice %arg5[%dma_wait3A_305, %dma_wait3A_316, %dma_wait3A_317, %dma_wait3A_318] : memref<2x4x2x80xi32, #tpu.memory_space<vmem>> -> memref<1x4x2x80xi32, #tpu.memory_space<vmem>>
    %dma_wait3A_320 = tpu.memref_squeeze %dma_wait3A_319 : memref<1x4x2x80xi32, #tpu.memory_space<vmem>> -> memref<4x2x80xi32, #tpu.memory_space<vmem>>
    %dma_wait3A_321 = arith.constant 0 : i32
    %dma_wait3A_322 = arith.constant 0 : i32
    %dma_wait3A_323 = arith.constant 0 : i32
    %dma_wait3A_324 = tpu.memref_slice %arg3[%add3A, %dma_wait3A_321, %dma_wait3A_322, %dma_wait3A_323] : memref<32x128x2x80xi32, #tpu.memory_space<hbm>> -> memref<1x4x2x80xi32, #tpu.memory_space<hbm>>
    %dma_wait3A_325 = tpu.memref_squeeze %dma_wait3A_324 : memref<1x4x2x80xi32, #tpu.memory_space<hbm>> -> memref<4x2x80xi32, #tpu.memory_space<hbm>>
    tpu.wait_dma2 semaphore(%arg10 : memref<!tpu.dma_semaphore, #tpu.memory_space<semaphore_mem>>) src(%dma_wait3A_325 : memref<4x2x80xi32, #tpu.memory_space<hbm>>) dst(%dma_wait3A_320 : memref<4x2x80xi32, #tpu.memory_space<vmem>>)
    %dma_start3A_326 = arith.constant 1 : i32
    %dma_start3A_327 = arith.constant 0 : i32
    %dma_start3A_328 = arith.constant 0 : i32
    %dma_start3A_329 = arith.constant 0 : i32
    %dma_start3A_330 = arith.constant 0 : i32
    %dma_start3A_331 = arith.constant 0 : i32
    %dma_start3A_332 = tpu.memref_slice %arg6[%dma_start3A_329, %dma_start3A_330, %dma_start3A_331] : memref<4x80x128xf32, #tpu.memory_space<vmem>> -> memref<1x80x128xf32, #tpu.memory_space<vmem>>
    %dma_start3A_333 = tpu.memref_squeeze %dma_start3A_332 : memref<1x80x128xf32, #tpu.memory_space<vmem>> -> memref<80x128xf32, #tpu.memory_space<vmem>>
    %dma_start3A_334 = arith.constant 0 : i32
    %dma_start3A_335 = tpu.memref_slice %arg5[%dma_start3A_326, %dma_start3A_327, %dma_start3A_328, %dma_start3A_334] : memref<2x4x2x80xi32, #tpu.memory_space<vmem>> -> memref<1x1x1x80xi32, #tpu.memory_space<vmem>>
    %dma_start3A_336 = tpu.memref_squeeze %dma_start3A_335 : memref<1x1x1x80xi32, #tpu.memory_space<vmem>> -> memref<80xi32, #tpu.memory_space<vmem>>
    %dma_start3A_337 = arith.constant 0 : i32
    %dma_start3A_338 = arith.constant 0 : i32
    %dma_start3A_339 = tpu.memref_slice %arg2[%dma_start3A_337, %dma_start3A_338] : memref<10000x128xf32, #tpu.memory_space<hbm>> -> memref<10000x128xf32, #tpu.memory_space<hbm>>
    tpu.enqueue_indirect_dma source(%dma_start3A_339 : memref<10000x128xf32, #tpu.memory_space<hbm>>) target(%dma_start3A_333 : memref<80x128xf32, #tpu.memory_space<vmem>>) offsets(%dma_start3A_336 : memref<80xi32, #tpu.memory_space<vmem>>) semaphore(%arg8 : memref<!tpu.dma_semaphore, #tpu.memory_space<semaphore_mem>>)
    %dma_wait3A_340 = arith.constant 1 : i32
    %dma_wait3A_341 = arith.constant 0 : i32
    %dma_wait3A_342 = arith.constant 0 : i32
    %dma_wait3A_343 = arith.constant 0 : i32
    %dma_wait3A_344 = arith.constant 0 : i32
    %dma_wait3A_345 = arith.constant 0 : i32
    %dma_wait3A_346 = tpu.memref_slice %arg6[%dma_wait3A_343, %dma_wait3A_344, %dma_wait3A_345] : memref<4x80x128xf32, #tpu.memory_space<vmem>> -> memref<1x80x128xf32, #tpu.memory_space<vmem>>
    %dma_wait3A_347 = tpu.memref_squeeze %dma_wait3A_346 : memref<1x80x128xf32, #tpu.memory_space<vmem>> -> memref<80x128xf32, #tpu.memory_space<vmem>>
    %dma_wait3A_348 = arith.constant 0 : i32
    %dma_wait3A_349 = tpu.memref_slice %arg5[%dma_wait3A_340, %dma_wait3A_341, %dma_wait3A_342, %dma_wait3A_348] : memref<2x4x2x80xi32, #tpu.memory_space<vmem>> -> memref<1x1x1x80xi32, #tpu.memory_space<vmem>>
    %dma_wait3A_350 = tpu.memref_squeeze %dma_wait3A_349 : memref<1x1x1x80xi32, #tpu.memory_space<vmem>> -> memref<80xi32, #tpu.memory_space<vmem>>
    %dma_wait3A_351 = arith.constant 0 : i32
    %dma_wait3A_352 = arith.constant 0 : i32
    %dma_wait3A_353 = tpu.memref_slice %arg2[%dma_wait3A_351, %dma_wait3A_352] : memref<10000x128xf32, #tpu.memory_space<hbm>> -> memref<10000x128xf32, #tpu.memory_space<hbm>>
    tpu.wait_indirect_dma semaphore(%arg8 : memref<!tpu.dma_semaphore, #tpu.memory_space<semaphore_mem>>) src(%dma_wait3A_353 : memref<10000x128xf32, #tpu.memory_space<hbm>>) dst(%dma_wait3A_347 : memref<80x128xf32, #tpu.memory_space<vmem>>)
    %dma_start3A_354 = arith.constant 0 : i32
    %dma_start3A_355 = arith.constant 1 : i32
    %dma_start3A_356 = arith.constant 0 : i32
    %dma_start3A_357 = arith.constant 1 : i32
    %dma_start3A_358 = arith.constant 0 : i32
    %dma_start3A_359 = arith.constant 0 : i32
    %dma_start3A_360 = tpu.memref_slice %arg6[%dma_start3A_354, %dma_start3A_358, %dma_start3A_359] : memref<4x80x128xf32, #tpu.memory_space<vmem>> -> memref<1x80x128xf32, #tpu.memory_space<vmem>>
    %dma_start3A_361 = tpu.memref_squeeze %dma_start3A_360 : memref<1x80x128xf32, #tpu.memory_space<vmem>> -> memref<80x128xf32, #tpu.memory_space<vmem>>
    %dma_start3A_362 = arith.constant 0 : i32
    %dma_start3A_363 = tpu.memref_slice %arg5[%dma_start3A_355, %dma_start3A_356, %dma_start3A_357, %dma_start3A_362] : memref<2x4x2x80xi32, #tpu.memory_space<vmem>> -> memref<1x1x1x80xi32, #tpu.memory_space<vmem>>
    %dma_start3A_364 = tpu.memref_squeeze %dma_start3A_363 : memref<1x1x1x80xi32, #tpu.memory_space<vmem>> -> memref<80xi32, #tpu.memory_space<vmem>>
    %dma_start3A_365 = arith.constant 0 : i32
    %dma_start3A_366 = arith.constant 0 : i32
    %dma_start3A_367 = tpu.memref_slice %arg7[%dma_start3A_365, %dma_start3A_366] : memref<10000x128xf32, #tpu.memory_space<vmem_shared>> -> memref<10000x128xf32, #tpu.memory_space<vmem_shared>>
    tpu.enqueue_indirect_dma source(%dma_start3A_361 : memref<80x128xf32, #tpu.memory_space<vmem>>) target(%dma_start3A_367 : memref<10000x128xf32, #tpu.memory_space<vmem_shared>>) offsets(%dma_start3A_364 : memref<80xi32, #tpu.memory_space<vmem>>) semaphore(%arg9 : memref<!tpu.dma_semaphore, #tpu.memory_space<semaphore_mem>>) {add = true}
    %dma_wait3A_368 = arith.constant 0 : i32
    %dma_wait3A_369 = arith.constant 1 : i32
    %dma_wait3A_370 = arith.constant 0 : i32
    %dma_wait3A_371 = arith.constant 1 : i32
    %dma_wait3A_372 = arith.constant 0 : i32
    %dma_wait3A_373 = arith.constant 0 : i32
    %dma_wait3A_374 = tpu.memref_slice %arg6[%dma_wait3A_368, %dma_wait3A_372, %dma_wait3A_373] : memref<4x80x128xf32, #tpu.memory_space<vmem>> -> memref<1x80x128xf32, #tpu.memory_space<vmem>>
    %dma_wait3A_375 = tpu.memref_squeeze %dma_wait3A_374 : memref<1x80x128xf32, #tpu.memory_space<vmem>> -> memref<80x128xf32, #tpu.memory_space<vmem>>
    %dma_wait3A_376 = arith.constant 0 : i32
    %dma_wait3A_377 = tpu.memref_slice %arg5[%dma_wait3A_369, %dma_wait3A_370, %dma_wait3A_371, %dma_wait3A_376] : memref<2x4x2x80xi32, #tpu.memory_space<vmem>> -> memref<1x1x1x80xi32, #tpu.memory_space<vmem>>
    %dma_wait3A_378 = tpu.memref_squeeze %dma_wait3A_377 : memref<1x1x1x80xi32, #tpu.memory_space<vmem>> -> memref<80xi32, #tpu.memory_space<vmem>>
    %dma_wait3A_379 = arith.constant 0 : i32
    %dma_wait3A_380 = arith.constant 0 : i32
    %dma_wait3A_381 = tpu.memref_slice %arg7[%dma_wait3A_379, %dma_wait3A_380] : memref<10000x128xf32, #tpu.memory_space<vmem_shared>> -> memref<10000x128xf32, #tpu.memory_space<vmem_shared>>
    tpu.wait_indirect_dma semaphore(%arg9 : memref<!tpu.dma_semaphore, #tpu.memory_space<semaphore_mem>>) src(%dma_wait3A_375 : memref<80x128xf32, #tpu.memory_space<vmem>>) dst(%dma_wait3A_381 : memref<10000x128xf32, #tpu.memory_space<vmem_shared>>)
    %barrier3A_382 = arith.constant 0 : index
    tpu.barrier barrier_id(%barrier3A_382)
    %lt3A_383 = arith.constant 15 : i32
    %lt3A_384 = arith.cmpi slt, %arg1, %lt3A_383 : i32
    %convert_element_type3A_385 = arith.extui %lt3A_384 : i1 to i32
    %cond3A_386 = arith.constant 0 : i32
    %cond3A_387 = arith.cmpi ne, %convert_element_type3A_385, %cond3A_386 : i32
    scf.if %cond3A_387 {
      %mul3A_393 = arith.constant 632 : i32
      %mul3A_394 = arith.muli %arg1, %mul3A_393 : i32
      %mul3A_395 = arith.constant 632 : i32
      %mul3A_396 = arith.muli %arg1, %mul3A_395 : i32
      "tpu.region"() ({
        %run_scoped3A = tpu.sem_alloc : memref<!tpu.dma_semaphore, #tpu.memory_space<semaphore_mem>>
        %dma_start3A_397 = arith.constant 0 : i32
        %dma_start3A_398 = tpu.memref_slice %arg4[%arg0, %mul3A_396, %dma_start3A_397] : memref<2x10000x128xf32, #tpu.memory_space<hbm>> -> memref<1x632x128xf32, #tpu.memory_space<hbm>>
        %dma_start3A_399 = tpu.memref_squeeze %dma_start3A_398 : memref<1x632x128xf32, #tpu.memory_space<hbm>> -> memref<632x128xf32, #tpu.memory_space<hbm>>
        %dma_start3A_400 = arith.constant 0 : i32
        %dma_start3A_401 = tpu.memref_slice %arg7[%mul3A_394, %dma_start3A_400] : memref<10000x128xf32, #tpu.memory_space<vmem_shared>> -> memref<632x128xf32, #tpu.memory_space<vmem_shared>>
        tpu.enqueue_dma source(%dma_start3A_401 : memref<632x128xf32, #tpu.memory_space<vmem_shared>>) target(%dma_start3A_399 : memref<632x128xf32, #tpu.memory_space<hbm>>) target_semaphore(%run_scoped3A : memref<!tpu.dma_semaphore, #tpu.memory_space<semaphore_mem>>)
        %dma_wait3A_402 = arith.constant 0 : i32
        %dma_wait3A_403 = tpu.memref_slice %arg4[%arg0, %mul3A_396, %dma_wait3A_402] : memref<2x10000x128xf32, #tpu.memory_space<hbm>> -> memref<1x632x128xf32, #tpu.memory_space<hbm>>
        %dma_wait3A_404 = tpu.memref_squeeze %dma_wait3A_403 : memref<1x632x128xf32, #tpu.memory_space<hbm>> -> memref<632x128xf32, #tpu.memory_space<hbm>>
        %dma_wait3A_405 = arith.constant 0 : i32
        %dma_wait3A_406 = tpu.memref_slice %arg7[%mul3A_394, %dma_wait3A_405] : memref<10000x128xf32, #tpu.memory_space<vmem_shared>> -> memref<632x128xf32, #tpu.memory_space<vmem_shared>>
        tpu.wait_dma2 semaphore(%run_scoped3A : memref<!tpu.dma_semaphore, #tpu.memory_space<semaphore_mem>>) src(%dma_wait3A_406 : memref<632x128xf32, #tpu.memory_space<vmem_shared>>) dst(%dma_wait3A_404 : memref<632x128xf32, #tpu.memory_space<hbm>>)
        tpu.yield
      }) : () -> ()
    } else {
    }
    %eq3A_388 = arith.constant 15 : i32
    %eq3A_389 = arith.cmpi eq, %arg1, %eq3A_388 : i32
    %convert_element_type3A_390 = arith.extui %eq3A_389 : i1 to i32
    %cond3A_391 = arith.constant 0 : i32
    %cond3A_392 = arith.cmpi ne, %convert_element_type3A_390, %cond3A_391 : i32
    scf.if %cond3A_392 {
      "tpu.region"() ({
        %run_scoped3A = tpu.sem_alloc : memref<!tpu.dma_semaphore, #tpu.memory_space<semaphore_mem>>
        %dma_start3A_393 = arith.constant 9480 : i32
        %dma_start3A_394 = arith.constant 0 : i32
        %dma_start3A_395 = tpu.memref_slice %arg4[%arg0, %dma_start3A_393, %dma_start3A_394] : memref<2x10000x128xf32, #tpu.memory_space<hbm>> -> memref<1x520x128xf32, #tpu.memory_space<hbm>>
        %dma_start3A_396 = tpu.memref_squeeze %dma_start3A_395 : memref<1x520x128xf32, #tpu.memory_space<hbm>> -> memref<520x128xf32, #tpu.memory_space<hbm>>
        %dma_start3A_397 = arith.constant 9480 : i32
        %dma_start3A_398 = arith.constant 0 : i32
        %dma_start3A_399 = tpu.memref_slice %arg7[%dma_start3A_397, %dma_start3A_398] : memref<10000x128xf32, #tpu.memory_space<vmem_shared>> -> memref<520x128xf32, #tpu.memory_space<vmem_shared>>
        tpu.enqueue_dma source(%dma_start3A_399 : memref<520x128xf32, #tpu.memory_space<vmem_shared>>) target(%dma_start3A_396 : memref<520x128xf32, #tpu.memory_space<hbm>>) target_semaphore(%run_scoped3A : memref<!tpu.dma_semaphore, #tpu.memory_space<semaphore_mem>>)
        %dma_wait3A_400 = arith.constant 9480 : i32
        %dma_wait3A_401 = arith.constant 0 : i32
        %dma_wait3A_402 = tpu.memref_slice %arg4[%arg0, %dma_wait3A_400, %dma_wait3A_401] : memref<2x10000x128xf32, #tpu.memory_space<hbm>> -> memref<1x520x128xf32, #tpu.memory_space<hbm>>
        %dma_wait3A_403 = tpu.memref_squeeze %dma_wait3A_402 : memref<1x520x128xf32, #tpu.memory_space<hbm>> -> memref<520x128xf32, #tpu.memory_space<hbm>>
        %dma_wait3A_404 = arith.constant 9480 : i32
        %dma_wait3A_405 = arith.constant 0 : i32
        %dma_wait3A_406 = tpu.memref_slice %arg7[%dma_wait3A_404, %dma_wait3A_405] : memref<10000x128xf32, #tpu.memory_space<vmem_shared>> -> memref<520x128xf32, #tpu.memory_space<vmem_shared>>
        tpu.wait_dma2 semaphore(%run_scoped3A : memref<!tpu.dma_semaphore, #tpu.memory_space<semaphore_mem>>) src(%dma_wait3A_406 : memref<520x128xf32, #tpu.memory_space<vmem_shared>>) dst(%dma_wait3A_403 : memref<520x128xf32, #tpu.memory_space<hbm>>)
        tpu.yield
      }) : () -> ()
    } else {
    }
    return
  }
}

module attributes {stable_mosaic.version = 14 : i64} {
  func.func @k(%arg0: memref<32x10000xf32, #tpu.memory_space<vmem>>, %arg1: memref<10000x128xf32, #tpu.memory_space<vmem>>, %arg2: memref<10000x128xf32, #tpu.memory_space<vmem>>, %arg3: memref<10000x1xf32, #tpu.memory_space<vmem>>) attributes {dimension_semantics = [], scalar_prefetch = 0 : i64, scratch_operands = 0 : i64, tpu.core_type = #tpu.core_type<tc>} {
    %broadcast_in_dim3A = arith.constant 1.000000e+00 : f32
    %broadcast_in_dim3A_0 = vector.broadcast %broadcast_in_dim3A : f32 to vector<32x1xf32>
    %get3A = arith.constant 0 : index
    %get3A_1 = arith.constant 0 : index
    %get3A_2 = vector.load %arg0[%get3A, %get3A_1] : memref<32x10000xf32, #tpu.memory_space<vmem>>, vector<32x10000xf32>
    %dot_general3A = arith.constant dense<0.000000e+00> : vector<10000x1xf32>
    %dot_general3A_3 = tpu.matmul %get3A_2, %broadcast_in_dim3A_0, %dot_general3A {dimension_numbers = #tpu.dot_dimension_numbers<[0], [0], [1], [1], [0, 1, 1, 1], [], []>, transpose_lhs_hint = false} : vector<32x10000xf32>, vector<32x1xf32>, vector<10000x1xf32> -> vector<10000x1xf32>
    %add3A = arith.constant 1.000000e+00 : f32
    %add3A_4 = vector.broadcast %add3A : f32 to vector<10000x1xf32>
    %add3A_5 = arith.addf %add3A_4, %dot_general3A_3 : vector<10000x1xf32>
    %rsqrt3A = math.rsqrt %add3A_5 : vector<10000x1xf32>
    %get3A_6 = arith.constant 0 : index
    %get3A_7 = arith.constant 0 : index
    %get3A_8 = vector.load %arg1[%get3A_6, %get3A_7] : memref<10000x128xf32, #tpu.memory_space<vmem>>, vector<10000x128xf32>
    %mul3A = vector.broadcast %rsqrt3A : vector<10000x1xf32> to vector<10000x128xf32>
    %mul3A_9 = arith.mulf %get3A_8, %mul3A : vector<10000x128xf32>
    %swap3A = arith.constant 0 : index
    %swap3A_10 = arith.constant 0 : index
    %swap3A_11 = vector.load %arg2[%swap3A, %swap3A_10] : memref<10000x128xf32, #tpu.memory_space<vmem>>, vector<10000x128xf32>
    tpu.vector_store %arg2[%swap3A, %swap3A_10], %mul3A_9 {strides = array<i32>} : memref<10000x128xf32, #tpu.memory_space<vmem>>, vector<10000x128xf32>,
    %swap3A_12 = arith.constant 0 : index
    %swap3A_13 = arith.constant 0 : index
    %swap3A_14 = vector.load %arg3[%swap3A_12, %swap3A_13] : memref<10000x1xf32, #tpu.memory_space<vmem>>, vector<10000x1xf32>
    tpu.vector_store %arg3[%swap3A_12, %swap3A_13], %rsqrt3A {strides = array<i32>} : memref<10000x1xf32, #tpu.memory_space<vmem>>, vector<10000x1xf32>,
    return
  }
}

module attributes {stable_mosaic.version = 14 : i64} {
  func.func @k(%arg0: i32, %arg1: i32, %arg2: memref<2x5000x128xf32, #tpu.memory_space<vmem>>, %arg3: memref<5000x128xf32, #tpu.memory_space<vmem>>, %arg4: memref<5000x1xf32, #tpu.memory_space<vmem>>, %arg5: memref<128x128xf32, #tpu.memory_space<vmem>>, %arg6: memref<1x128xf32, #tpu.memory_space<vmem>>, %arg7: memref<1x128xf32, #tpu.memory_space<vmem>>, %arg8: memref<1x128xf32, #tpu.memory_space<vmem>>, %arg9: memref<5000x128xf32, #tpu.memory_space<vmem>>, %arg10: memref<10000x128xf32, #tpu.memory_space<vmem>>, %arg11: memref<2x128xf32, #tpu.memory_space<vmem>>) attributes {dimension_semantics = [#tpu.dimension_semantics<arbitrary>, #tpu.dimension_semantics<arbitrary>], iteration_bounds = array<i64: 2, 2>, scalar_prefetch = 0 : i64, scratch_operands = 2 : i64, tpu.core_type = #tpu.core_type<tc>, window_params = [{transform_indices = @transform_0, window_bounds = array<i64: 2, 5000, 128>}, {transform_indices = @transform_1, window_bounds = array<i64: 5000, 128>}, {transform_indices = @transform_2, window_bounds = array<i64: 5000, 1>}, {pipeline_mode = #tpu.pipeline_mode<synchronous>, transform_indices = @transform_3, window_bounds = array<i64: 128, 128>}, {pipeline_mode = #tpu.pipeline_mode<synchronous>, transform_indices = @transform_4, window_bounds = array<i64: 1, 128>}, {pipeline_mode = #tpu.pipeline_mode<synchronous>, transform_indices = @transform_5, window_bounds = array<i64: 1, 128>}, {pipeline_mode = #tpu.pipeline_mode<synchronous>, transform_indices = @transform_6, window_bounds = array<i64: 1, 128>}, {transform_indices = @transform_7, window_bounds = array<i64: 5000, 128>}]} {
    %eq3A = arith.constant 0 : i32
    %eq3A_0 = arith.cmpi eq, %arg0, %eq3A : i32
    %convert_element_type3A = arith.extui %eq3A_0 : i1 to i32
    %cond3A = arith.constant 0 : i32
    %cond3A_1 = arith.cmpi ne, %convert_element_type3A, %cond3A : i32
    scf.if %cond3A_1 {
      %get3A = arith.constant 0 : index
      %get3A_7 = arith.constant 0 : index
      %get3A_8 = vector.load %arg4[%get3A, %get3A_7] : memref<5000x1xf32, #tpu.memory_space<vmem>>, vector<5000x1xf32>
      %get3A_9 = arith.constant 0 : index
      %get3A_10 = arith.constant 0 : index
      %get3A_11 = arith.constant 0 : index
      %get3A_12 = vector.load %arg2[%get3A_9, %get3A_10, %get3A_11] : memref<2x5000x128xf32, #tpu.memory_space<vmem>>, vector<1x5000x128xf32>
      %get3A_13 = vector.shape_cast %get3A_12 : vector<1x5000x128xf32> to vector<5000x128xf32>
      %get3A_14 = arith.constant 1 : index
      %get3A_15 = arith.constant 0 : index
      %get3A_16 = arith.constant 0 : index
      %get3A_17 = vector.load %arg2[%get3A_14, %get3A_15, %get3A_16] : memref<2x5000x128xf32, #tpu.memory_space<vmem>>, vector<1x5000x128xf32>
      %get3A_18 = vector.shape_cast %get3A_17 : vector<1x5000x128xf32> to vector<5000x128xf32>
      %add3A = arith.addf %get3A_13, %get3A_18 : vector<5000x128xf32>
      %mul3A = vector.broadcast %get3A_8 : vector<5000x1xf32> to vector<5000x128xf32>
      %mul3A_19 = arith.mulf %add3A, %mul3A : vector<5000x128xf32>
      %get3A_20 = arith.constant 0 : index
      %get3A_21 = arith.constant 0 : index
      %get3A_22 = vector.load %arg3[%get3A_20, %get3A_21] : memref<5000x128xf32, #tpu.memory_space<vmem>>, vector<5000x128xf32>
      %mul3A_23 = arith.mulf %get3A_8, %get3A_8 : vector<5000x1xf32>
      %mul3A_24 = vector.broadcast %mul3A_23 : vector<5000x1xf32> to vector<5000x128xf32>
      %mul3A_25 = arith.mulf %get3A_22, %mul3A_24 : vector<5000x128xf32>
      %add3A_26 = arith.addf %mul3A_19, %mul3A_25 : vector<5000x128xf32>
      %get3A_27 = arith.constant 0 : index
      %get3A_28 = arith.constant 0 : index
      %get3A_29 = vector.load %arg5[%get3A_27, %get3A_28] : memref<128x128xf32, #tpu.memory_space<vmem>>, vector<128x128xf32>
      %dot_general3A = arith.constant dense<0.000000e+00> : vector<5000x128xf32>
      %dot_general3A_30 = tpu.matmul %add3A_26, %get3A_29, %dot_general3A {dimension_numbers = #tpu.dot_dimension_numbers<[1], [0], [0], [1], [0, 0, 1, 1], [], []>, transpose_lhs_hint = false} : vector<5000x128xf32>, vector<128x128xf32>, vector<5000x128xf32> -> vector<5000x128xf32>
      %get3A_31 = arith.constant 0 : index
      %get3A_32 = arith.constant 0 : index
      %get3A_33 = vector.load %arg6[%get3A_31, %get3A_32] : memref<1x128xf32, #tpu.memory_space<vmem>>, vector<1x128xf32>
      %add3A_34 = vector.broadcast %get3A_33 : vector<1x128xf32> to vector<5000x128xf32>
      %add3A_35 = arith.addf %dot_general3A_30, %add3A_34 : vector<5000x128xf32>
      %mul3A_36 = arith.constant 5000 : i32
      %mul3A_37 = arith.muli %arg1, %mul3A_36 : i32
      %swap3A = arith.index_cast %mul3A_37 : i32 to index
      %swap3A_38 = arith.constant 0 : index
      %swap3A_39 = vector.load %arg10[%swap3A, %swap3A_38] : memref<10000x128xf32, #tpu.memory_space<vmem>>, vector<5000x128xf32>
      tpu.vector_store %arg10[%swap3A, %swap3A_38], %add3A_35 {strides = array<i32>} : memref<10000x128xf32, #tpu.memory_space<vmem>>, vector<5000x128xf32>,
      %eq3A_40 = arith.constant 0 : i32
      %eq3A_41 = arith.cmpi eq, %arg1, %eq3A_40 : i32
      %convert_element_type3A_42 = arith.extui %eq3A_41 : i1 to i32
      %cond3A_43 = arith.constant 0 : i32
      %cond3A_44 = arith.cmpi ne, %convert_element_type3A_42, %cond3A_43 : i32
      scf.if %cond3A_44 {
        %broadcast_in_dim3A_64 = arith.constant 0.000000e+00 : f32
        %broadcast_in_dim3A_65 = vector.broadcast %broadcast_in_dim3A_64 : f32 to vector<2x128xf32>
        %swap3A_66 = arith.constant 0 : index
        %swap3A_67 = arith.constant 0 : index
        %swap3A_68 = vector.load %arg11[%swap3A_66, %swap3A_67] : memref<2x128xf32, #tpu.memory_space<vmem>>, vector<2x128xf32>
        tpu.vector_store %arg11[%swap3A_66, %swap3A_67], %broadcast_in_dim3A_65 {strides = array<i32>} : memref<2x128xf32, #tpu.memory_space<vmem>>, vector<2x128xf32>,
      } else {
      }
      %get3A_45 = arith.constant 0 : index
      %get3A_46 = arith.constant 0 : index
      %get3A_47 = vector.load %arg11[%get3A_45, %get3A_46] : memref<2x128xf32, #tpu.memory_space<vmem>>, vector<1x128xf32>
      %reduce_sum3A = arith.constant dense<0.000000e+00> : vector<128xf32>
      %reduce_sum3A_48 = vector.multi_reduction <add>, %add3A_35, %reduce_sum3A [0] : vector<5000x128xf32> to vector<128xf32>
      %broadcast_in_dim3A = vector.shape_cast %reduce_sum3A_48 : vector<128xf32> to vector<1x128xf32>
      %add3A_49 = arith.addf %get3A_47, %broadcast_in_dim3A : vector<1x128xf32>
      %swap3A_50 = arith.constant 0 : index
      %swap3A_51 = arith.constant 0 : index
      %swap3A_52 = vector.load %arg11[%swap3A_50, %swap3A_51] : memref<2x128xf32, #tpu.memory_space<vmem>>, vector<1x128xf32>
      tpu.vector_store %arg11[%swap3A_50, %swap3A_51], %add3A_49 {strides = array<i32>} : memref<2x128xf32, #tpu.memory_space<vmem>>, vector<1x128xf32>,
      %get3A_53 = arith.constant 1 : index
      %get3A_54 = arith.constant 0 : index
      %get3A_55 = vector.load %arg11[%get3A_53, %get3A_54] : memref<2x128xf32, #tpu.memory_space<vmem>>, vector<1x128xf32>
      %mul3A_56 = arith.mulf %add3A_35, %add3A_35 : vector<5000x128xf32>
      %reduce_sum3A_57 = arith.constant dense<0.000000e+00> : vector<128xf32>
      %reduce_sum3A_58 = vector.multi_reduction <add>, %mul3A_56, %reduce_sum3A_57 [0] : vector<5000x128xf32> to vector<128xf32>
      %broadcast_in_dim3A_59 = vector.shape_cast %reduce_sum3A_58 : vector<128xf32> to vector<1x128xf32>
      %add3A_60 = arith.addf %get3A_55, %broadcast_in_dim3A_59 : vector<1x128xf32>
      %swap3A_61 = arith.constant 1 : index
      %swap3A_62 = arith.constant 0 : index
      %swap3A_63 = vector.load %arg11[%swap3A_61, %swap3A_62] : memref<2x128xf32, #tpu.memory_space<vmem>>, vector<1x128xf32>
      tpu.vector_store %arg11[%swap3A_61, %swap3A_62], %add3A_60 {strides = array<i32>} : memref<2x128xf32, #tpu.memory_space<vmem>>, vector<1x128xf32>,
    } else {
    }
    %eq3A_2 = arith.constant 1 : i32
    %eq3A_3 = arith.cmpi eq, %arg0, %eq3A_2 : i32
    %convert_element_type3A_4 = arith.extui %eq3A_3 : i1 to i32
    %cond3A_5 = arith.constant 0 : i32
    %cond3A_6 = arith.cmpi ne, %convert_element_type3A_4, %cond3A_5 : i32
    scf.if %cond3A_6 {
      %get3A = arith.constant 0 : index
      %get3A_7 = arith.constant 0 : index
      %get3A_8 = vector.load %arg11[%get3A, %get3A_7] : memref<2x128xf32, #tpu.memory_space<vmem>>, vector<1x128xf32>
      %mul3A = arith.constant 9.99999974E-5 : f32
      %mul3A_9 = vector.broadcast %mul3A : f32 to vector<1x128xf32>
      %mul3A_10 = arith.mulf %get3A_8, %mul3A_9 : vector<1x128xf32>
      %get3A_11 = arith.constant 1 : index
      %get3A_12 = arith.constant 0 : index
      %get3A_13 = vector.load %arg11[%get3A_11, %get3A_12] : memref<2x128xf32, #tpu.memory_space<vmem>>, vector<1x128xf32>
      %mul3A_14 = arith.constant 9.99999974E-5 : f32
      %mul3A_15 = vector.broadcast %mul3A_14 : f32 to vector<1x128xf32>
      %mul3A_16 = arith.mulf %get3A_13, %mul3A_15 : vector<1x128xf32>
      %mul3A_17 = arith.mulf %mul3A_10, %mul3A_10 : vector<1x128xf32>
      %sub3A = arith.subf %mul3A_16, %mul3A_17 : vector<1x128xf32>
      %add3A = arith.constant 9.99999974E-6 : f32
      %add3A_18 = vector.broadcast %add3A : f32 to vector<1x128xf32>
      %add3A_19 = arith.addf %sub3A, %add3A_18 : vector<1x128xf32>
      %rsqrt3A = math.rsqrt %add3A_19 : vector<1x128xf32>
      %get3A_20 = arith.constant 0 : index
      %get3A_21 = arith.constant 0 : index
      %get3A_22 = vector.load %arg7[%get3A_20, %get3A_21] : memref<1x128xf32, #tpu.memory_space<vmem>>, vector<1x128xf32>
      %mul3A_23 = arith.mulf %rsqrt3A, %get3A_22 : vector<1x128xf32>
      %mul3A_24 = arith.constant 5000 : i32
      %mul3A_25 = arith.muli %arg1, %mul3A_24 : i32
      %get3A_26 = arith.index_cast %mul3A_25 : i32 to index
      %get3A_27 = arith.constant 0 : index
      %get3A_28 = vector.load %arg10[%get3A_26, %get3A_27] : memref<10000x128xf32, #tpu.memory_space<vmem>>, vector<5000x128xf32>
      %sub3A_29 = vector.broadcast %mul3A_10 : vector<1x128xf32> to vector<5000x128xf32>
      %sub3A_30 = arith.subf %get3A_28, %sub3A_29 : vector<5000x128xf32>
      %mul3A_31 = vector.broadcast %mul3A_23 : vector<1x128xf32> to vector<5000x128xf32>
      %mul3A_32 = arith.mulf %sub3A_30, %mul3A_31 : vector<5000x128xf32>
      %get3A_33 = arith.constant 0 : index
      %get3A_34 = arith.constant 0 : index
      %get3A_35 = vector.load %arg8[%get3A_33, %get3A_34] : memref<1x128xf32, #tpu.memory_space<vmem>>, vector<1x128xf32>
      %add3A_36 = vector.broadcast %get3A_35 : vector<1x128xf32> to vector<5000x128xf32>
      %add3A_37 = arith.addf %mul3A_32, %add3A_36 : vector<5000x128xf32>
      %max3A = arith.constant 0.000000e+00 : f32
      %max3A_38 = vector.broadcast %max3A : f32 to vector<5000x128xf32>
      %max3A_39 = arith.maximumf %add3A_37, %max3A_38 : vector<5000x128xf32>
      %swap3A = arith.constant 0 : index
      %swap3A_40 = arith.constant 0 : index
      %swap3A_41 = vector.load %arg9[%swap3A, %swap3A_40] : memref<5000x128xf32, #tpu.memory_space<vmem>>, vector<5000x128xf32>
      tpu.vector_store %arg9[%swap3A, %swap3A_40], %max3A_39 {strides = array<i32>} : memref<5000x128xf32, #tpu.memory_space<vmem>>, vector<5000x128xf32>,
    } else {
    }
    return
  }
  func.func @transform_0(%arg0: i32, %arg1: i32) -> (i32, i32, i32) {
    %sub3A = arith.constant 1 : i32
    %sub3A_0 = arith.subi %sub3A, %arg0 : i32
    %mul3A = arith.muli %arg1, %sub3A_0 : i32
    %c0_i32 = arith.constant 0 : i32
    %c0_i32_1 = arith.constant 0 : i32
    %c0_i32_2 = arith.constant 0 : i32
    return %c0_i32, %mul3A, %c0_i32_1 : i32, i32, i32
  }
  func.func @transform_1(%arg0: i32, %arg1: i32) -> (i32, i32) {
    %sub3A = arith.constant 1 : i32
    %sub3A_0 = arith.subi %sub3A, %arg0 : i32
    %mul3A = arith.muli %arg1, %sub3A_0 : i32
    %c0_i32 = arith.constant 0 : i32
    %c0_i32_1 = arith.constant 0 : i32
    return %mul3A, %c0_i32 : i32, i32
  }
  func.func @transform_2(%arg0: i32, %arg1: i32) -> (i32, i32) {
    %sub3A = arith.constant 1 : i32
    %sub3A_0 = arith.subi %sub3A, %arg0 : i32
    %mul3A = arith.muli %arg1, %sub3A_0 : i32
    %c0_i32 = arith.constant 0 : i32
    %c0_i32_1 = arith.constant 0 : i32
    return %mul3A, %c0_i32 : i32, i32
  }
  func.func @transform_3(%arg0: i32, %arg1: i32) -> (i32, i32) {
    %c0_i32 = arith.constant 0 : i32
    %c0_i32_0 = arith.constant 0 : i32
    %c0_i32_1 = arith.constant 0 : i32
    return %c0_i32, %c0_i32_0 : i32, i32
  }
  func.func @transform_4(%arg0: i32, %arg1: i32) -> (i32, i32) {
    %c0_i32 = arith.constant 0 : i32
    %c0_i32_0 = arith.constant 0 : i32
    %c0_i32_1 = arith.constant 0 : i32
    return %c0_i32, %c0_i32_0 : i32, i32
  }
  func.func @transform_5(%arg0: i32, %arg1: i32) -> (i32, i32) {
    %c0_i32 = arith.constant 0 : i32
    %c0_i32_0 = arith.constant 0 : i32
    %c0_i32_1 = arith.constant 0 : i32
    return %c0_i32, %c0_i32_0 : i32, i32
  }
  func.func @transform_6(%arg0: i32, %arg1: i32) -> (i32, i32) {
    %c0_i32 = arith.constant 0 : i32
    %c0_i32_0 = arith.constant 0 : i32
    %c0_i32_1 = arith.constant 0 : i32
    return %c0_i32, %c0_i32_0 : i32, i32
  }
  func.func @transform_7(%arg0: i32, %arg1: i32) -> (i32, i32) {
    %mul3A = arith.muli %arg1, %arg0 : i32
    %c0_i32 = arith.constant 0 : i32
    %c0_i32_0 = arith.constant 0 : i32
    return %mul3A, %c0_i32 : i32, i32
  }
}

</mosaic_0001>

<sc_bundles>
// kernel: kernel.6.cloned.1.call-start
scs
__scs_entry_jumppad:
0x0: {  	(pc) =	sbr.rel $0x88, $3  }
0x1: {  	(tag) =	ssettag $0x0;
	lr =	simm.s32 $0x1  }
0x2: {  	[smem:$0x3F9B] =	sst lr;
	_ =	strace $0xD0000000  }
0x3: {  	_ = 	snop  }
0x4: {  	_ = 	snop  }
0x5: {  	_ = 	snop  }
0x6: {  	_ = 	snop  }
0x7: {  	_ = 	snop  }
__scs_overlays_trampoline_lowered:
0x8: {  	[smem:$0x3FAA] =	sst s0  }
0x9: {  	[smem:$0x3FAB] =	sst s1  }
0xa: {  	[smem:$0x3FAC] =	sst s2  }
0xb: {  	[smem:$0x3FAD] =	sst s3  }
0xc: {  	[smem:$0x3FAE] =	sst s4  }
0xd: {  	[smem:$0x3FAF] =	sst s5  }
0xe: {  	[smem:$0x3FB0] =	sst s6  }
0xf: {  	[smem:$0x3FB1] =	sst s7  }
0x10: {  	[smem:$0x3FB2] =	sst s8  }
0x11: {  	[smem:$0x3FB3] =	sst s9;
	s0 =	simm.s32 @!p0 $0x0  }
0x12: {  	s1 =	sld [smem:$0x3F99];
	s0 =	simm.s32 @p0 $0x1  }
0x13: {  	[smem:$0x3FB4] =	sst s0;
	s0 =	simm.s32 @!p1 $0x0  }
0x14: {  	s2 =	sld [smem:$0x3F98];
	s0 =	simm.s32 @p1 $0x1  }
0x15: {  	[smem:$0x3FB5] =	sst s0;
	s0 =	simm.s32 @!p2 $0x0  }
0x16: {  	s3 =	sld [smem:$0x3FDB];
	s0 =	simm.s32 @p2 $0x1  }
0x17: {  	s4 =	simm.s32 $0x1BF5;
	[smem:$0x3FB7] =	sst s0  }
0x18: {  	s0 =	sld [smem:$0x3F9A];
	_ =	swait.ge [sflag:s4], $0x0  }
0x19: {  	s7 =	sld [smem:$0x3F9B]  }
0x1a: {  	s8 =	sadd.s32 $0xFFFFE003, lr  }
0x1b: {  	s9 =	sadd.s32 $0xFFFFFEF7, lr;
	s5 =	simm.s32 $0xFFFFFFFF;
	p2 =	slt.u32 s8, $0xFFFFF086  }
0x1c: {  	p1 =	slt.u32 s9, $0xF7A;
	s5 =	simm.s32 @!p2 $0x0  }
0x1d: {  	s5 =	simm.s32 @p1 $0x1;
	p0 =	seq.s32 s7, s2  }
0x1e: {  	s7 =	smul.u32 @!p0 $0xF7A, s2;
	p2 =	seq.s32 @!p0 s5, $0x0  }
0x1f: {  	s9 =	smul.u32 $0xF7A, s1;
	s8 =	simm.s32 @!p0 $0x1BF5;
	p2 =	por !p2, p0  }
0x20: {  	[sflag:s8] =	ssyncset.s32 @!p0 $0xFFFFF086;
	s6 =	sadd.s32 @!p0 s3, s7;
	s7 =	simm.s32 @!p0 $0x108  }
0x21: {  	s3 =	sadd.s32 s3, s9;
	s6 =	sadd.s32 @!p0 $0x88, s6;
	s7 =	simm.s32 @p2 $0x1082  }
0x22: {  	[simem:s7], [sflag:s8] =	dma.local @!p0 [hbm:s6], $0xF7A  }
0x23: {  	s9 =	sor.u32 $0xD0000000, s2;
	s6 =	simm.s32 $0x108;
	_ =	swait.ge @!p0 [sflag:s8], $0x0  }
0x24: {  	s3 =	sadd.s32 $0x88, s3;
	s6 =	simm.s32 @!p1 $0x1082;
	[sflag:s4] =	ssyncset.s32 $0xFFFFF086  }
0x25: {  	[simem:s6], [sflag:s4] =	dma.local [hbm:s3], $0xF7A  }
0x26: {  	[smem:$0x3F9B] =	sst s1;
	(tag) =	ssettag s2;
	_ =	strace s9  }
0x27: {  	s1 =	sld [smem:$0x3FAB]  }
0x28: {  	s2 =	sld [smem:$0x3FAC]  }
0x29: {  	s4 =	sld [smem:$0x3FAE]  }
0x2a: {  	p0 =	seq.s32 s5, $0x0;
	s5 =	sld [smem:$0x3FAF]  }
0x2b: {  	s6 =	sld [smem:$0x3FB0]  }
0x2c: {  	s7 =	sld [smem:$0x3FB1]  }
0x2d: {  	s3 =	simm.s32 $0x108;
	s8 =	sld [smem:$0x3FB2]  }
0x2e: {  	s3 =	simm.s32 @!p0 $0x1082;
	s9 =	sld [smem:$0x3FB3]  }
0x2f: {  	lr =	sadd.s32 s0, s3;
	s0 =	sld [smem:$0x3FAA]  }
0x30: {  	s3 =	sld [smem:$0x3FAD]  }
0x31: {  	[smem:$0x3FB6] =	sst s10  }
0x32: {  	s10 =	sld [smem:$0x3FB4];
	_ =	sdelay $0x3  }
0x33: {  	p0 =	seq.s32 s10, $0x1;
	s10 =	sld [smem:$0x3FB6];
	_ =	sdelay $0x3  }
0x34: {  	[smem:$0x3FB6] =	sst s10  }
0x35: {  	s10 =	sld [smem:$0x3FB5];
	_ =	sdelay $0x3  }
0x36: {  	p1 =	seq.s32 s10, $0x1;
	s10 =	sld [smem:$0x3FB6];
	_ =	sdelay $0x3  }
0x37: {  	[smem:$0x3FB6] =	sst s10  }
0x38: {  	s10 =	sld [smem:$0x3FB7]  }
0x39: {  	_ = 	snop;
	(pc) =	sbr.ind lr, $3  }
0x3a: {  	_ = 	snop  }
0x3b: {  	_ = 	snop  }
0x3c: {  	p2 =	seq.s32 s10, $0x1;
	s10 =	sld [smem:$0x3FB6]  }
0x3d: {  	_ =	shalt  }
0x3e: {  	_ =	shalt  }
0x3f: {  	_ =	shalt  }
0x40: {  	_ =	shalt  }
0x41: {  	_ =	shalt  }
0x42: {  	_ =	shalt  }
0x43: {  	_ =	shalt  }
0x44: {  	_ =	shalt  }
0x45: {  	_ =	shalt  }
0x46: {  	_ =	shalt  }
0x47: {  	_ =	shalt  }
0x48: {  	_ =	shalt  }
0x49: {  	_ =	shalt  }
0x4a: {  	_ =	shalt  }
0x4b: {  	_ =	shalt  }
0x4c: {  	_ =	shalt  }
0x4d: {  	_ =	shalt  }
0x4e: {  	_ =	shalt  }
0x4f: {  	_ =	shalt  }
0x50: {  	_ =	shalt  }
0x51: {  	_ =	shalt  }
0x52: {  	_ =	shalt  }
0x53: {  	_ =	shalt  }
0x54: {  	_ =	shalt  }
0x55: {  	_ =	shalt  }
0x56: {  	_ =	shalt  }
0x57: {  	_ =	shalt  }
0x58: {  	_ =	shalt  }
0x59: {  	_ =	shalt  }
0x5a: {  	_ =	shalt  }
0x5b: {  	_ =	shalt  }
0x5c: {  	_ =	shalt  }
0x5d: {  	_ =	shalt  }
0x5e: {  	_ =	shalt  }
0x5f: {  	_ =	shalt  }
0x60: {  	_ =	shalt  }
0x61: {  	_ =	shalt  }
0x62: {  	_ =	shalt  }
0x63: {  	_ =	shalt  }
0x64: {  	_ =	shalt  }
0x65: {  	_ =	shalt  }
0x66: {  	_ =	shalt  }
0x67: {  	_ =	shalt  }
0x68: {  	_ =	shalt  }
0x69: {  	_ =	shalt  }
0x6a: {  	_ =	shalt  }
0x6b: {  	_ =	shalt  }
0x6c: {  	_ =	shalt  }
0x6d: {  	_ =	shalt  }
0x6e: {  	_ =	shalt  }
0x6f: {  	_ =	shalt  }
0x70: {  	_ =	shalt  }
0x71: {  	_ =	shalt  }
0x72: {  	_ =	shalt  }
0x73: {  	_ =	shalt  }
0x74: {  	_ =	shalt  }
0x75: {  	_ =	shalt  }
0x76: {  	_ =	shalt  }
0x77: {  	_ =	shalt  }
0x78: {  	_ =	shalt  }
0x79: {  	_ =	shalt  }
0x7a: {  	_ =	shalt  }
0x7b: {  	_ =	shalt  }
0x7c: {  	_ =	shalt  }
0x7d: {  	_ =	shalt  }
0x7e: {  	_ =	shalt  }
0x7f: {  	_ =	shalt  }
0x80: {  	_ =	shalt  }
0x81: {  	_ =	shalt  }
0x82: {  	_ =	shalt  }
0x83: {  	_ =	shalt  }
0x84: {  	_ =	shalt  }
0x85: {  	_ =	shalt  }
0x86: {  	_ =	shalt  }
0x87: {  	_ =	shalt  }
.Lfunc_end0:
.L_simem_size_0:
called_computation_lowered:
.L_overlay_start_0:
0x88: {  	s2 =	sld [smem:$0x3FD9]  }
0x89: {  	s3 =	sld [smem:$0x3FFE];
	_ =	sdelay $0x1  }
0x8a: {  	s1 =	srdreg.scid  }
0x8b: {  	s0 =	sand.u32 $0x1, s1  }
0x8c: {  	s17 =	sshll.u32 s0, $0xA;
	s2 =	sadd.s32 s3, s2  }
0x8d: {  	s2 =	sadd.s32 s2, s17  }
0x8e: {  	[smem:$0x3FC2] =	sst s2  }
0x8f: {  	_ = 	snop  }
0x90: {  	s2 =	sld [smem:$0x3FD0];
	(tm) =	ssettm $0x1  }
0x91: {  	s18 =	sld [smem:$0x3FFB];
	_ =	sdelay $0x3  }
0x92: {  	_ =	strace s18  }
0x93: {  	s3 =	sld [smem:$0x3FFC];
	_ =	sdelay $0x3  }
0x94: {  	_ =	strace s3  }
0x95: {  	s3 =	sld [smem:$0x3FFD];
	_ =	sdelay $0x3  }
0x96: {  	_ =	strace s3  }
0x97: {  	_ =	strace $0x8FFFFFFF  }
0x98: {  	s19 =	sld [smem:$0x3FDB];
	_ =	sdelay $0x1  }
0x99: {  	s4 =	simm.s32 $_scs_section_size  }
0x9a: {  	s5 =	simm.s32 $_size__tile_overlayer_lowered;
	s6 =	simm.s32 $_tile_overlayer_lowered  }
0x9b: {  	s22 =	simm.s32 $0x1BFF;
	s21 =	sshll.u32 s6, $0x1;
	s3 =	sadd.s32 s4, s19  }
0x9c: {  	s7 =	simm.s32 $0x0;
	s20 =	sshll.u32 s5, $0x1;
	s5 =	sadd.s32 s21, s3  }
0x9d: {  	[timem:s7], [sflag:s22] =	dma.local [hbm:s5], s20  }
0x9e: {  	_ =	swait.ge [sflag:s22], s20  }
0x9f: {  	s4 =	ssub.s32 $0x0, s20;
	[sflag:s22] =	ssyncset.done $0x0  }
0xa0: {  	[sflag:s22] =	ssyncadd.s32 s4;
	_ =	sdelay $0x1  }
0xa1: {  	s23 =	simm.s32 $0x1B8B  }
0xa2: {  	_ =	swait.ge [sflag:s23], $0x1  }
0xa3: {  	[sflag:s23] =	ssyncset.done $0x0  }
0xa4: {  	s25 =	simm.s32 $0x1B8E;
	s24 =	sld [smem:$0x3FFE];
	[sflag:s23] =	ssyncadd.s32 $0xFFFFFFFF  }
0xa5: {  	s26 =	simm.s32 $execute0_lowered;
	[smem:$0x3FD2] =	sst s25  }
0xa6: {  	s5 =	sshll.u32 s26, $0x1;
	_ =	strace $0x80000046;
	[dreg:$0x1] =	wrdreg $0xFFFFFFFF  }
0xa7: {  	s28 =	simm.s32 $_size_execute0_lowered;
	s3 =	sadd.s32 s3, s5;
	[dreg:$0x0] =	wrdreg $0x0  }
0xa8: {  	s5 =	sshll.u32 s28, $0x1;
	[dreg:$0x2] =	wrdreg s3  }
0xa9: {  	[dreg:$0x3] =	wrdreg s5  }
0xaa: {  	[dreg:$0x4] =	wrdreg $0xC0  }
0xab: {  	_ =	task [dreg:s7], $0x5FFFF  }
0xac: {  	[dreg:$0x1] =	wrdreg $0xFFFFFFFF  }
0xad: {  	[dreg:$0x0] =	wrdreg $0x60  }
0xae: {  	[dreg:$0x2] =	wrdreg s2  }
0xaf: {  	[dreg:$0x3] =	wrdreg s24  }
0xb0: {  	[dreg:$0x4] =	wrdreg $0x9  }
0xb1: {  	_ =	task.clear_ibuf [dreg:s7], $0x5FFFF;
	_ =	strace $0x90000046  }
0xb2: {  	s29 =	simm.s32 $0x9;
	_ =	strace $0x80000048  }
0xb3: {  	_ =	swait.ge [sflag:s29], $0x1  }
0xb4: {  	[sflag:s29] =	ssyncadd.s32 $0xFFFFFFFF  }
0xb5: {  	_ =	strace $0x90000048  }
0xb6: {  	_ =	sfence  }
0xb7: {  	s30 =	sld [smem:$0x0];
	_ =	sdelay $0x2  }
0xb8: {  	s31 =	sshll.u32 s1, $0xD;
	s1 =	sshrl.u32 s1, $0x2  }
0xb9: {  	s3 =	sand.u32 $0x4000, s31;
	s1 =	sadd.s32 s1, s30  }
0xba: {  	s0 =	sor.u32 s3, s0;
	s1 =	sshll.u32 s1, $0x11  }
0xbb: {  	s0 =	sor.u32 s1, s0  }
0xbc: {  	s0 =	sadd.s32 $0x8F2B, s0  }
0xbd: {  	[sflag:s0] =	ssyncadd.remote.s32 $0x1  }
0xbe: {  	_ =	sfence.sel $0xFFFF  }
0xbf: {  	[dreg:$0x0] =	wrdreg $0xFFFFFFFF;
	(pc) =	sbr.abs _section_cstart, $3  }
0xc0: {  	[dreg:$0x1] =	wrdreg $0xFFFFFFFF  }
0xc1: {  	_ =	task.clear_ibuf [dreg:s7], $0x2FFFF;
	_ =	strace $0x9FFFFFFF  }
0xc2: {  	(tm) =	ssettm $0x7FFFFFFF  }
0xc3: {  	_ =	shalt  }
tec
execute0_lowered:
.L_overlay_start_1:
0x0: {  	(tag) =	ssettag $0x1  }
0x1: {  	s3 =	rddreg [dreg:$0x0];
	s1 =	srdreg.scid  }
0x2: {  	s0 =	stileid.u32;
	s4 =	rddreg [dreg:$0x1]  }
0x3: {  	s8 =	simm.s32 $0x0;
	s5 =	sand.u32 $0x1, s1;
	s2 =	sshll.u32 s0, $0x1  }
0x4: {  	s6 =	sor.u32 s5, s2;
	s2 =	simm.s32 $0x0;
	s5 =	ssub.s32 $0x2, s5  }
0x5: {  	s6 =	smul.u32 $0x4E2, s6;
	[smem:$0x7FF] =	sst s2;
	s7 =	sshrl.u32 s5, $0x1  }
0x6: {  	s1 =	rddreg [dreg:$0x2];
	_ =	strace $0x80000047;
	s5 =	ssub.s32 s5, s7  }
0x7: {  	s7 =	simm.s32 $0x2780;
	s4 =	sadd.s32 s6, s4;
	s3 =	sadd.s32 s3, s6  }
0x8: {  	v0 =	vimm.f32 $0.0e+00;
	v1 =	vimm.f32 $1.000000000e+00;
	s5 =	smax.u32 s5, $0x1;
	s6 =	simm.s32 $0x1;
	s4 =	sadd.s32 $0x1800, s4  }
.LBB2_1:
0x9: {  	[tilespmem:s2], [sflag:$0x1] =	stream.linear.gather [hbm4b:s3+s2], $0x2710, $0x38;
	[tilespmem:$0x4F00] =	vst v63  }
0xa: {  	_ =	swait.ge [sflag:s6], $0x2710  }
0xb: {  	[sflag:s6] =	ssyncset.done $0x0  }
0xc: {  	s9 =	simm.s32 $0x27A0;
	[sflag:s6] =	ssyncadd.s32 $0xFFFFD8F0  }
0xd: {  	[tilespmem:s9+$0xFFFFFFE0] =	vst v0  }
0xe: {  	[tilespmem:s9+$0x10] =	vst v0  }
0xf: {  	s10 =	simm.s32 $0x0;
	[tilespmem:s9+$0x0] =	vst v0  }
.LBB2_2:
0x10: {  	s10 =	sadd.s32 $0x4, s10  }
0x11: {  	[tilespmem:s9+$0xFFFFFFF0] =	vst v0;
	s9 =	sadd.s32 $0x40, s9;
	p0 =	slt.u32 s10, $0x26C  }
.Ltmp0:
0x12: {  	[tilespmem:s9+$0xFFFFFFE0] =	vst v0;
	(pc) =	sbr.rel @p0 .LBB2_2-.Ltmp0, $3  }
0x13: {  	_ =	sdelay $0x1  }
0x14: {  	[tilespmem:s9+$0x10] =	vst v0  }
0x15: {  	[tilespmem:s9+$0x0] =	vst v0  }
0x16: {  	[tilespmem:s9+$0xFFFFFFF0] =	vst v0  }
0x17: {  	s9 =	simm.s32 $0xFFFFFFFC;
	s10 =	simm.s32 $0x20;
	[tilespmem:$0x4E80] =	vst v0  }
.LBB2_4:
0x18: {  	v2 =	vld [tilespmem:s10+$0xFFFFFFE0];
	_ =	sdelay $0x7  }
0x19: {  	[tilespmem:v2+s7+$0x0] =	vst.idx.add.f32.msk $0xffff, v1  }
0x1a: {  	v2 =	vld [tilespmem:s10+$0xFFFFFFF0];
	_ =	sdelay $0x7  }
0x1b: {  	[tilespmem:v2+s7+$0x0] =	vst.idx.add.f32.msk $0xffff, v1  }
0x1c: {  	v2 =	vld [tilespmem:s10+$0x0];
	_ =	sdelay $0x7  }
0x1d: {  	[tilespmem:v2+s7+$0x0] =	vst.idx.add.f32.msk $0xffff, v1  }
0x1e: {  	v2 =	vld [tilespmem:s10+$0x10];
	_ =	sdelay $0x1  }
0x1f: {  	s9 =	sadd.s32 $0x4, s9  }
0x20: {  	p0 =	slt.u32 s9, $0x26C  }
.Ltmp1:
0x21: {  	_ = 	snop;
	(pc) =	sbr.rel @p0 .LBB2_4-.Ltmp1, $2  }
0x22: {  	_ =	sdelay $0x2  }
0x23: {  	s10 =	sadd.s32 $0x40, s10;
	[tilespmem:v2+s7+$0x0] =	vst.idx.add.f32.msk $0xffff, v1  }
0x24: {  	v2 =	vld [tilespmem:$0x2700];
	_ =	sdelay $0x5  }
0x25: {  	s8 =	sadd.s32 $0x1, s8  }
0x26: {  	p0 =	sne.s32 s8, s5  }
.Ltmp2:
0x27: {  	[tilespmem:v2+s7+$0x0] =	vst.idx.add.f32.msk $0xffff, v1;
	(pc) =	sbr.rel @p0 .LBB2_1-.Ltmp2, $4  }
0x28: {  	[hbm4b:s4+s2] =	stream.linear.scatter [tilespmem:s7], [sflag:$0x1], $0x2710, $0x38;
	[tilespmem:$0x4F00] =	vst v63  }
0x29: {  	_ =	swait.ge [sflag:s6], $0x2710  }
0x2a: {  	[sflag:s6] =	ssyncset.done $0x0  }
0x2b: {  	[sflag:s6] =	ssyncadd.s32 $0xFFFFD8F0  }
0x2c: {  	_ =	sfence.sel $0x180000  }
0x2d: {  	[bflag:$0x0] =	sbarrier.arrive $0xFFFF  }
0x2e: {  	p0 =	sne.s32 s0, $0x0;
	_ =	strace $0x90000047  }
0x2f: {  	s0 =	sadd.s32 @!p0 $0x100000, s1;
	[bflag:$0x2] =	sbarrier.arrive $0xFFFF  }
0x30: {  	[sflag:s0] =	ssyncadd.tile.s32 @!p0 $0x1;
	_ =	shalt  }
.Lfunc_end2:
_tile_overlayer_lowered:
.L_overlay_start_2:
0x31: {  	(tag) =	ssettag $0x2  }
0x32: {  	s0 =	rddreg [dreg:$0x0];
	s2 =	stileid.u32  }
0x33: {  	s1 =	rddreg [dreg:$0x1];
	p0 =	sne.s32 s2, $0x0  }
0x34: {  	s3 =	rddreg [dreg:$0x2];
	[bflag:$0x3] =	sbarrier.arrive $0xFFFF;
	s2 =	simm.s32 @!p0 $0x1C01  }
0x35: {  	[timem:s3], [sflag:s2] =	dma.local @!p0 [hbm:s0], s1  }
0x36: {  	s0 =	simm.s32 @!p0 $0x1  }
0x37: {  	_ =	swait.ge @!p0 [sflag:s0], s1  }
0x38: {  	s1 =	ssub.s32 @!p0 $0x0, s1;
	[sflag:s0] =	ssyncset.done @!p0 $0x0  }
0x39: {  	[sflag:s0] =	ssyncadd.s32 @!p0 s1  }
0x3a: {  	[bflag:$0x3] =	sbarrier.arrive $0xFFFF  }
0x3b: {  	_ =	shalt  }

// kernel: kernel.9.cloned.1.call-start
scs
__scs_entry_jumppad:
0x0: {  	(pc) =	sbr.rel $0x88, $3  }
0x1: {  	(tag) =	ssettag $0x0;
	lr =	simm.s32 $0x1  }
0x2: {  	[smem:$0x3F9B] =	sst lr;
	_ =	strace $0xD0000000  }
0x3: {  	_ = 	snop  }
0x4: {  	_ = 	snop  }
0x5: {  	_ = 	snop  }
0x6: {  	_ = 	snop  }
0x7: {  	_ = 	snop  }
__scs_overlays_trampoline_lowered:
0x8: {  	[smem:$0x3FAA] =	sst s0  }
0x9: {  	[smem:$0x3FAB] =	sst s1  }
0xa: {  	[smem:$0x3FAC] =	sst s2  }
0xb: {  	[smem:$0x3FAD] =	sst s3  }
0xc: {  	[smem:$0x3FAE] =	sst s4  }
0xd: {  	[smem:$0x3FAF] =	sst s5  }
0xe: {  	[smem:$0x3FB0] =	sst s6  }
0xf: {  	[smem:$0x3FB1] =	sst s7  }
0x10: {  	[smem:$0x3FB2] =	sst s8  }
0x11: {  	[smem:$0x3FB3] =	sst s9;
	s0 =	simm.s32 @!p0 $0x0  }
0x12: {  	s1 =	sld [smem:$0x3F99];
	s0 =	simm.s32 @p0 $0x1  }
0x13: {  	[smem:$0x3FB4] =	sst s0;
	s0 =	simm.s32 @!p1 $0x0  }
0x14: {  	s2 =	sld [smem:$0x3F98];
	s0 =	simm.s32 @p1 $0x1  }
0x15: {  	[smem:$0x3FB5] =	sst s0;
	s0 =	simm.s32 @!p2 $0x0  }
0x16: {  	s3 =	sld [smem:$0x3FDB];
	s0 =	simm.s32 @p2 $0x1  }
0x17: {  	s4 =	simm.s32 $0x1BF5;
	[smem:$0x3FB7] =	sst s0  }
0x18: {  	s0 =	sld [smem:$0x3F9A];
	_ =	swait.ge [sflag:s4], $0x0  }
0x19: {  	s7 =	sld [smem:$0x3F9B]  }
0x1a: {  	s8 =	sadd.s32 $0xFFFFE003, lr  }
0x1b: {  	s9 =	sadd.s32 $0xFFFFFEF7, lr;
	s5 =	simm.s32 $0xFFFFFFFF;
	p2 =	slt.u32 s8, $0xFFFFF086  }
0x1c: {  	p1 =	slt.u32 s9, $0xF7A;
	s5 =	simm.s32 @!p2 $0x0  }
0x1d: {  	s5 =	simm.s32 @p1 $0x1;
	p0 =	seq.s32 s7, s2  }
0x1e: {  	s7 =	smul.u32 @!p0 $0xF7A, s2;
	p2 =	seq.s32 @!p0 s5, $0x0  }
0x1f: {  	s9 =	smul.u32 $0xF7A, s1;
	s8 =	simm.s32 @!p0 $0x1BF5;
	p2 =	por !p2, p0  }
0x20: {  	[sflag:s8] =	ssyncset.s32 @!p0 $0xFFFFF086;
	s6 =	sadd.s32 @!p0 s3, s7;
	s7 =	simm.s32 @!p0 $0x108  }
0x21: {  	s3 =	sadd.s32 s3, s9;
	s6 =	sadd.s32 @!p0 $0x88, s6;
	s7 =	simm.s32 @p2 $0x1082  }
0x22: {  	[simem:s7], [sflag:s8] =	dma.local @!p0 [hbm:s6], $0xF7A  }
0x23: {  	s9 =	sor.u32 $0xD0000000, s2;
	s6 =	simm.s32 $0x108;
	_ =	swait.ge @!p0 [sflag:s8], $0x0  }
0x24: {  	s3 =	sadd.s32 $0x88, s3;
	s6 =	simm.s32 @!p1 $0x1082;
	[sflag:s4] =	ssyncset.s32 $0xFFFFF086  }
0x25: {  	[simem:s6], [sflag:s4] =	dma.local [hbm:s3], $0xF7A  }
0x26: {  	[smem:$0x3F9B] =	sst s1;
	(tag) =	ssettag s2;
	_ =	strace s9  }
0x27: {  	s1 =	sld [smem:$0x3FAB]  }
0x28: {  	s2 =	sld [smem:$0x3FAC]  }
0x29: {  	s4 =	sld [smem:$0x3FAE]  }
0x2a: {  	p0 =	seq.s32 s5, $0x0;
	s5 =	sld [smem:$0x3FAF]  }
0x2b: {  	s6 =	sld [smem:$0x3FB0]  }
0x2c: {  	s7 =	sld [smem:$0x3FB1]  }
0x2d: {  	s3 =	simm.s32 $0x108;
	s8 =	sld [smem:$0x3FB2]  }
0x2e: {  	s3 =	simm.s32 @!p0 $0x1082;
	s9 =	sld [smem:$0x3FB3]  }
0x2f: {  	lr =	sadd.s32 s0, s3;
	s0 =	sld [smem:$0x3FAA]  }
0x30: {  	s3 =	sld [smem:$0x3FAD]  }
0x31: {  	[smem:$0x3FB6] =	sst s10  }
0x32: {  	s10 =	sld [smem:$0x3FB4];
	_ =	sdelay $0x3  }
0x33: {  	p0 =	seq.s32 s10, $0x1;
	s10 =	sld [smem:$0x3FB6];
	_ =	sdelay $0x3  }
0x34: {  	[smem:$0x3FB6] =	sst s10  }
0x35: {  	s10 =	sld [smem:$0x3FB5];
	_ =	sdelay $0x3  }
0x36: {  	p1 =	seq.s32 s10, $0x1;
	s10 =	sld [smem:$0x3FB6];
	_ =	sdelay $0x3  }
0x37: {  	[smem:$0x3FB6] =	sst s10  }
0x38: {  	s10 =	sld [smem:$0x3FB7]  }
0x39: {  	_ = 	snop;
	(pc) =	sbr.ind lr, $3  }
0x3a: {  	_ = 	snop  }
0x3b: {  	_ = 	snop  }
0x3c: {  	p2 =	seq.s32 s10, $0x1;
	s10 =	sld [smem:$0x3FB6]  }
0x3d: {  	_ =	shalt  }
0x3e: {  	_ =	shalt  }
0x3f: {  	_ =	shalt  }
0x40: {  	_ =	shalt  }
0x41: {  	_ =	shalt  }
0x42: {  	_ =	shalt  }
0x43: {  	_ =	shalt  }
0x44: {  	_ =	shalt  }
0x45: {  	_ =	shalt  }
0x46: {  	_ =	shalt  }
0x47: {  	_ =	shalt  }
0x48: {  	_ =	shalt  }
0x49: {  	_ =	shalt  }
0x4a: {  	_ =	shalt  }
0x4b: {  	_ =	shalt  }
0x4c: {  	_ =	shalt  }
0x4d: {  	_ =	shalt  }
0x4e: {  	_ =	shalt  }
0x4f: {  	_ =	shalt  }
0x50: {  	_ =	shalt  }
0x51: {  	_ =	shalt  }
0x52: {  	_ =	shalt  }
0x53: {  	_ =	shalt  }
0x54: {  	_ =	shalt  }
0x55: {  	_ =	shalt  }
0x56: {  	_ =	shalt  }
0x57: {  	_ =	shalt  }
0x58: {  	_ =	shalt  }
0x59: {  	_ =	shalt  }
0x5a: {  	_ =	shalt  }
0x5b: {  	_ =	shalt  }
0x5c: {  	_ =	shalt  }
0x5d: {  	_ =	shalt  }
0x5e: {  	_ =	shalt  }
0x5f: {  	_ =	shalt  }
0x60: {  	_ =	shalt  }
0x61: {  	_ =	shalt  }
0x62: {  	_ =	shalt  }
0x63: {  	_ =	shalt  }
0x64: {  	_ =	shalt  }
0x65: {  	_ =	shalt  }
0x66: {  	_ =	shalt  }
0x67: {  	_ =	shalt  }
0x68: {  	_ =	shalt  }
0x69: {  	_ =	shalt  }
0x6a: {  	_ =	shalt  }
0x6b: {  	_ =	shalt  }
0x6c: {  	_ =	shalt  }
0x6d: {  	_ =	shalt  }
0x6e: {  	_ =	shalt  }
0x6f: {  	_ =	shalt  }
0x70: {  	_ =	shalt  }
0x71: {  	_ =	shalt  }
0x72: {  	_ =	shalt  }
0x73: {  	_ =	shalt  }
0x74: {  	_ =	shalt  }
0x75: {  	_ =	shalt  }
0x76: {  	_ =	shalt  }
0x77: {  	_ =	shalt  }
0x78: {  	_ =	shalt  }
0x79: {  	_ =	shalt  }
0x7a: {  	_ =	shalt  }
0x7b: {  	_ =	shalt  }
0x7c: {  	_ =	shalt  }
0x7d: {  	_ =	shalt  }
0x7e: {  	_ =	shalt  }
0x7f: {  	_ =	shalt  }
0x80: {  	_ =	shalt  }
0x81: {  	_ =	shalt  }
0x82: {  	_ =	shalt  }
0x83: {  	_ =	shalt  }
0x84: {  	_ =	shalt  }
0x85: {  	_ =	shalt  }
0x86: {  	_ =	shalt  }
0x87: {  	_ =	shalt  }
.Lfunc_end0:
.L_simem_size_0:
called_computation.1_lowered:
.L_overlay_start_0:
0x88: {  	s2 =	sld [smem:$0x3FD9]  }
0x89: {  	s3 =	sld [smem:$0x3FFE];
	_ =	sdelay $0x1  }
0x8a: {  	s1 =	srdreg.scid  }
0x8b: {  	s0 =	sand.u32 $0x1, s1  }
0x8c: {  	s17 =	sshll.u32 s0, $0xA;
	s2 =	sadd.s32 s3, s2  }
0x8d: {  	s2 =	sadd.s32 s2, s17  }
0x8e: {  	[smem:$0x3FC2] =	sst s2  }
0x8f: {  	_ = 	snop  }
0x90: {  	s2 =	sld [smem:$0x3FD0];
	(tm) =	ssettm $0x1  }
0x91: {  	s18 =	sld [smem:$0x3FFB];
	_ =	sdelay $0x3  }
0x92: {  	_ =	strace s18  }
0x93: {  	s3 =	sld [smem:$0x3FFC];
	_ =	sdelay $0x3  }
0x94: {  	_ =	strace s3  }
0x95: {  	s3 =	sld [smem:$0x3FFD];
	_ =	sdelay $0x3  }
0x96: {  	_ =	strace s3  }
0x97: {  	_ =	strace $0x8FFFFFFF  }
0x98: {  	s19 =	sld [smem:$0x3FDB];
	_ =	sdelay $0x1  }
0x99: {  	s4 =	simm.s32 $_scs_section_size  }
0x9a: {  	s5 =	simm.s32 $_size__tile_overlayer_lowered;
	s6 =	simm.s32 $_tile_overlayer_lowered  }
0x9b: {  	s22 =	simm.s32 $0x1BFF;
	s21 =	sshll.u32 s6, $0x1;
	s3 =	sadd.s32 s4, s19  }
0x9c: {  	s7 =	simm.s32 $0x0;
	s20 =	sshll.u32 s5, $0x1;
	s5 =	sadd.s32 s21, s3  }
0x9d: {  	[timem:s7], [sflag:s22] =	dma.local [hbm:s5], s20  }
0x9e: {  	_ =	swait.ge [sflag:s22], s20  }
0x9f: {  	s4 =	ssub.s32 $0x0, s20;
	[sflag:s22] =	ssyncset.done $0x0  }
0xa0: {  	[sflag:s22] =	ssyncadd.s32 s4;
	_ =	sdelay $0x1  }
0xa1: {  	s23 =	simm.s32 $0x1B8B  }
0xa2: {  	_ =	swait.ge [sflag:s23], $0x1  }
0xa3: {  	[sflag:s23] =	ssyncset.done $0x0  }
0xa4: {  	s25 =	simm.s32 $0x1B8E;
	s24 =	sld [smem:$0x3FFE];
	[sflag:s23] =	ssyncadd.s32 $0xFFFFFFFF  }
0xa5: {  	s26 =	simm.s32 $execute0_lowered;
	[smem:$0x3FD2] =	sst s25  }
0xa6: {  	s5 =	sshll.u32 s26, $0x1;
	_ =	strace $0x80000049;
	[dreg:$0x1] =	wrdreg $0xFFFFFFFF  }
0xa7: {  	s28 =	simm.s32 $_size_execute0_lowered;
	s3 =	sadd.s32 s3, s5;
	[dreg:$0x0] =	wrdreg $0x0  }
0xa8: {  	s5 =	sshll.u32 s28, $0x1;
	[dreg:$0x2] =	wrdreg s3  }
0xa9: {  	[dreg:$0x3] =	wrdreg s5  }
0xaa: {  	[dreg:$0x4] =	wrdreg $0xC0  }
0xab: {  	_ =	task [dreg:s7], $0x5FFFF  }
0xac: {  	[dreg:$0x1] =	wrdreg $0xFFFFFFFF  }
0xad: {  	[dreg:$0x0] =	wrdreg $0x60  }
0xae: {  	[dreg:$0x2] =	wrdreg s2  }
0xaf: {  	[dreg:$0x3] =	wrdreg s24  }
0xb0: {  	[dreg:$0x4] =	wrdreg $0xA8000  }
0xb1: {  	[dreg:$0x5] =	wrdreg $0x9  }
0xb2: {  	_ =	task.clear_ibuf [dreg:s7], $0x6FFFF;
	_ =	strace $0x90000049  }
0xb3: {  	s29 =	simm.s32 $0x9;
	_ =	strace $0x8000004B  }
0xb4: {  	_ =	swait.ge [sflag:s29], $0x1  }
0xb5: {  	[sflag:s29] =	ssyncadd.s32 $0xFFFFFFFF  }
0xb6: {  	_ =	strace $0x9000004B  }
0xb7: {  	_ =	sfence  }
0xb8: {  	s30 =	sld [smem:$0x0];
	_ =	sdelay $0x2  }
0xb9: {  	s31 =	sshll.u32 s1, $0xD;
	s1 =	sshrl.u32 s1, $0x2  }
0xba: {  	s3 =	sand.u32 $0x4000, s31;
	s1 =	sadd.s32 s1, s30  }
0xbb: {  	s0 =	sor.u32 s3, s0;
	s1 =	sshll.u32 s1, $0x11  }
0xbc: {  	s0 =	sor.u32 s1, s0  }
0xbd: {  	s0 =	sadd.s32 $0x8F2B, s0  }
0xbe: {  	[sflag:s0] =	ssyncadd.remote.s32 $0x1  }
0xbf: {  	_ =	sfence.sel $0xFFFF  }
0xc0: {  	[dreg:$0x0] =	wrdreg $0xFFFFFFFF;
	(pc) =	sbr.abs _section_cstart, $3  }
0xc1: {  	[dreg:$0x1] =	wrdreg $0xFFFFFFFF  }
0xc2: {  	_ =	task.clear_ibuf [dreg:s7], $0x2FFFF;
	_ =	strace $0x9FFFFFFF  }
0xc3: {  	(tm) =	ssettm $0x7FFFFFFF  }
tec
execute0_lowered:
.L_overlay_start_1:
0x0: {  	(tag) =	ssettag $0x1  }
0x1: {  	s1 =	rddreg [dreg:$0x0]  }
0x2: {  	s0 =	rddreg [dreg:$0x1]  }
0x3: {  	s2 =	rddreg [dreg:$0x2];
	s4 =	simm.s32 $0x0  }
0x4: {  	s3 =	srdreg.scid;
	s11 =	stileid.u32;
	s28 =	simm.s32 $0x3  }
0x5: {  	s29 =	simm.s32 $0x50;
	s30 =	simm.s32 $0x800;
	[smem:$0x7FF] =	sst s4  }
0x6: {  	s6 =	sshll.u32 s11, $0xF;
	s7 =	smul.u32 $0x4F000, s11;
	s8 =	sadd.s32 $0xB600, s0  }
0x7: {  	s0 =	sadd.s32 $0x2B600, s0;
	s12 =	smul.u32 $0x13C00, s11;
	s15 =	sadd.s32 $0x12AC00, s2  }
0x8: {  	s3 =	sand.u32 $0x1, s3;
	s16 =	sadd.s32 $0x12D400, s2;
	s17 =	sadd.s32 $0x12FC00, s2  }
0x9: {  	s21 =	sadd.s32 $0x132400, s2;
	_ =	strace $0x8000004A;
	[dreg:$0x10] =	wrdreg s15  }
0xa: {  	p0 =	seq.s32 s11, $0xF;
	s11 =	simm.s32 $0x80;
	[dreg:$0x11] =	wrdreg s16  }
0xb: {  	s5 =	sshll.u32 s3, $0x13;
	s22 =	ssub.s32 $0x2, s3;
	[dreg:$0x12] =	wrdreg s17  }
0xc: {  	s3 =	smul.u32 $0x138800, s3;
	[dreg:$0x14] =	wrdreg s21;
	s16 =	simm.s32 $0x2  }
0xd: {  	s17 =	simm.s32 $0x600;
	s21 =	simm.s32 $0x680;
	s5 =	sor.u32 s6, s5  }
0xe: {  	s7 =	sshrl.u32 s7, $0x2;
	s10 =	sshrl.u32 s22, $0x1;
	s9 =	sshrl.u32 s5, $0x3  }
0xf: {  	s24 =	sadd.s32 s7, s2;
	s6 =	ssub.s32 s22, s10;
	s7 =	sadd.s32 s12, s3  }
0x10: {  	s18 =	sor.u32 $0xC00, s5;
	s3 =	sshrl.u32 s3, $0x3;
	s5 =	sor.u32 $0x800, s5  }
0x11: {  	s12 =	simm.s32 $0x180;
	s9 =	sadd.s32 s8, s9;
	[dreg:$0x6] =	wrdreg s24  }
0x12: {  	s25 =	sadd.s32 $0x2800, s24;
	s26 =	sadd.s32 $0x5000, s24;
	[dreg:$0x5] =	wrdreg s9  }
0x13: {  	s31 =	sadd.s32 $0x7800, s24;
	s10 =	sadd.s32 $0xC800, s24;
	[dreg:$0x8] =	wrdreg s25  }
0x14: {  	s13 =	sadd.s32 $0xF000, s24;
	s14 =	sadd.s32 $0x11800, s24;
	[dreg:$0x9] =	wrdreg s26  }
0x15: {  	s7 =	sshrl.u32 s7, $0x3;
	s19 =	sshrl.u32 s18, $0x3;
	[dreg:$0xa] =	wrdreg s31  }
0x16: {  	s22 =	sshrl.u32 s5, $0x3;
	s5 =	simm.s32 $0x500;
	[dreg:$0xc] =	wrdreg s10  }
0x17: {  	s18 =	simm.s32 $0x700;
	s23 =	sadd.s32 $0x80, s9;
	[dreg:$0xd] =	wrdreg s13  }
0x18: {  	s9 =	sadd.s32 $0xA000, s24;
	[dreg:$0xe] =	wrdreg s14;
	s31 =	sadd.s32 $0x128400, s2  }
0x19: {  	s7 =	sadd.s32 s0, s7;
	s0 =	sadd.s32 s0, s3;
	s20 =	sadd.s32 s19, s8  }
0x1a: {  	s22 =	sadd.s32 s22, s8;
	s25 =	sadd.s32 $0x137400, s2;
	[dreg:$0x7] =	wrdreg s23  }
0x1b: {  	s26 =	smax.u32 s6, $0x1;
	s3 =	simm.s32 $0x200;
	[dreg:$0xb] =	wrdreg s9  }
0x1c: {  	s8 =	simm.s32 $0x300;
	s10 =	simm.s32 $0x1;
	[dreg:$0x13] =	wrdreg s7  }
0x1d: {  	s13 =	simm.s32 $0x280;
	s14 =	simm.s32 $0x380;
	[dreg:$0x4] =	wrdreg s20  }
0x1e: {  	s19 =	simm.s32 $0x480;
	s23 =	sadd.s32 $0x134C00, s2;
	[dreg:$0x16] =	wrdreg s25  }
0x1f: {  	s0 =	sadd.s32 $0x25080, s0;
	[dreg:$0x18] =	wrdreg s26;
	s26 =	simm.s32 $0x400  }
0x20: {  	s7 =	simm.s32 $0x5800;
	s9 =	simm.s32 $0x8000;
	[dreg:$0xf] =	wrdreg s31  }
0x21: {  	s20 =	simm.s32 $0x580;
	s25 =	simm.s32 $0x0;
	[dreg:$0x15] =	wrdreg s23  }
0x22: {  	v0 =	vimm.f32 $0.0e+00;
	[dreg:$0x17] =	wrdreg s0;
	s0 =	simm.s32 $0x3000;
	s23 =	simm.s32 $0x780  }
.LBB2_1:
0x23: {  	[dreg:$0x19] =	wrdreg s25  }
0x24: {  	s6 =	rddreg [dreg:$0x5]  }
0x25: {  	s25 =	rddreg [dreg:$0x7];
	s31 =	sand.u32 $0xFE00, s4  }
0x26: {  	[tilespmem:s4], [sflag:$0x3] =	stream.linear.gather [hbm4b:s6+s4], $0x400, $0x38;
	[tilespmem:$0x1E080] =	vst v63  }
0x27: {  	s15 =	simm.s32 $0x0;
	s24 =	sand.u32 $0x40, s4;
	s6 =	sshrl.u32 s31, $0x2  }
0x28: {  	[tilespmem:s26], [sflag:$0x3] =	stream.linear.gather [hbm4b:s25+s4], $0x400, $0x38;
	[tilespmem:$0x1E080] =	vst v63  }
0x29: {  	s25 =	sor.u32 s24, s6;
	s6 =	simm.s32 $0x0;
	s24 =	simm.s32 $0x0  }
.LBB2_2:
0x2a: {  	s15 =	sadd.s32 $0x4, s15  }
0x2b: {  	[tilespmem:s25+$0x830] =	vst v0;
	s6 =	sadd.s32 $0x40, s6;
	s24 =	sadd.s32 $0x100, s24;
	p1 =	slt.u32 s15, $0x27C  }
.Ltmp0:
0x2c: {  	[tilespmem:s25+$0x820] =	vst v0;
	(pc) =	sbr.rel @p1 .LBB2_2-.Ltmp0, $4  }
0x2d: {  	[tilespmem:s25+$0x800] =	vst v0  }
0x2e: {  	s31 =	sand.u32 $0xFE00, s24;
	[tilespmem:s25+$0x810] =	vst v0  }
0x2f: {  	s31 =	sshrl.u32 s31, $0x2;
	s25 =	sand.u32 $0x40, s6  }
0x30: {  	s25 =	sor.u32 s25, s31  }
0x31: {  	[tilespmem:s25+$0x830] =	vst v0  }
0x32: {  	[tilespmem:s25+$0x820] =	vst v0  }
0x33: {  	[tilespmem:s25+$0x800] =	vst v0  }
0x34: {  	[tilespmem:s25+$0x810] =	vst v0;
	s6 =	simm.s32 @p0 $0x800;
	s15 =	rddreg [dreg:$0xf]  }
0x35: {  	[spmem:s15] =	stream.linear.scatter @p0 [tilespmem:s6], [sflag:$0x2], $0x2800, $0x38;
	[tilespmem:$0x1E080] =	vst v63  }
0x36: {  	s15 =	rddreg [dreg:$0x10]  }
0x37: {  	[spmem:s15] =	stream.linear.scatter @p0 [tilespmem:s6], [sflag:$0x2], $0x2800, $0x38;
	[tilespmem:$0x1E080] =	vst v63  }
0x38: {  	s15 =	rddreg [dreg:$0x11]  }
0x39: {  	[spmem:s15] =	stream.linear.scatter @p0 [tilespmem:s6], [sflag:$0x2], $0x2800, $0x38;
	[tilespmem:$0x1E080] =	vst v63  }
0x3a: {  	s15 =	rddreg [dreg:$0x12]  }
0x3b: {  	[spmem:s15] =	stream.linear.scatter @p0 [tilespmem:s6], [sflag:$0x2], $0x2800, $0x38;
	[tilespmem:$0x1E080] =	vst v63  }
0x3c: {  	s15 =	rddreg [dreg:$0x14]  }
0x3d: {  	[spmem:s15] =	stream.linear.scatter @p0 [tilespmem:s6], [sflag:$0x2], $0x2800, $0x38;
	[tilespmem:$0x1E080] =	vst v63  }
0x3e: {  	s15 =	rddreg [dreg:$0x15]  }
0x3f: {  	[spmem:s15] =	stream.linear.scatter @p0 [tilespmem:s6], [sflag:$0x2], $0x2800, $0x38;
	[tilespmem:$0x1E080] =	vst v63  }
0x40: {  	s15 =	rddreg [dreg:$0x16]  }
0x41: {  	[spmem:s15] =	stream.linear.scatter @p0 [tilespmem:s6], [sflag:$0x2], $0x1400, $0x38;
	[tilespmem:$0x1E080] =	vst v63  }
0x42: {  	s6 =	simm.s32 @p0 $0x2  }
0x43: {  	_ =	swait.ge @p0 [sflag:s6], $0x2800  }
0x44: {  	[sflag:s6] =	ssyncset.done @p0 $0x0  }
0x45: {  	[sflag:s6] =	ssyncadd.s32 @p0 $0xFFFFD800  }
0x46: {  	_ =	swait.ge @p0 [sflag:s6], $0x2800  }
0x47: {  	[sflag:s6] =	ssyncset.done @p0 $0x0  }
0x48: {  	[sflag:s6] =	ssyncadd.s32 @p0 $0xFFFFD800  }
0x49: {  	_ =	swait.ge @p0 [sflag:s6], $0x2800  }
0x4a: {  	[sflag:s6] =	ssyncset.done @p0 $0x0  }
0x4b: {  	[sflag:s6] =	ssyncadd.s32 @p0 $0xFFFFD800  }
0x4c: {  	_ =	swait.ge @p0 [sflag:s6], $0x2800  }
0x4d: {  	[sflag:s6] =	ssyncset.done @p0 $0x0  }
0x4e: {  	[sflag:s6] =	ssyncadd.s32 @p0 $0xFFFFD800  }
0x4f: {  	_ =	swait.ge @p0 [sflag:s6], $0x2800  }
0x50: {  	[sflag:s6] =	ssyncset.done @p0 $0x0  }
0x51: {  	[sflag:s6] =	ssyncadd.s32 @p0 $0xFFFFD800  }
0x52: {  	_ =	swait.ge @p0 [sflag:s6], $0x2800  }
0x53: {  	[sflag:s6] =	ssyncset.done @p0 $0x0  }
0x54: {  	[sflag:s6] =	ssyncadd.s32 @p0 $0xFFFFD800  }
0x55: {  	_ =	swait.ge @p0 [sflag:s6], $0x1400  }
0x56: {  	[sflag:s6] =	ssyncset.done @p0 $0x0  }
0x57: {  	s24 =	rddreg [dreg:$0x6];
	[sflag:s6] =	ssyncadd.s32 @p0 $0xFFFFEC00;
	s6 =	simm.s32 @!p0 $0x800  }
0x58: {  	[spmem:s24] =	stream.linear.scatter @!p0 [tilespmem:s6], [sflag:$0x2], $0x2800, $0x38;
	[tilespmem:$0x1E080] =	vst v63  }
0x59: {  	s15 =	rddreg [dreg:$0x8]  }
0x5a: {  	[spmem:s15] =	stream.linear.scatter @!p0 [tilespmem:s6], [sflag:$0x2], $0x2800, $0x38;
	[tilespmem:$0x1E080] =	vst v63  }
0x5b: {  	s15 =	rddreg [dreg:$0x9]  }
0x5c: {  	[spmem:s15] =	stream.linear.scatter @!p0 [tilespmem:s6], [sflag:$0x2], $0x2800, $0x38;
	[tilespmem:$0x1E080] =	vst v63  }
0x5d: {  	s15 =	rddreg [dreg:$0xa]  }
0x5e: {  	[spmem:s15] =	stream.linear.scatter @!p0 [tilespmem:s6], [sflag:$0x2], $0x2800, $0x38;
	[tilespmem:$0x1E080] =	vst v63  }
0x5f: {  	s15 =	rddreg [dreg:$0xb]  }
0x60: {  	[spmem:s15] =	stream.linear.scatter @!p0 [tilespmem:s6], [sflag:$0x2], $0x2800, $0x38;
	[tilespmem:$0x1E080] =	vst v63  }
0x61: {  	s15 =	rddreg [dreg:$0xc]  }
0x62: {  	[spmem:s15] =	stream.linear.scatter @!p0 [tilespmem:s6], [sflag:$0x2], $0x2800, $0x38;
	[tilespmem:$0x1E080] =	vst v63  }
0x63: {  	s15 =	rddreg [dreg:$0xd]  }
0x64: {  	[spmem:s15] =	stream.linear.scatter @!p0 [tilespmem:s6], [sflag:$0x2], $0x2800, $0x38;
	[tilespmem:$0x1E080] =	vst v63  }
0x65: {  	s15 =	rddreg [dreg:$0xe]  }
0x66: {  	[spmem:s15] =	stream.linear.scatter @!p0 [tilespmem:s6], [sflag:$0x2], $0x2400, $0x38;
	[tilespmem:$0x1E080] =	vst v63  }
0x67: {  	s6 =	simm.s32 @!p0 $0x2  }
0x68: {  	_ =	swait.ge @!p0 [sflag:s6], $0x2800  }
0x69: {  	[sflag:s6] =	ssyncset.done @!p0 $0x0  }
0x6a: {  	[sflag:s6] =	ssyncadd.s32 @!p0 $0xFFFFD800  }
0x6b: {  	_ =	swait.ge @!p0 [sflag:s6], $0x2800  }
0x6c: {  	[sflag:s6] =	ssyncset.done @!p0 $0x0  }
0x6d: {  	[sflag:s6] =	ssyncadd.s32 @!p0 $0xFFFFD800  }
0x6e: {  	_ =	swait.ge @!p0 [sflag:s6], $0x2800  }
0x6f: {  	[sflag:s6] =	ssyncset.done @!p0 $0x0  }
0x70: {  	[sflag:s6] =	ssyncadd.s32 @!p0 $0xFFFFD800  }
0x71: {  	_ =	swait.ge @!p0 [sflag:s6], $0x2800  }
0x72: {  	[sflag:s6] =	ssyncset.done @!p0 $0x0  }
0x73: {  	[sflag:s6] =	ssyncadd.s32 @!p0 $0xFFFFD800  }
0x74: {  	_ =	swait.ge @!p0 [sflag:s6], $0x2800  }
0x75: {  	[sflag:s6] =	ssyncset.done @!p0 $0x0  }
0x76: {  	[sflag:s6] =	ssyncadd.s32 @!p0 $0xFFFFD800  }
0x77: {  	_ =	swait.ge @!p0 [sflag:s6], $0x2800  }
0x78: {  	[sflag:s6] =	ssyncset.done @!p0 $0x0  }
0x79: {  	[sflag:s6] =	ssyncadd.s32 @!p0 $0xFFFFD800  }
0x7a: {  	_ =	swait.ge @!p0 [sflag:s6], $0x2800  }
0x7b: {  	[sflag:s6] =	ssyncset.done @!p0 $0x0  }
0x7c: {  	[sflag:s6] =	ssyncadd.s32 @!p0 $0xFFFFD800  }
0x7d: {  	_ =	swait.ge @!p0 [sflag:s6], $0x2400  }
0x7e: {  	[sflag:s6] =	ssyncset.done @!p0 $0x0  }
0x7f: {  	[sflag:s6] =	ssyncadd.s32 @!p0 $0xFFFFDC00  }
0x80: {  	[bflag:$0x0] =	sbarrier.arrive $0xFFFF  }
0x81: {  	_ =	swait.ge [sflag:s28], $0x400  }
0x82: {  	[sflag:s28] =	ssyncset.done $0x0  }
0x83: {  	[sflag:s28] =	ssyncadd.s32 $0xFFFFFC00  }
0x84: {  	[tilespmem:s30], [sflag:$0x1] =	stream.indirect.gather [hbm4b:s1+s29], $0x80, s4, s29, $0xb8;
	[tilespmem:$0x1E080] =	vst v63  }
0x85: {  	s31 =	simm.s32 $0x100  }
0x86: {  	[tilespmem:s0], [sflag:$0x1] =	stream.indirect.gather [hbm4b:s1+s29], $0x80, s31, s29, $0xb8;
	[tilespmem:$0x1E080] =	vst v63  }
0x87: {  	_ = 	snop  }
0x88: {  	[tilespmem:s7], [sflag:$0x1] =	stream.indirect.gather [hbm4b:s1+s29], $0x80, s3, s29, $0xb8;
	[tilespmem:$0x1E080] =	vst v63  }
0x89: {  	_ = 	snop  }
0x8a: {  	[tilespmem:s9], [sflag:$0x1] =	stream.indirect.gather [hbm4b:s1+s29], $0x80, s8, s29, $0xb8;
	[tilespmem:$0x1E080] =	vst v63  }
0x8b: {  	_ =	swait.ge [sflag:s10], $0x2800  }
0x8c: {  	[sflag:s10] =	ssyncset.done $0x0  }
0x8d: {  	[sflag:s10] =	ssyncadd.s32 $0xFFFFD800  }
0x8e: {  	[spmem:s2] =	stream.indirect.scatter.add.f32 [tilespmem:s30], [sflag:$0x2], $0x80, s11, s29, $0xb8;
	[tilespmem:$0x1E080] =	vst v63  }
0x8f: {  	_ =	swait.ge [sflag:s10], $0x2800  }
0x90: {  	[sflag:s10] =	ssyncset.done $0x0  }
0x91: {  	[sflag:s10] =	ssyncadd.s32 $0xFFFFD800  }
0x92: {  	[spmem:s2] =	stream.indirect.scatter.add.f32 [tilespmem:s0], [sflag:$0x2], $0x80, s12, s29, $0xb8;
	[tilespmem:$0x1E080] =	vst v63  }
0x93: {  	_ =	swait.ge [sflag:s10], $0x2800  }
0x94: {  	[sflag:s10] =	ssyncset.done $0x0  }
0x95: {  	[sflag:s10] =	ssyncadd.s32 $0xFFFFD800  }
0x96: {  	[spmem:s2] =	stream.indirect.scatter.add.f32 [tilespmem:s7], [sflag:$0x2], $0x80, s13, s29, $0xb8;
	[tilespmem:$0x1E080] =	vst v63  }
0x97: {  	_ =	swait.ge [sflag:s10], $0x2800  }
0x98: {  	[sflag:s10] =	ssyncset.done $0x0  }
0x99: {  	[sflag:s10] =	ssyncadd.s32 $0xFFFFD800  }
0x9a: {  	[spmem:s2] =	stream.indirect.scatter.add.f32 [tilespmem:s9], [sflag:$0x2], $0x80, s14, s29, $0xb8;
	[tilespmem:$0x1E080] =	vst v63  }
0x9b: {  	_ =	swait.ge [sflag:s16], $0x2800  }
0x9c: {  	[sflag:s16] =	ssyncset.done $0x0  }
0x9d: {  	[sflag:s16] =	ssyncadd.s32 $0xFFFFD800  }
0x9e: {  	_ =	swait.ge [sflag:s16], $0x2800  }
0x9f: {  	[sflag:s16] =	ssyncset.done $0x0  }
0xa0: {  	[sflag:s16] =	ssyncadd.s32 $0xFFFFD800  }
0xa1: {  	_ =	swait.ge [sflag:s16], $0x2800  }
0xa2: {  	[sflag:s16] =	ssyncset.done $0x0  }
0xa3: {  	[sflag:s16] =	ssyncadd.s32 $0xFFFFD800  }
0xa4: {  	_ =	swait.ge [sflag:s16], $0x2800  }
0xa5: {  	[sflag:s16] =	ssyncset.done $0x0  }
0xa6: {  	s25 =	sadd.s32 $0x0, s22;
	[sflag:s16] =	ssyncadd.s32 $0xFFFFD800  }
0xa7: {  	[tilespmem:s4], [sflag:$0x3] =	stream.linear.gather [hbm4b:s25+s4], $0x400, $0x38;
	[tilespmem:$0x1E080] =	vst v63  }
0xa8: {  	_ =	swait.ge [sflag:s28], $0x400  }
0xa9: {  	[sflag:s28] =	ssyncset.done $0x0  }
0xaa: {  	[sflag:s28] =	ssyncadd.s32 $0xFFFFFC00  }
0xab: {  	[tilespmem:s30], [sflag:$0x1] =	stream.indirect.gather [hbm4b:s1+s29], $0x80, s26, s29, $0xb8;
	[tilespmem:$0x1E080] =	vst v63  }
0xac: {  	_ = 	snop  }
0xad: {  	[tilespmem:s0], [sflag:$0x1] =	stream.indirect.gather [hbm4b:s1+s29], $0x80, s5, s29, $0xb8;
	[tilespmem:$0x1E080] =	vst v63  }
0xae: {  	_ = 	snop  }
0xaf: {  	[tilespmem:s7], [sflag:$0x1] =	stream.indirect.gather [hbm4b:s1+s29], $0x80, s17, s29, $0xb8;
	[tilespmem:$0x1E080] =	vst v63  }
0xb0: {  	_ = 	snop  }
0xb1: {  	[tilespmem:s9], [sflag:$0x1] =	stream.indirect.gather [hbm4b:s1+s29], $0x80, s18, s29, $0xb8;
	[tilespmem:$0x1E080] =	vst v63  }
0xb2: {  	_ =	swait.ge [sflag:s10], $0x2800  }
0xb3: {  	[sflag:s10] =	ssyncset.done $0x0  }
0xb4: {  	[sflag:s10] =	ssyncadd.s32 $0xFFFFD800  }
0xb5: {  	[spmem:s2] =	stream.indirect.scatter.add.f32 [tilespmem:s30], [sflag:$0x2], $0x80, s19, s29, $0xb8;
	[tilespmem:$0x1E080] =	vst v63  }
0xb6: {  	_ =	swait.ge [sflag:s10], $0x2800  }
0xb7: {  	[sflag:s10] =	ssyncset.done $0x0  }
0xb8: {  	[sflag:s10] =	ssyncadd.s32 $0xFFFFD800  }
0xb9: {  	[spmem:s2] =	stream.indirect.scatter.add.f32 [tilespmem:s0], [sflag:$0x2], $0x80, s20, s29, $0xb8;
	[tilespmem:$0x1E080] =	vst v63  }
0xba: {  	_ =	swait.ge [sflag:s10], $0x2800  }
0xbb: {  	[sflag:s10] =	ssyncset.done $0x0  }
0xbc: {  	[sflag:s10] =	ssyncadd.s32 $0xFFFFD800  }
0xbd: {  	[spmem:s2] =	stream.indirect.scatter.add.f32 [tilespmem:s7], [sflag:$0x2], $0x80, s21, s29, $0xb8;
	[tilespmem:$0x1E080] =	vst v63  }
0xbe: {  	_ =	swait.ge [sflag:s10], $0x2800  }
0xbf: {  	[sflag:s10] =	ssyncset.done $0x0  }
0xc0: {  	[sflag:s10] =	ssyncadd.s32 $0xFFFFD800  }
0xc1: {  	[spmem:s2] =	stream.indirect.scatter.add.f32 [tilespmem:s9], [sflag:$0x2], $0x80, s23, s29, $0xb8;
	[tilespmem:$0x1E080] =	vst v63  }
0xc2: {  	_ =	swait.ge [sflag:s16], $0x2800  }
0xc3: {  	[sflag:s16] =	ssyncset.done $0x0  }
0xc4: {  	[sflag:s16] =	ssyncadd.s32 $0xFFFFD800  }
0xc5: {  	_ =	swait.ge [sflag:s16], $0x2800  }
0xc6: {  	[sflag:s16] =	ssyncset.done $0x0  }
0xc7: {  	[sflag:s16] =	ssyncadd.s32 $0xFFFFD800  }
0xc8: {  	_ =	swait.ge [sflag:s16], $0x2800  }
0xc9: {  	[sflag:s16] =	ssyncset.done $0x0  }
0xca: {  	[sflag:s16] =	ssyncadd.s32 $0xFFFFD800  }
0xcb: {  	_ =	swait.ge [sflag:s16], $0x2800  }
0xcc: {  	s15 =	rddreg [dreg:$0x4];
	[sflag:s16] =	ssyncset.done $0x0  }
0xcd: {  	s25 =	simm.s32 $0x100;
	[sflag:s16] =	ssyncadd.s32 $0xFFFFD800;
	s6 =	sadd.s32 $0x0, s15  }
.LBB2_4:
0xce: {  	[tilespmem:s26], [sflag:$0x3] =	stream.linear.gather [hbm4b:s6+s4], $0x400, $0x38;
	[tilespmem:$0x1E080] =	vst v63  }
0xcf: {  	_ =	swait.ge [sflag:s28], $0x400  }
0xd0: {  	[sflag:s28] =	ssyncset.done $0x0  }
0xd1: {  	[sflag:s28] =	ssyncadd.s32 $0xFFFFFC00  }
0xd2: {  	[tilespmem:s30], [sflag:$0x1] =	stream.indirect.gather [hbm4b:s1+s29], $0x80, s4, s29, $0xb8;
	[tilespmem:$0x1E080] =	vst v63  }
0xd3: {  	_ = 	snop  }
0xd4: {  	[tilespmem:s0], [sflag:$0x1] =	stream.indirect.gather [hbm4b:s1+s29], $0x80, s31, s29, $0xb8;
	[tilespmem:$0x1E080] =	vst v63  }
0xd5: {  	_ = 	snop  }
0xd6: {  	[tilespmem:s7], [sflag:$0x1] =	stream.indirect.gather [hbm4b:s1+s29], $0x80, s3, s29, $0xb8;
	[tilespmem:$0x1E080] =	vst v63  }
0xd7: {  	_ = 	snop  }
0xd8: {  	[tilespmem:s9], [sflag:$0x1] =	stream.indirect.gather [hbm4b:s1+s29], $0x80, s8, s29, $0xb8;
	[tilespmem:$0x1E080] =	vst v63  }
0xd9: {  	_ =	swait.ge [sflag:s10], $0x2800  }
0xda: {  	[sflag:s10] =	ssyncset.done $0x0  }
0xdb: {  	[sflag:s10] =	ssyncadd.s32 $0xFFFFD800  }
0xdc: {  	[spmem:s2] =	stream.indirect.scatter.add.f32 [tilespmem:s30], [sflag:$0x2], $0x80, s11, s29, $0xb8;
	[tilespmem:$0x1E080] =	vst v63  }
0xdd: {  	_ =	swait.ge [sflag:s10], $0x2800  }
0xde: {  	[sflag:s10] =	ssyncset.done $0x0  }
0xdf: {  	[sflag:s10] =	ssyncadd.s32 $0xFFFFD800  }
0xe0: {  	[spmem:s2] =	stream.indirect.scatter.add.f32 [tilespmem:s0], [sflag:$0x2], $0x80, s12, s29, $0xb8;
	[tilespmem:$0x1E080] =	vst v63  }
0xe1: {  	_ =	swait.ge [sflag:s10], $0x2800  }
0xe2: {  	[sflag:s10] =	ssyncset.done $0x0  }
0xe3: {  	[sflag:s10] =	ssyncadd.s32 $0xFFFFD800  }
0xe4: {  	[spmem:s2] =	stream.indirect.scatter.add.f32 [tilespmem:s7], [sflag:$0x2], $0x80, s13, s29, $0xb8;
	[tilespmem:$0x1E080] =	vst v63  }
0xe5: {  	_ =	swait.ge [sflag:s10], $0x2800  }
0xe6: {  	[sflag:s10] =	ssyncset.done $0x0  }
0xe7: {  	[sflag:s10] =	ssyncadd.s32 $0xFFFFD800  }
0xe8: {  	[spmem:s2] =	stream.indirect.scatter.add.f32 [tilespmem:s9], [sflag:$0x2], $0x80, s14, s29, $0xb8;
	[tilespmem:$0x1E080] =	vst v63  }
0xe9: {  	_ =	swait.ge [sflag:s16], $0x2800  }
0xea: {  	[sflag:s16] =	ssyncset.done $0x0  }
0xeb: {  	[sflag:s16] =	ssyncadd.s32 $0xFFFFD800  }
0xec: {  	_ =	swait.ge [sflag:s16], $0x2800  }
0xed: {  	[sflag:s16] =	ssyncset.done $0x0  }
0xee: {  	[sflag:s16] =	ssyncadd.s32 $0xFFFFD800  }
0xef: {  	_ =	swait.ge [sflag:s16], $0x2800  }
0xf0: {  	[sflag:s16] =	ssyncset.done $0x0  }
0xf1: {  	[sflag:s16] =	ssyncadd.s32 $0xFFFFD800  }
0xf2: {  	_ =	swait.ge [sflag:s16], $0x2800  }
0xf3: {  	s15 =	smov.u32 s25;
	[sflag:s16] =	ssyncset.done $0x0  }
0xf4: {  	s6 =	sadd.s32 s15, s22;
	[sflag:s16] =	ssyncadd.s32 $0xFFFFD800  }
0xf5: {  	[tilespmem:s4], [sflag:$0x3] =	stream.linear.gather [hbm4b:s6+s4], $0x400, $0x38;
	[tilespmem:$0x1E080] =	vst v63  }
0xf6: {  	_ =	swait.ge [sflag:s28], $0x400  }
0xf7: {  	[sflag:s28] =	ssyncset.done $0x0  }
0xf8: {  	[sflag:s28] =	ssyncadd.s32 $0xFFFFFC00  }
0xf9: {  	[tilespmem:s30], [sflag:$0x1] =	stream.indirect.gather [hbm4b:s1+s29], $0x80, s26, s29, $0xb8;
	[tilespmem:$0x1E080] =	vst v63  }
0xfa: {  	_ = 	snop  }
0xfb: {  	[tilespmem:s0], [sflag:$0x1] =	stream.indirect.gather [hbm4b:s1+s29], $0x80, s5, s29, $0xb8;
	[tilespmem:$0x1E080] =	vst v63  }
0xfc: {  	_ = 	snop  }
0xfd: {  	[tilespmem:s7], [sflag:$0x1] =	stream.indirect.gather [hbm4b:s1+s29], $0x80, s17, s29, $0xb8;
	[tilespmem:$0x1E080] =	vst v63  }
0xfe: {  	_ = 	snop  }
0xff: {  	[tilespmem:s9], [sflag:$0x1] =	stream.indirect.gather [hbm4b:s1+s29], $0x80, s18, s29, $0xb8;
	[tilespmem:$0x1E080] =	vst v63  }
0x100: {  	_ =	swait.ge [sflag:s10], $0x2800  }
0x101: {  	[sflag:s10] =	ssyncset.done $0x0  }
0x102: {  	[sflag:s10] =	ssyncadd.s32 $0xFFFFD800  }
0x103: {  	[spmem:s2] =	stream.indirect.scatter.add.f32 [tilespmem:s30], [sflag:$0x2], $0x80, s19, s29, $0xb8;
	[tilespmem:$0x1E080] =	vst v63  }
0x104: {  	_ =	swait.ge [sflag:s10], $0x2800  }
0x105: {  	[sflag:s10] =	ssyncset.done $0x0  }
0x106: {  	[sflag:s10] =	ssyncadd.s32 $0xFFFFD800  }
0x107: {  	[spmem:s2] =	stream.indirect.scatter.add.f32 [tilespmem:s0], [sflag:$0x2], $0x80, s20, s29, $0xb8;
	[tilespmem:$0x1E080] =	vst v63  }
0x108: {  	_ =	swait.ge [sflag:s10], $0x2800  }
0x109: {  	[sflag:s10] =	ssyncset.done $0x0  }
0x10a: {  	[sflag:s10] =	ssyncadd.s32 $0xFFFFD800  }
0x10b: {  	[spmem:s2] =	stream.indirect.scatter.add.f32 [tilespmem:s7], [sflag:$0x2], $0x80, s21, s29, $0xb8;
	[tilespmem:$0x1E080] =	vst v63  }
0x10c: {  	_ =	swait.ge [sflag:s10], $0x2800  }
0x10d: {  	[sflag:s10] =	ssyncset.done $0x0  }
0x10e: {  	[sflag:s10] =	ssyncadd.s32 $0xFFFFD800  }
0x10f: {  	[spmem:s2] =	stream.indirect.scatter.add.f32 [tilespmem:s9], [sflag:$0x2], $0x80, s23, s29, $0xb8;
	[tilespmem:$0x1E080] =	vst v63  }
0x110: {  	_ =	swait.ge [sflag:s16], $0x2800  }
0x111: {  	[sflag:s16] =	ssyncset.done $0x0  }
0x112: {  	[sflag:s16] =	ssyncadd.s32 $0xFFFFD800  }
0x113: {  	_ =	swait.ge [sflag:s16], $0x2800  }
0x114: {  	[sflag:s16] =	ssyncset.done $0x0  }
0x115: {  	[sflag:s16] =	ssyncadd.s32 $0xFFFFD800  }
0x116: {  	p1 =	sne.s32 s25, $0xE00;
	_ =	swait.ge [sflag:s16], $0x2800  }
.Ltmp1:
0x117: {  	[sflag:s16] =	ssyncset.done $0x0;
	(pc) =	sbr.rel @p1 .LBB2_4-.Ltmp1, $4  }
0x118: {  	[sflag:s16] =	ssyncadd.s32 $0xFFFFD800  }
0x119: {  	_ =	swait.ge [sflag:s16], $0x2800  }
0x11a: {  	[sflag:s16] =	ssyncset.done $0x0;
	s6 =	rddreg [dreg:$0x4]  }
0x11b: {  	s25 =	sadd.s32 $0x100, s25;
	[sflag:s16] =	ssyncadd.s32 $0xFFFFD800;
	s6 =	sadd.s32 s15, s6  }
0x11c: {  	[tilespmem:s26], [sflag:$0x3] =	stream.linear.gather [hbm4b:s6+s4], $0x400, $0x38;
	[tilespmem:$0x1E080] =	vst v63  }
0x11d: {  	_ =	swait.ge [sflag:s28], $0x400  }
0x11e: {  	[sflag:s28] =	ssyncset.done $0x0  }
0x11f: {  	[sflag:s28] =	ssyncadd.s32 $0xFFFFFC00  }
0x120: {  	[tilespmem:s30], [sflag:$0x1] =	stream.indirect.gather [hbm4b:s1+s29], $0x80, s4, s29, $0xb8;
	[tilespmem:$0x1E080] =	vst v63  }
0x121: {  	_ = 	snop  }
0x122: {  	[tilespmem:s0], [sflag:$0x1] =	stream.indirect.gather [hbm4b:s1+s29], $0x80, s31, s29, $0xb8;
	[tilespmem:$0x1E080] =	vst v63  }
0x123: {  	_ = 	snop  }
0x124: {  	[tilespmem:s7], [sflag:$0x1] =	stream.indirect.gather [hbm4b:s1+s29], $0x80, s3, s29, $0xb8;
	[tilespmem:$0x1E080] =	vst v63  }
0x125: {  	_ = 	snop  }
0x126: {  	[tilespmem:s9], [sflag:$0x1] =	stream.indirect.gather [hbm4b:s1+s29], $0x80, s8, s29, $0xb8;
	[tilespmem:$0x1E080] =	vst v63  }
0x127: {  	_ =	swait.ge [sflag:s10], $0x2800  }
0x128: {  	[sflag:s10] =	ssyncset.done $0x0  }
0x129: {  	[sflag:s10] =	ssyncadd.s32 $0xFFFFD800  }
0x12a: {  	[spmem:s2] =	stream.indirect.scatter.add.f32 [tilespmem:s30], [sflag:$0x2], $0x80, s11, s29, $0xb8;
	[tilespmem:$0x1E080] =	vst v63  }
0x12b: {  	_ =	swait.ge [sflag:s10], $0x2800  }
0x12c: {  	[sflag:s10] =	ssyncset.done $0x0  }
0x12d: {  	[sflag:s10] =	ssyncadd.s32 $0xFFFFD800  }
0x12e: {  	[spmem:s2] =	stream.indirect.scatter.add.f32 [tilespmem:s0], [sflag:$0x2], $0x80, s12, s29, $0xb8;
	[tilespmem:$0x1E080] =	vst v63  }
0x12f: {  	_ =	swait.ge [sflag:s10], $0x2800  }
0x130: {  	[sflag:s10] =	ssyncset.done $0x0  }
0x131: {  	[sflag:s10] =	ssyncadd.s32 $0xFFFFD800  }
0x132: {  	[spmem:s2] =	stream.indirect.scatter.add.f32 [tilespmem:s7], [sflag:$0x2], $0x80, s13, s29, $0xb8;
	[tilespmem:$0x1E080] =	vst v63  }
0x133: {  	_ =	swait.ge [sflag:s10], $0x2800  }
0x134: {  	[sflag:s10] =	ssyncset.done $0x0  }
0x135: {  	[sflag:s10] =	ssyncadd.s32 $0xFFFFD800  }
0x136: {  	[spmem:s2] =	stream.indirect.scatter.add.f32 [tilespmem:s9], [sflag:$0x2], $0x80, s14, s29, $0xb8;
	[tilespmem:$0x1E080] =	vst v63  }
0x137: {  	_ =	swait.ge [sflag:s16], $0x2800  }
0x138: {  	[sflag:s16] =	ssyncset.done $0x0  }
0x139: {  	[sflag:s16] =	ssyncadd.s32 $0xFFFFD800  }
0x13a: {  	_ =	swait.ge [sflag:s16], $0x2800  }
0x13b: {  	[sflag:s16] =	ssyncset.done $0x0  }
0x13c: {  	[sflag:s16] =	ssyncadd.s32 $0xFFFFD800  }
0x13d: {  	_ =	swait.ge [sflag:s16], $0x2800  }
0x13e: {  	[sflag:s16] =	ssyncset.done $0x0  }
0x13f: {  	[sflag:s16] =	ssyncadd.s32 $0xFFFFD800  }
0x140: {  	_ =	swait.ge [sflag:s16], $0x2800  }
0x141: {  	[sflag:s16] =	ssyncset.done $0x0  }
0x142: {  	[sflag:s16] =	ssyncadd.s32 $0xFFFFD800  }
0x143: {  	_ =	swait.ge [sflag:s28], $0x400  }
0x144: {  	[sflag:s28] =	ssyncset.done $0x0  }
0x145: {  	[sflag:s28] =	ssyncadd.s32 $0xFFFFFC00  }
0x146: {  	[tilespmem:s30], [sflag:$0x1] =	stream.indirect.gather [hbm4b:s1+s29], $0x80, s26, s29, $0xb8;
	[tilespmem:$0x1E080] =	vst v63  }
0x147: {  	_ =	swait.ge [sflag:s10], $0x2800  }
0x148: {  	[sflag:s10] =	ssyncset.done $0x0  }
0x149: {  	[sflag:s10] =	ssyncadd.s32 $0xFFFFD800  }
0x14a: {  	[spmem:s2] =	stream.indirect.scatter.add.f32 [tilespmem:s30], [sflag:$0x2], $0x80, s19, s29, $0xb8;
	[tilespmem:$0x1E080] =	vst v63  }
0x14b: {  	_ =	swait.ge [sflag:s16], $0x2800  }
0x14c: {  	[sflag:s16] =	ssyncset.done $0x0  }
0x14d: {  	[sflag:s16] =	ssyncadd.s32 $0xFFFFD800  }
0x14e: {  	[bflag:$0x0] =	sbarrier.arrive $0xFFFF  }
0x14f: {  	s31 =	rddreg [dreg:$0xf]  }
0x150: {  	s15 =	simm.s32 @p0 $0x1FC4;
	s25 =	rddreg [dreg:$0x17];
	s6 =	sshrl.u32 @p0 s31, $0x3  }
0x151: {  	[hbm:s25], [sflag:s15] =	dma.local @p0 [spmem:s6], $0x2080  }
0x152: {  	s6 =	simm.s32 @p0 $0x4  }
0x153: {  	s15 =	stileid.u32;
	_ =	swait.ge @p0 [sflag:s6], $0x2080  }
0x154: {  	s15 =	sshll.u32 @!p0 s15, $0x6;
	[sflag:s6] =	ssyncset.done @p0 $0x0;
	s25 =	rddreg [dreg:$0x13]  }
0x155: {  	[sflag:s6] =	ssyncadd.s32 @p0 $0xFFFFDF80;
	s6 =	sor.u32 @!p0 $0x1C04, s15;
	s15 =	sshrl.u32 @!p0 s24, $0x3  }
0x156: {  	[hbm:s25], [sflag:s6] =	dma.local @!p0 [spmem:s15], $0x2780  }
0x157: {  	s6 =	simm.s32 @!p0 $0x4  }
0x158: {  	_ =	swait.ge @!p0 [sflag:s6], $0x2780  }
0x159: {  	s24 =	rddreg [dreg:$0x19]  }
0x15a: {  	s31 =	rddreg [dreg:$0x18];
	s25 =	sadd.s32 $0x1, s24  }
0x15b: {  	p1 =	sne.s32 s25, s31  }
.Ltmp2:
0x15c: {  	_ = 	snop;
	(pc) =	sbr.rel @p1 .LBB2_1-.Ltmp2, $3  }
0x15d: {  	_ =	sdelay $0x1  }
0x15e: {  	[sflag:s6] =	ssyncset.done @!p0 $0x0  }
0x15f: {  	[sflag:s6] =	ssyncadd.s32 @!p0 $0xFFFFD880  }
0x160: {  	_ =	sfence.sel $0x180000  }
0x161: {  	[bflag:$0x0] =	sbarrier.arrive $0xFFFF  }
0x162: {  	_ =	strace $0x9000004A  }
0x163: {  	s0 =	stileid.u32;
	[bflag:$0x2] =	sbarrier.arrive $0xFFFF  }
0x164: {  	p0 =	sne.s32 s0, $0x0;
	s0 =	rddreg [dreg:$0x3]  }
0x165: {  	s0 =	sadd.s32 @!p0 $0x100000, s0  }
0x166: {  	[sflag:s0] =	ssyncadd.tile.s32 @!p0 $0x1;
	_ =	shalt  }
.Lfunc_end2:
_tile_overlayer_lowered:
.L_overlay_start_2:
0x167: {  	(tag) =	ssettag $0x2  }
0x168: {  	s0 =	rddreg [dreg:$0x0];
	s2 =	stileid.u32  }
0x169: {  	s1 =	rddreg [dreg:$0x1];
	p0 =	sne.s32 s2, $0x0  }
0x16a: {  	s3 =	rddreg [dreg:$0x2];
	[bflag:$0x3] =	sbarrier.arrive $0xFFFF;
	s2 =	simm.s32 @!p0 $0x1C04  }
0x16b: {  	[timem:s3], [sflag:s2] =	dma.local @!p0 [hbm:s0], s1  }
0x16c: {  	s0 =	simm.s32 @!p0 $0x4  }
0x16d: {  	_ =	swait.ge @!p0 [sflag:s0], s1  }
0x16e: {  	s1 =	ssub.s32 @!p0 $0x0, s1;
	[sflag:s0] =	ssyncset.done @!p0 $0x0  }
0x16f: {  	[sflag:s0] =	ssyncadd.s32 @!p0 s1  }
0x170: {  	[bflag:$0x3] =	sbarrier.arrive $0xFFFF  }
0x171: {  	_ =	shalt  }

</sc_bundles>
